<compile_context>
chip_gen: v7x
topology: tpu7x:2x2x1
jax: 0.10.2.dev20260603
libtpu: 0.0.44.dev20260713+nightly
codegen_flags: <defaults>
</compile_context>

<pallas_src>
import functools

import jax
import jax.numpy as jnp
import numpy as np
from jax import lax
from jax.experimental import pallas as pl
from jax.experimental.pallas import tpu as pltpu
from jax.experimental.pallas import tpu_sc as plsc

NWORK = 32
NBINS = 65536
SENTINEL = np.uint32(0xFFFFFFFF)
_MESH = dict(core_axis_name="c", subcore_axis_name="s", num_cores=2)


def _keys_from_f32(x):
    u = plsc.bitcast(x, jnp.uint32)
    u = jnp.where(u == jnp.uint32(0x80000000), jnp.uint32(0), u)
    neg = u >= jnp.uint32(0x80000000)
    return jnp.where(neg, u, (u ^ SENTINEL) & jnp.uint32(0x7FFFFFFF))


def _zero_hist(hist):
    def z(i, _):
        hist[pl.ds(i * 16, 16)] = jnp.zeros((16,), jnp.int32)
        return 0
    lax.fori_loop(0, NBINS // 16, z, 0)


def _scan_hist(hist, bias):
    def s(i, c):
        v = hist[pl.ds(i * 16, 16)]
        hist[pl.ds(i * 16, 16)] = c + plsc.cumsum(v) - v
        return c + jnp.sum(v)
    lax.fori_loop(0, NBINS // 16, s, bias)


def _scatter_chunks(posb, sem, nchunk, pairs):
    cps = [
        pltpu.async_copy(
            src_ref.at[pl.ds(c * 128, 128)],
            dst_ref.at[posb.at[c]],
            sem,
        )
        for src_ref, dst_ref in pairs
        for c in range(nchunk)
    ]
    for cp in cps:
        cp.wait()


def _build_pass1(rows, n, w):
    npad = -(-n // w) * w
    nwin = npad // w
    vpw = w // 16
    nfull = n // w
    tail = n - nfull * w
    nchunk = w // 128
    rpw = rows // NWORK
    assert rows % NWORK == 0 and w % 128 == 0 and tail % 8 == 0

    def body(x_hbm, keys2, vals2, win_f, posb, tkb, tvb, hist, sem):
        wid = lax.axis_index("s") * 2 + lax.axis_index("c")
        lanes = lax.iota(jnp.int32, 16)
        ones = jnp.ones((16,), jnp.int32)

        def row_loop(j, _):
            r = wid * rpw + j
            rbase = r * npad

            def load_x(w_):
                @pl.when(w_ < nfull)
                def _():
                    pltpu.sync_copy(x_hbm.at[pl.ds(r * n + w_ * w, w)], win_f)
                if tail:
                    @pl.when(w_ == nfull)
                    def _():
                        pltpu.sync_copy(
                            x_hbm.at[pl.ds(r * n + nfull * w, tail)],
                            win_f.at[pl.ds(0, tail)])

            _zero_hist(hist)

            def h_win(w_, _):
                load_x(w_)

                @plsc.parallel_loop(0, vpw, unroll=8)
                def h_v(i):
                    gbase = w_ * w + i * 16
                    valid = (gbase + lanes) < n
                    k = _keys_from_f32(win_f[pl.ds(i * 16, 16)])
                    k = jnp.where(valid, k, SENTINEL)
                    d = (k & jnp.uint32(0xFFFF)).astype(jnp.int32)
                    plsc.addupdate_scatter(hist, [d], ones)
                return 0
            lax.fori_loop(0, nwin, h_win, 0)

            _scan_hist(hist, rbase)

            def p_win(w_, _):
                load_x(w_)

                def p_v(i, _):
                    gbase = w_ * w + i * 16
                    valid = (gbase + lanes) < n
                    k = _keys_from_f32(win_f[pl.ds(i * 16, 16)])
                    k = jnp.where(valid, k, SENTINEL)
                    d = (k & jnp.uint32(0xFFFF)).astype(jnp.int32)
                    cnt, _last = plsc.scan_count(d)
                    base = plsc.load_gather(hist, [d])
                    pos = base + cnt - 1
                    plsc.addupdate_scatter(hist, [d], ones)
                    tkb[pl.ds(i * 16, 16)] = k
                    tvb[pl.ds(i * 16, 16)] = gbase + lanes
                    posb[i // 8, pl.ds((i % 8) * 16, 16)] = pos
                    return 0
                lax.fori_loop(0, vpw, p_v, 0)

                _scatter_chunks(posb, sem, nchunk,
                                [(tkb, keys2), (tvb, vals2)])
                return 0
            lax.fori_loop(0, nwin, p_win, 0)
            return 0

        lax.fori_loop(0, rpw, row_loop, 0)

    return functools.partial(
        pl.kernel,
        mesh=plsc.VectorSubcoreMesh(**_MESH),
        out_type=(
            jax.ShapeDtypeStruct((rows * npad,), jnp.uint32),
            jax.ShapeDtypeStruct((rows * npad,), jnp.int32),
        ),
        scratch_types=[
            pltpu.VMEM((w,), jnp.float32),
            pltpu.VMEM((nchunk, 128), jnp.int32),
            pltpu.VMEM((w,), jnp.uint32),
            pltpu.VMEM((w,), jnp.int32),
            pltpu.VMEM((NBINS,), jnp.int32),
            pltpu.SemaphoreType.DMA,
        ],
        compiler_params=pltpu.CompilerParams(needs_layout_passes=False),
    )(body)


def _build_pass2(rows, n, w):
    npad = -(-n // w) * w
    nwin = npad // w
    vpw = w // 16
    nfull = n // w
    tail = n - nfull * w
    nchunk = w // 128
    rpw = rows // NWORK

    def body(keys2, vals2, finalpad, win_k, win_v, posb, hist, sem):
        wid = lax.axis_index("s") * 2 + lax.axis_index("c")

        ones = jnp.ones((16,), jnp.int32)

        def row_loop(j, _):
            r = wid * rpw + j
            rbase = r * npad

            _zero_hist(hist)

            def h_win(w_, _):
                pltpu.sync_copy(keys2.at[pl.ds(rbase + w_ * w, w)], win_k)

                @plsc.parallel_loop(0, vpw, unroll=8)
                def h_v(i):
                    k = win_k[pl.ds(i * 16, 16)]
                    d = (k >> jnp.uint32(16)).astype(jnp.int32)
                    plsc.addupdate_scatter(hist, [d], ones)
                return 0
            lax.fori_loop(0, nwin, h_win, 0)

            _scan_hist(hist, rbase)

            def p_win(w_, _):
                pltpu.sync_copy(keys2.at[pl.ds(rbase + w_ * w, w)], win_k)
                pltpu.sync_copy(vals2.at[pl.ds(rbase + w_ * w, w)], win_v)

                def p_v(i, _):
                    k = win_k[pl.ds(i * 16, 16)]
                    d = (k >> jnp.uint32(16)).astype(jnp.int32)
                    cnt, _last = plsc.scan_count(d)
                    base = plsc.load_gather(hist, [d])
                    pos = base + cnt - 1
                    plsc.addupdate_scatter(hist, [d], ones)
                    posb[i // 8, pl.ds((i % 8) * 16, 16)] = pos
                    return 0
                lax.fori_loop(0, vpw, p_v, 0)

                _scatter_chunks(posb, sem, nchunk, [(win_v, finalpad)])
                return 0
            lax.fori_loop(0, nwin, p_win, 0)
            return 0

        lax.fori_loop(0, rpw, row_loop, 0)

    return functools.partial(
        pl.kernel,
        mesh=plsc.VectorSubcoreMesh(**_MESH),
        out_type=jax.ShapeDtypeStruct((rows * npad,), jnp.int32),
        scratch_types=[
            pltpu.VMEM((w,), jnp.uint32),
            pltpu.VMEM((w,), jnp.int32),
            pltpu.VMEM((nchunk, 128), jnp.int32),
            pltpu.VMEM((NBINS,), jnp.int32),
            pltpu.SemaphoreType.DMA,
        ],
        compiler_params=pltpu.CompilerParams(needs_layout_passes=False),
    )(body)


def _run(inputs, w=2048):
    rows, n = inputs.shape
    npad = -(-n // w) * w
    keys2, vals2 = _build_pass1(rows, n, w)(inputs.reshape(-1))
    finalpad = _build_pass2(rows, n, w)(keys2, vals2)
    return finalpad.reshape(rows, npad)[:, :n]


@jax.jit
def kernel(inputs):
    return _run(inputs)

# --- scband reference (transcript-rebuilt; emitter-appended) ---
"""Pipeline reference for scband-simple-arg-sort-module-1580547965423 (READ-ONLY COPY).

The authoritative reference and input builder live on the scoring server;
editing this copy changes nothing except your own understanding.
"""

import jax, jax.numpy as jnp
import numpy as np

def setup_inputs(seed: int = 0) -> dict:
    key = jax.random.key(seed)
    inputs = jax.random.normal(key, (128, 100000), dtype=jnp.float32)
    return {"inputs": inputs}

def reference(inputs):
    # torch.argsort(inputs, dim=-1, descending=True)
    # jnp.argsort sorts ascending; negate for descending order.
    return jnp.argsort(-inputs, axis=-1)

if __name__ == "__main__":
    import jax
    _d = setup_inputs()
    print(jax.jit(kernel)(*tuple(_d.values())))

</pallas_src>

<mosaic_0001>
#map = affine_map<(d0, d1) -> (0)>
module attributes {stable_mosaic.version = 14 : i64} {
  func.func @body(%arg0: i32, %arg1: i32, %arg2: memref<12800000xf32, #tpu.memory_space<hbm>>, %arg3: memref<12845056xi32, #tpu.memory_space<hbm>>, %arg4: memref<12845056xi32, #tpu.memory_space<hbm>>, %arg5: memref<2048xf32, #tpu.memory_space<vmem>>, %arg6: memref<16x128xi32, #tpu.memory_space<vmem>>, %arg7: memref<2048xi32, #tpu.memory_space<vmem>>, %arg8: memref<2048xi32, #tpu.memory_space<vmem>>, %arg9: memref<65536xi32, #tpu.memory_space<vmem>>, %arg10: memref<!tpu.dma_semaphore, #tpu.memory_space<semaphore_mem>>) attributes {dimension_semantics = [#tpu.dimension_semantics<core_parallel>, #tpu.dimension_semantics<subcore_parallel>], iteration_bounds = array<i64: 2, 16>, scalar_prefetch = 0 : i64, scratch_operands = 6 : i64, tpu.core_type = #tpu.core_type<sc_vector_subcore>, window_params = [{transform_indices = #map}, {transform_indices = #map}, {transform_indices = #map}]} {
    %mul3A = arith.constant 2 : i32
    %mul3A_0 = arith.muli %arg1, %mul3A : i32
    %add3A = arith.addi %mul3A_0, %arg0 : i32
    %iota3A = tpu.iota {dimensions = array<i32: 0>} : vector<16xi32>
    %broadcast_in_dim3A = arith.constant 1 : i32
    %broadcast_in_dim3A_1 = vector.broadcast %broadcast_in_dim3A : i32 to vector<16xi32>
    %scan3A = arith.constant 0 : i32
    %scan3A_2 = arith.constant 0 : i32
    %scan3A_3 = arith.constant 4 : i32
    %scan3A_4 = arith.addi %scan3A_2, %scan3A_3 : i32
    %scan3A_5 = arith.constant 1 : i32
    %scan3A_6 = scf.for %scan3A_8 = %scan3A_2 to %scan3A_4 step %scan3A_5 iter_args(%scan3A_9 = %scan3A) -> (i32)  : i32 {
      %mul3A_10 = arith.constant 4 : i32
      %mul3A_11 = arith.muli %add3A, %mul3A_10 : i32
      %add3A_12 = arith.addi %mul3A_11, %scan3A_8 : i32
      %mul3A_13 = arith.constant 100352 : i32
      %mul3A_14 = arith.muli %add3A_12, %mul3A_13 : i32
      %scan3A_15 = arith.constant 0 : i32
      %scan3A_16 = arith.constant 0 : i32
      %scan3A_17 = arith.constant 4096 : i32
      %scan3A_18 = arith.addi %scan3A_16, %scan3A_17 : i32
      %scan3A_19 = arith.constant 1 : i32
      %scan3A_20 = scf.for %scan3A_43 = %scan3A_16 to %scan3A_18 step %scan3A_19 iter_args(%scan3A_44 = %scan3A_15) -> (i32)  : i32 {
        %broadcast_in_dim3A_45 = arith.constant 0 : i32
        %broadcast_in_dim3A_46 = vector.broadcast %broadcast_in_dim3A_45 : i32 to vector<16xi32>
        %mul3A_47 = arith.constant 16 : i32
        %mul3A_48 = arith.muli %scan3A_43, %mul3A_47 : i32
        %swap3A = arith.index_cast %mul3A_48 : i32 to index
        %swap3A_49 = tpu.vector_load %arg9[%swap3A] {strides = array<i32>} : memref<65536xi32, #tpu.memory_space<vmem>>, vector<16xi32>,
        tpu.vector_store %arg9[%swap3A], %broadcast_in_dim3A_46 {strides = array<i32>} : memref<65536xi32, #tpu.memory_space<vmem>>, vector<16xi32>,
        %scan3A_50 = arith.constant 0 : i32
        scf.yield %scan3A_50 : i32
      }
      %scan3A_21 = arith.constant 4096 : i32
      %scan3A_22 = arith.constant 0 : i32
      %scan3A_23 = arith.constant 0 : i32
      %scan3A_24 = arith.constant 49 : i32
      %scan3A_25 = arith.addi %scan3A_23, %scan3A_24 : i32
      %scan3A_26 = arith.constant 1 : i32
      %scan3A_27 = scf.for %scan3A_43 = %scan3A_23 to %scan3A_25 step %scan3A_26 iter_args(%scan3A_44 = %scan3A_22) -> (i32)  : i32 {
        %lt3A = arith.constant 48 : i32
        %lt3A_45 = arith.cmpi slt, %scan3A_43, %lt3A : i32
        %convert_element_type3A = arith.extui %lt3A_45 : i1 to i32
        %cond3A = arith.constant 0 : i32
        %cond3A_46 = arith.cmpi ne, %convert_element_type3A, %cond3A : i32
        scf.if %cond3A_46 {
          %mul3A_54 = arith.constant 100000 : i32
          %mul3A_55 = arith.muli %add3A_12, %mul3A_54 : i32
          %mul3A_56 = arith.constant 2048 : i32
          %mul3A_57 = arith.muli %scan3A_43, %mul3A_56 : i32
          %add3A_58 = arith.addi %mul3A_55, %mul3A_57 : i32
          "tpu.region"() ({
            %run_scoped3A = tpu.sem_alloc : memref<!tpu.dma_semaphore, #tpu.memory_space<semaphore_mem>>
            %dma_start3A = tpu.memref_slice %arg2[%add3A_58] : memref<12800000xf32, #tpu.memory_space<hbm>> -> memref<2048xf32, #tpu.memory_space<hbm>>
            %dma_start3A_59 = tpu.memref_slice %arg2[%add3A_58] : memref<12800000xf32, #tpu.memory_space<hbm>> -> memref<2048xf32, #tpu.memory_space<hbm>>
            tpu.enqueue_dma source(%dma_start3A_59 : memref<2048xf32, #tpu.memory_space<hbm>>) target(%arg5 : memref<2048xf32, #tpu.memory_space<vmem>>) target_semaphore(%run_scoped3A : memref<!tpu.dma_semaphore, #tpu.memory_space<semaphore_mem>>)
            %dma_wait3A = tpu.memref_slice %arg2[%add3A_58] : memref<12800000xf32, #tpu.memory_space<hbm>> -> memref<2048xf32, #tpu.memory_space<hbm>>
            %dma_wait3A_60 = tpu.memref_slice %arg2[%add3A_58] : memref<12800000xf32, #tpu.memory_space<hbm>> -> memref<2048xf32, #tpu.memory_space<hbm>>
            tpu.wait_dma2 semaphore(%run_scoped3A : memref<!tpu.dma_semaphore, #tpu.memory_space<semaphore_mem>>) src(%dma_wait3A_60 : memref<2048xf32, #tpu.memory_space<hbm>>) dst(%arg5 : memref<2048xf32, #tpu.memory_space<vmem>>)
            tpu.yield
          }) : () -> ()
        } else {
        }
        %eq3A = arith.constant 48 : i32
        %eq3A_47 = arith.cmpi eq, %scan3A_43, %eq3A : i32
        %convert_element_type3A_48 = arith.extui %eq3A_47 : i1 to i32
        %cond3A_49 = arith.constant 0 : i32
        %cond3A_50 = arith.cmpi ne, %convert_element_type3A_48, %cond3A_49 : i32
        scf.if %cond3A_50 {
          %mul3A_54 = arith.constant 100000 : i32
          %mul3A_55 = arith.muli %add3A_12, %mul3A_54 : i32
          %add3A_56 = arith.constant 98304 : i32
          %add3A_57 = arith.addi %mul3A_55, %add3A_56 : i32
          "tpu.region"() ({
            %run_scoped3A = tpu.sem_alloc : memref<!tpu.dma_semaphore, #tpu.memory_space<semaphore_mem>>
            %dma_start3A = arith.constant 0 : i32
            %dma_start3A_58 = tpu.memref_slice %arg5[%dma_start3A] : memref<2048xf32, #tpu.memory_space<vmem>> -> memref<1696xf32, #tpu.memory_space<vmem>>
            %dma_start3A_59 = tpu.memref_slice %arg2[%add3A_57] : memref<12800000xf32, #tpu.memory_space<hbm>> -> memref<1696xf32, #tpu.memory_space<hbm>>
            %dma_start3A_60 = arith.constant 0 : i32
            %dma_start3A_61 = tpu.memref_slice %arg5[%dma_start3A_60] : memref<2048xf32, #tpu.memory_space<vmem>> -> memref<1696xf32, #tpu.memory_space<vmem>>
            %dma_start3A_62 = tpu.memref_slice %arg2[%add3A_57] : memref<12800000xf32, #tpu.memory_space<hbm>> -> memref<1696xf32, #tpu.memory_space<hbm>>
            tpu.enqueue_dma source(%dma_start3A_62 : memref<1696xf32, #tpu.memory_space<hbm>>) target(%dma_start3A_61 : memref<1696xf32, #tpu.memory_space<vmem>>) target_semaphore(%run_scoped3A : memref<!tpu.dma_semaphore, #tpu.memory_space<semaphore_mem>>)
            %dma_wait3A = arith.constant 0 : i32
            %dma_wait3A_63 = tpu.memref_slice %arg5[%dma_wait3A] : memref<2048xf32, #tpu.memory_space<vmem>> -> memref<1696xf32, #tpu.memory_space<vmem>>
            %dma_wait3A_64 = tpu.memref_slice %arg2[%add3A_57] : memref<12800000xf32, #tpu.memory_space<hbm>> -> memref<1696xf32, #tpu.memory_space<hbm>>
            %dma_wait3A_65 = arith.constant 0 : i32
            %dma_wait3A_66 = tpu.memref_slice %arg5[%dma_wait3A_65] : memref<2048xf32, #tpu.memory_space<vmem>> -> memref<1696xf32, #tpu.memory_space<vmem>>
            %dma_wait3A_67 = tpu.memref_slice %arg2[%add3A_57] : memref<12800000xf32, #tpu.memory_space<hbm>> -> memref<1696xf32, #tpu.memory_space<hbm>>
            tpu.wait_dma2 semaphore(%run_scoped3A : memref<!tpu.dma_semaphore, #tpu.memory_space<semaphore_mem>>) src(%dma_wait3A_67 : memref<1696xf32, #tpu.memory_space<hbm>>) dst(%dma_wait3A_66 : memref<1696xf32, #tpu.memory_space<vmem>>)
            tpu.yield
          }) : () -> ()
        } else {
        }
        %parallel_loop3A = arith.constant 0 : i32
        %parallel_loop3A_51 = arith.constant 128 : i32
        %parallel_loop3A_52 = arith.constant 1 : i32
        scf.for %parallel_loop3A_54 = %parallel_loop3A to %parallel_loop3A_51 step %parallel_loop3A_52  : i32 {
          %parallel_loop3A_55 = arith.constant 2048 : i32
          %parallel_loop3A_56 = arith.muli %scan3A_43, %parallel_loop3A_55 : i32
          %parallel_loop3A_57 = arith.constant 16 : i32
          %parallel_loop3A_58 = arith.muli %parallel_loop3A_54, %parallel_loop3A_57 : i32
          %parallel_loop3A_59 = arith.addi %parallel_loop3A_56, %parallel_loop3A_58 : i32
          %parallel_loop3A_60 = vector.broadcast %parallel_loop3A_59 : i32 to vector<16xi32>
          %parallel_loop3A_61 = arith.addi %parallel_loop3A_60, %iota3A : vector<16xi32>
          %parallel_loop3A_62 = arith.constant 100000 : i32
          %parallel_loop3A_63 = vector.broadcast %parallel_loop3A_62 : i32 to vector<16xi32>
          %parallel_loop3A_64 = arith.cmpi slt, %parallel_loop3A_61, %parallel_loop3A_63 : vector<16xi32>
          %parallel_loop3A_65 = arith.constant 16 : i32
          %parallel_loop3A_66 = arith.muli %parallel_loop3A_54, %parallel_loop3A_65 : i32
          %parallel_loop3A_67 = arith.index_cast %parallel_loop3A_66 : i32 to index
          %parallel_loop3A_68 = tpu.vector_load %arg5[%parallel_loop3A_67] {strides = array<i32>} : memref<2048xf32, #tpu.memory_space<vmem>>, vector<16xf32>,
          %parallel_loop3A_69 = vector.bitcast %parallel_loop3A_68 : vector<16xf32> to vector<16xi32>
          %parallel_loop3A_70 = arith.constant -2147483648 : i32
          %parallel_loop3A_71 = vector.broadcast %parallel_loop3A_70 : i32 to vector<16xi32>
          %parallel_loop3A_72 = arith.cmpi eq, %parallel_loop3A_69, %parallel_loop3A_71 : vector<16xi32>
          %parallel_loop3A_73 = arith.constant 0 : i32
          %parallel_loop3A_74 = vector.broadcast %parallel_loop3A_73 : i32 to vector<16xi32>
          %parallel_loop3A_75 = arith.select %parallel_loop3A_72, %parallel_loop3A_74, %parallel_loop3A_69 : vector<16xi1>, vector<16xi32>
          %parallel_loop3A_76 = arith.constant -2147483648 : i32
          %parallel_loop3A_77 = vector.broadcast %parallel_loop3A_76 : i32 to vector<16xi32>
          %parallel_loop3A_78 = arith.cmpi uge, %parallel_loop3A_75, %parallel_loop3A_77 : vector<16xi32>
          %parallel_loop3A_79 = arith.constant -1 : i32
          %parallel_loop3A_80 = vector.broadcast %parallel_loop3A_79 : i32 to vector<16xi32>
          %parallel_loop3A_81 = arith.xori %parallel_loop3A_75, %parallel_loop3A_80 : vector<16xi32>
          %parallel_loop3A_82 = arith.constant 2147483647 : i32
          %parallel_loop3A_83 = vector.broadcast %parallel_loop3A_82 : i32 to vector<16xi32>
          %parallel_loop3A_84 = arith.andi %parallel_loop3A_81, %parallel_loop3A_83 : vector<16xi32>
          %parallel_loop3A_85 = arith.select %parallel_loop3A_78, %parallel_loop3A_75, %parallel_loop3A_84 : vector<16xi1>, vector<16xi32>
          %parallel_loop3A_86 = arith.constant -1 : i32
          %parallel_loop3A_87 = vector.broadcast %parallel_loop3A_86 : i32 to vector<16xi32>
          %parallel_loop3A_88 = arith.select %parallel_loop3A_64, %parallel_loop3A_85, %parallel_loop3A_87 : vector<16xi1>, vector<16xi32>
          %parallel_loop3A_89 = arith.constant 65535 : i32
          %parallel_loop3A_90 = vector.broadcast %parallel_loop3A_89 : i32 to vector<16xi32>
          %parallel_loop3A_91 = arith.andi %parallel_loop3A_88, %parallel_loop3A_90 : vector<16xi32>
          tpu.vector_store_idx %arg9[%parallel_loop3A_91], %broadcast_in_dim3A_1 {add = true} : memref<65536xi32, #tpu.memory_space<vmem>>[vector<16xi32>], vector<16xi32>,
        } {sc.loop_unroll_factor = 8 : i64, sc.parallel_access}
        %scan3A_53 = arith.constant 0 : i32
        scf.yield %scan3A_53 : i32
      }
      %scan3A_28 = arith.constant 49 : i32
      %scan3A_29 = arith.constant 0 : i32
      %scan3A_30 = arith.constant 4096 : i32
      %scan3A_31 = arith.addi %scan3A_29, %scan3A_30 : i32
      %scan3A_32 = arith.constant 1 : i32
      %scan3A_33 = scf.for %scan3A_43 = %scan3A_29 to %scan3A_31 step %scan3A_32 iter_args(%scan3A_44 = %mul3A_14) -> (i32)  : i32 {
        %mul3A_45 = arith.constant 16 : i32
        %mul3A_46 = arith.muli %scan3A_43, %mul3A_45 : i32
        %get3A = arith.index_cast %mul3A_46 : i32 to index
        %get3A_47 = tpu.vector_load %arg9[%get3A] {strides = array<i32>} : memref<65536xi32, #tpu.memory_space<vmem>>, vector<16xi32>,
        %broadcast_in_dim3A_48 = arith.constant true
        %broadcast_in_dim3A_49 = vector.broadcast %broadcast_in_dim3A_48 : i1 to vector<16xi1>
        %masked_cumsum3A = tpu.scan <sum>, %get3A_47 masked %broadcast_in_dim3A_49 : vector<16xi32>, vector<16xi1> -> vector<16xi32>
        %add3A_50 = vector.broadcast %scan3A_44 : i32 to vector<16xi32>
        %add3A_51 = arith.addi %add3A_50, %masked_cumsum3A : vector<16xi32>
        %sub3A = arith.subi %add3A_51, %get3A_47 : vector<16xi32>
        %mul3A_52 = arith.constant 16 : i32
        %mul3A_53 = arith.muli %scan3A_43, %mul3A_52 : i32
        %swap3A = arith.index_cast %mul3A_53 : i32 to index
        %swap3A_54 = tpu.vector_load %arg9[%swap3A] {strides = array<i32>} : memref<65536xi32, #tpu.memory_space<vmem>>, vector<16xi32>,
        tpu.vector_store %arg9[%swap3A], %sub3A {strides = array<i32>} : memref<65536xi32, #tpu.memory_space<vmem>>, vector<16xi32>,
        %reduce_sum3A = arith.constant true
        %reduce_sum3A_55 = vector.broadcast %reduce_sum3A : i1 to vector<16xi1>
        %reduce_sum3A_56 = tpu.scan <sum>, %get3A_47 masked %reduce_sum3A_55 : vector<16xi32>, vector<16xi1> -> vector<16xi32>
        %reduce_sum3A_57 = vector.extract %reduce_sum3A_56[15] : i32 from vector<16xi32>
        %add3A_58 = arith.addi %scan3A_44, %reduce_sum3A_57 : i32
        scf.yield %add3A_58 : i32
      }
      %scan3A_34 = arith.constant 4096 : i32
      %scan3A_35 = arith.constant 0 : i32
      %scan3A_36 = arith.constant 0 : i32
      %scan3A_37 = arith.constant 49 : i32
      %scan3A_38 = arith.addi %scan3A_36, %scan3A_37 : i32
      %scan3A_39 = arith.constant 1 : i32
      %scan3A_40 = scf.for %scan3A_43 = %scan3A_36 to %scan3A_38 step %scan3A_39 iter_args(%scan3A_44 = %scan3A_35) -> (i32)  : i32 {
        %lt3A = arith.constant 48 : i32
        %lt3A_45 = arith.cmpi slt, %scan3A_43, %lt3A : i32
        %convert_element_type3A = arith.extui %lt3A_45 : i1 to i32
        %cond3A = arith.constant 0 : i32
        %cond3A_46 = arith.cmpi ne, %convert_element_type3A, %cond3A : i32
        scf.if %cond3A_46 {
          %mul3A_569 = arith.constant 100000 : i32
          %mul3A_570 = arith.muli %add3A_12, %mul3A_569 : i32
          %mul3A_571 = arith.constant 2048 : i32
          %mul3A_572 = arith.muli %scan3A_43, %mul3A_571 : i32
          %add3A_573 = arith.addi %mul3A_570, %mul3A_572 : i32
          "tpu.region"() ({
            %run_scoped3A = tpu.sem_alloc : memref<!tpu.dma_semaphore, #tpu.memory_space<semaphore_mem>>
            %dma_start3A_574 = tpu.memref_slice %arg2[%add3A_573] : memref<12800000xf32, #tpu.memory_space<hbm>> -> memref<2048xf32, #tpu.memory_space<hbm>>
            %dma_start3A_575 = tpu.memref_slice %arg2[%add3A_573] : memref<12800000xf32, #tpu.memory_space<hbm>> -> memref<2048xf32, #tpu.memory_space<hbm>>
            tpu.enqueue_dma source(%dma_start3A_575 : memref<2048xf32, #tpu.memory_space<hbm>>) target(%arg5 : memref<2048xf32, #tpu.memory_space<vmem>>) target_semaphore(%run_scoped3A : memref<!tpu.dma_semaphore, #tpu.memory_space<semaphore_mem>>)
            %dma_wait3A_576 = tpu.memref_slice %arg2[%add3A_573] : memref<12800000xf32, #tpu.memory_space<hbm>> -> memref<2048xf32, #tpu.memory_space<hbm>>
            %dma_wait3A_577 = tpu.memref_slice %arg2[%add3A_573] : memref<12800000xf32, #tpu.memory_space<hbm>> -> memref<2048xf32, #tpu.memory_space<hbm>>
            tpu.wait_dma2 semaphore(%run_scoped3A : memref<!tpu.dma_semaphore, #tpu.memory_space<semaphore_mem>>) src(%dma_wait3A_577 : memref<2048xf32, #tpu.memory_space<hbm>>) dst(%arg5 : memref<2048xf32, #tpu.memory_space<vmem>>)
            tpu.yield
          }) : () -> ()
        } else {
        }
        %eq3A = arith.constant 48 : i32
        %eq3A_47 = arith.cmpi eq, %scan3A_43, %eq3A : i32
        %convert_element_type3A_48 = arith.extui %eq3A_47 : i1 to i32
        %cond3A_49 = arith.constant 0 : i32
        %cond3A_50 = arith.cmpi ne, %convert_element_type3A_48, %cond3A_49 : i32
        scf.if %cond3A_50 {
          %mul3A_569 = arith.constant 100000 : i32
          %mul3A_570 = arith.muli %add3A_12, %mul3A_569 : i32
          %add3A_571 = arith.constant 98304 : i32
          %add3A_572 = arith.addi %mul3A_570, %add3A_571 : i32
          "tpu.region"() ({
            %run_scoped3A = tpu.sem_alloc : memref<!tpu.dma_semaphore, #tpu.memory_space<semaphore_mem>>
            %dma_start3A_573 = arith.constant 0 : i32
            %dma_start3A_574 = tpu.memref_slice %arg5[%dma_start3A_573] : memref<2048xf32, #tpu.memory_space<vmem>> -> memref<1696xf32, #tpu.memory_space<vmem>>
            %dma_start3A_575 = tpu.memref_slice %arg2[%add3A_572] : memref<12800000xf32, #tpu.memory_space<hbm>> -> memref<1696xf32, #tpu.memory_space<hbm>>
            %dma_start3A_576 = arith.constant 0 : i32
            %dma_start3A_577 = tpu.memref_slice %arg5[%dma_start3A_576] : memref<2048xf32, #tpu.memory_space<vmem>> -> memref<1696xf32, #tpu.memory_space<vmem>>
            %dma_start3A_578 = tpu.memref_slice %arg2[%add3A_572] : memref<12800000xf32, #tpu.memory_space<hbm>> -> memref<1696xf32, #tpu.memory_space<hbm>>
            tpu.enqueue_dma source(%dma_start3A_578 : memref<1696xf32, #tpu.memory_space<hbm>>) target(%dma_start3A_577 : memref<1696xf32, #tpu.memory_space<vmem>>) target_semaphore(%run_scoped3A : memref<!tpu.dma_semaphore, #tpu.memory_space<semaphore_mem>>)
            %dma_wait3A_579 = arith.constant 0 : i32
            %dma_wait3A_580 = tpu.memref_slice %arg5[%dma_wait3A_579] : memref<2048xf32, #tpu.memory_space<vmem>> -> memref<1696xf32, #tpu.memory_space<vmem>>
            %dma_wait3A_581 = tpu.memref_slice %arg2[%add3A_572] : memref<12800000xf32, #tpu.memory_space<hbm>> -> memref<1696xf32, #tpu.memory_space<hbm>>
            %dma_wait3A_582 = arith.constant 0 : i32
            %dma_wait3A_583 = tpu.memref_slice %arg5[%dma_wait3A_582] : memref<2048xf32, #tpu.memory_space<vmem>> -> memref<1696xf32, #tpu.memory_space<vmem>>
            %dma_wait3A_584 = tpu.memref_slice %arg2[%add3A_572] : memref<12800000xf32, #tpu.memory_space<hbm>> -> memref<1696xf32, #tpu.memory_space<hbm>>
            tpu.wait_dma2 semaphore(%run_scoped3A : memref<!tpu.dma_semaphore, #tpu.memory_space<semaphore_mem>>) src(%dma_wait3A_584 : memref<1696xf32, #tpu.memory_space<hbm>>) dst(%dma_wait3A_583 : memref<1696xf32, #tpu.memory_space<vmem>>)
            tpu.yield
          }) : () -> ()
        } else {
        }
        %scan3A_51 = arith.constant 0 : i32
        %scan3A_52 = arith.constant 0 : i32
        %scan3A_53 = arith.constant 128 : i32
        %scan3A_54 = arith.addi %scan3A_52, %scan3A_53 : i32
        %scan3A_55 = arith.constant 1 : i32
        %scan3A_56 = scf.for %scan3A_569 = %scan3A_52 to %scan3A_54 step %scan3A_55 iter_args(%scan3A_570 = %scan3A_51) -> (i32)  : i32 {
          %mul3A_571 = arith.constant 2048 : i32
          %mul3A_572 = arith.muli %scan3A_43, %mul3A_571 : i32
          %mul3A_573 = arith.constant 16 : i32
          %mul3A_574 = arith.muli %scan3A_569, %mul3A_573 : i32
          %add3A_575 = arith.addi %mul3A_572, %mul3A_574 : i32
          %add3A_576 = vector.broadcast %add3A_575 : i32 to vector<16xi32>
          %add3A_577 = arith.addi %add3A_576, %iota3A : vector<16xi32>
          %lt3A_578 = arith.constant 100000 : i32
          %lt3A_579 = vector.broadcast %lt3A_578 : i32 to vector<16xi32>
          %lt3A_580 = arith.cmpi slt, %add3A_577, %lt3A_579 : vector<16xi32>
          %mul3A_581 = arith.constant 16 : i32
          %mul3A_582 = arith.muli %scan3A_569, %mul3A_581 : i32
          %get3A = arith.index_cast %mul3A_582 : i32 to index
          %get3A_583 = tpu.vector_load %arg5[%get3A] {strides = array<i32>} : memref<2048xf32, #tpu.memory_space<vmem>>, vector<16xf32>,
          %bitcast3A = vector.bitcast %get3A_583 : vector<16xf32> to vector<16xi32>
          %eq3A_584 = arith.constant -2147483648 : i32
          %eq3A_585 = vector.broadcast %eq3A_584 : i32 to vector<16xi32>
          %eq3A_586 = arith.cmpi eq, %bitcast3A, %eq3A_585 : vector<16xi32>
          %jit3A = arith.constant 0 : i32
          %broadcast_in_dim3A_587 = vector.broadcast %jit3A : i32 to vector<16xi32>
          %select_n3A = arith.select %eq3A_586, %broadcast_in_dim3A_587, %bitcast3A : vector<16xi1>, vector<16xi32>
          %ge3A = arith.constant -2147483648 : i32
          %ge3A_588 = vector.broadcast %ge3A : i32 to vector<16xi32>
          %ge3A_589 = arith.cmpi uge, %select_n3A, %ge3A_588 : vector<16xi32>
          %xor3A = arith.constant -1 : i32
          %xor3A_590 = vector.broadcast %xor3A : i32 to vector<16xi32>
          %xor3A_591 = arith.xori %select_n3A, %xor3A_590 : vector<16xi32>
          %and3A = arith.constant 2147483647 : i32
          %and3A_592 = vector.broadcast %and3A : i32 to vector<16xi32>
          %and3A_593 = arith.andi %xor3A_591, %and3A_592 : vector<16xi32>
          %select_n3A_594 = arith.select %ge3A_589, %select_n3A, %and3A_593 : vector<16xi1>, vector<16xi32>
          %jit3A_595 = arith.constant -1 : i32
          %broadcast_in_dim3A_596 = vector.broadcast %jit3A_595 : i32 to vector<16xi32>
          %select_n3A_597 = arith.select %lt3A_580, %select_n3A_594, %broadcast_in_dim3A_596 : vector<16xi1>, vector<16xi32>
          %and3A_598 = arith.constant 65535 : i32
          %and3A_599 = vector.broadcast %and3A_598 : i32 to vector<16xi32>
          %and3A_600 = arith.andi %select_n3A_597, %and3A_599 : vector<16xi32>
          %broadcast_in_dim3A_601 = arith.constant true
          %broadcast_in_dim3A_602 = vector.broadcast %broadcast_in_dim3A_601 : i1 to vector<16xi1>
          %unique3A, %unique3A_603 = tpu.scan_count mask(%broadcast_in_dim3A_602 : vector<16xi1>) value(%and3A_600 : vector<16xi32>) : vector<16xi1>, vector<16xi32>
          %gather3A = tpu.vector_load_idx %arg9[%and3A_600] : memref<65536xi32, #tpu.memory_space<vmem>>[vector<16xi32>], vector<16xi32>,
          %add3A_604 = arith.addi %gather3A, %unique3A_603 : vector<16xi32>
          %sub3A = arith.constant 1 : i32
          %sub3A_605 = vector.broadcast %sub3A : i32 to vector<16xi32>
          %sub3A_606 = arith.subi %add3A_604, %sub3A_605 : vector<16xi32>
          tpu.vector_store_idx %arg9[%and3A_600], %broadcast_in_dim3A_1 {add = true} : memref<65536xi32, #tpu.memory_space<vmem>>[vector<16xi32>], vector<16xi32>,
          %mul3A_607 = arith.constant 16 : i32
          %mul3A_608 = arith.muli %scan3A_569, %mul3A_607 : i32
          %swap3A = arith.index_cast %mul3A_608 : i32 to index
          %swap3A_609 = tpu.vector_load %arg7[%swap3A] {strides = array<i32>} : memref<2048xi32, #tpu.memory_space<vmem>>, vector<16xi32>,
          tpu.vector_store %arg7[%swap3A], %select_n3A_597 {strides = array<i32>} : memref<2048xi32, #tpu.memory_space<vmem>>, vector<16xi32>,
          %add3A_610 = vector.broadcast %add3A_575 : i32 to vector<16xi32>
          %add3A_611 = arith.addi %add3A_610, %iota3A : vector<16xi32>
          %mul3A_612 = arith.constant 16 : i32
          %mul3A_613 = arith.muli %scan3A_569, %mul3A_612 : i32
          %swap3A_614 = arith.index_cast %mul3A_613 : i32 to index
          %swap3A_615 = tpu.vector_load %arg8[%swap3A_614] {strides = array<i32>} : memref<2048xi32, #tpu.memory_space<vmem>>, vector<16xi32>,
          tpu.vector_store %arg8[%swap3A_614], %add3A_611 {strides = array<i32>} : memref<2048xi32, #tpu.memory_space<vmem>>, vector<16xi32>,
          %jit3A_616 = arith.constant 8 : i32
          %div3A = arith.divsi %scan3A_569, %jit3A_616 : i32
          %sign3A = arith.constant 0 : i32
          %sign3A_617 = arith.cmpi sgt, %scan3A_569, %sign3A : i32
          %sign3A_618 = arith.extui %sign3A_617 : i1 to i32
          %sign3A_619 = arith.constant 0 : i32
          %sign3A_620 = arith.cmpi slt, %scan3A_569, %sign3A_619 : i32
          %sign3A_621 = arith.extui %sign3A_620 : i1 to i32
          %sign3A_622 = arith.subi %sign3A_618, %sign3A_621 : i32
          %sign3A_623 = arith.constant 0 : i32
          %sign3A_624 = arith.cmpi sgt, %jit3A_616, %sign3A_623 : i32
          %sign3A_625 = arith.extui %sign3A_624 : i1 to i32
          %sign3A_626 = arith.constant 0 : i32
          %sign3A_627 = arith.cmpi slt, %jit3A_616, %sign3A_626 : i32
          %sign3A_628 = arith.extui %sign3A_627 : i1 to i32
          %sign3A_629 = arith.subi %sign3A_625, %sign3A_628 : i32
          %ne3A = arith.cmpi ne, %sign3A_622, %sign3A_629 : i32
          %rem3A = arith.remsi %scan3A_569, %jit3A_616 : i32
          %ne3A_630 = arith.constant 0 : i32
          %ne3A_631 = arith.cmpi ne, %rem3A, %ne3A_630 : i32
          %and3A_632 = arith.andi %ne3A, %ne3A_631 : i1
          %sub3A_633 = arith.constant 1 : i32
          %sub3A_634 = arith.subi %div3A, %sub3A_633 : i32
          %select_n3A_635 = arith.select %and3A_632, %sub3A_634, %div3A : i32
          %jit3A_636 = arith.constant 8 : i32
          %eq3A_637 = arith.constant 0 : i32
          %eq3A_638 = arith.cmpi eq, %jit3A_636, %eq3A_637 : i32
          %jit3A_639 = arith.constant 1 : i32
          %select_n3A_640 = arith.select %eq3A_638, %jit3A_639, %jit3A_636 : i32
          %rem3A_641 = arith.remsi %scan3A_569, %select_n3A_640 : i32
          %ne3A_642 = arith.constant 0 : i32
          %ne3A_643 = arith.cmpi ne, %rem3A_641, %ne3A_642 : i32
          %lt3A_644 = arith.constant 0 : i32
          %lt3A_645 = arith.cmpi slt, %rem3A_641, %lt3A_644 : i32
          %lt3A_646 = arith.constant 0 : i32
          %lt3A_647 = arith.cmpi slt, %select_n3A_640, %lt3A_646 : i32
          %ne3A_648 = arith.xori %lt3A_645, %lt3A_647 : i1
          %and3A_649 = arith.andi %ne3A_648, %ne3A_643 : i1
          %add3A_650 = arith.addi %rem3A_641, %select_n3A_640 : i32
          %select_n3A_651 = arith.select %and3A_649, %add3A_650, %rem3A_641 : i32
          %mul3A_652 = arith.constant 16 : i32
          %mul3A_653 = arith.muli %select_n3A_651, %mul3A_652 : i32
          %swap3A_654 = arith.index_cast %select_n3A_635 : i32 to index
          %swap3A_655 = arith.index_cast %mul3A_653 : i32 to index
          %swap3A_656 = tpu.vector_load %arg6[%swap3A_654, %swap3A_655] {strides = array<i32>} : memref<16x128xi32, #tpu.memory_space<vmem>>, vector<16xi32>,
          tpu.vector_store %arg6[%swap3A_654, %swap3A_655], %sub3A_606 {strides = array<i32>} : memref<16x128xi32, #tpu.memory_space<vmem>>, vector<16xi32>,
          %scan3A_657 = arith.constant 0 : i32
          scf.yield %scan3A_657 : i32
        }
        %scan3A_57 = arith.constant 128 : i32
        %dma_start3A = arith.constant 0 : i32
        %dma_start3A_58 = arith.constant 0 : i32
        %dma_start3A_59 = tpu.memref_slice %arg7[%dma_start3A_58] : memref<2048xi32, #tpu.memory_space<vmem>> -> memref<128xi32, #tpu.memory_space<vmem>>
        %dma_start3A_60 = arith.constant 0 : i32
        %dma_start3A_61 = tpu.memref_slice %arg6[%dma_start3A, %dma_start3A_60] : memref<16x128xi32, #tpu.memory_space<vmem>> -> memref<1x128xi32, #tpu.memory_space<vmem>>
        %dma_start3A_62 = tpu.memref_squeeze %dma_start3A_61 : memref<1x128xi32, #tpu.memory_space<vmem>> -> memref<128xi32, #tpu.memory_space<vmem>>
        %dma_start3A_63 = arith.constant 0 : i32
        %dma_start3A_64 = tpu.memref_slice %arg3[%dma_start3A_63] : memref<12845056xi32, #tpu.memory_space<hbm>> -> memref<12845056xi32, #tpu.memory_space<hbm>>
        tpu.enqueue_indirect_dma source(%dma_start3A_59 : memref<128xi32, #tpu.memory_space<vmem>>) target(%dma_start3A_64 : memref<12845056xi32, #tpu.memory_space<hbm>>) offsets(%dma_start3A_62 : memref<128xi32, #tpu.memory_space<vmem>>) semaphore(%arg10 : memref<!tpu.dma_semaphore, #tpu.memory_space<semaphore_mem>>)
        %dma_start3A_65 = arith.constant 1 : i32
        %dma_start3A_66 = arith.constant 128 : i32
        %dma_start3A_67 = tpu.memref_slice %arg7[%dma_start3A_66] : memref<2048xi32, #tpu.memory_space<vmem>> -> memref<128xi32, #tpu.memory_space<vmem>>
        %dma_start3A_68 = arith.constant 0 : i32
        %dma_start3A_69 = tpu.memref_slice %arg6[%dma_start3A_65, %dma_start3A_68] : memref<16x128xi32, #tpu.memory_space<vmem>> -> memref<1x128xi32, #tpu.memory_space<vmem>>
        %dma_start3A_70 = tpu.memref_squeeze %dma_start3A_69 : memref<1x128xi32, #tpu.memory_space<vmem>> -> memref<128xi32, #tpu.memory_space<vmem>>
        %dma_start3A_71 = arith.constant 0 : i32
        %dma_start3A_72 = tpu.memref_slice %arg3[%dma_start3A_71] : memref<12845056xi32, #tpu.memory_space<hbm>> -> memref<12845056xi32, #tpu.memory_space<hbm>>
        tpu.enqueue_indirect_dma source(%dma_start3A_67 : memref<128xi32, #tpu.memory_space<vmem>>) target(%dma_start3A_72 : memref<12845056xi32, #tpu.memory_space<hbm>>) offsets(%dma_start3A_70 : memref<128xi32, #tpu.memory_space<vmem>>) semaphore(%arg10 : memref<!tpu.dma_semaphore, #tpu.memory_space<semaphore_mem>>)
        %dma_start3A_73 = arith.constant 2 : i32
        %dma_start3A_74 = arith.constant 256 : i32
        %dma_start3A_75 = tpu.memref_slice %arg7[%dma_start3A_74] : memref<2048xi32, #tpu.memory_space<vmem>> -> memref<128xi32, #tpu.memory_space<vmem>>
        %dma_start3A_76 = arith.constant 0 : i32
        %dma_start3A_77 = tpu.memref_slice %arg6[%dma_start3A_73, %dma_start3A_76] : memref<16x128xi32, #tpu.memory_space<vmem>> -> memref<1x128xi32, #tpu.memory_space<vmem>>
        %dma_start3A_78 = tpu.memref_squeeze %dma_start3A_77 : memref<1x128xi32, #tpu.memory_space<vmem>> -> memref<128xi32, #tpu.memory_space<vmem>>
        %dma_start3A_79 = arith.constant 0 : i32
        %dma_start3A_80 = tpu.memref_slice %arg3[%dma_start3A_79] : memref<12845056xi32, #tpu.memory_space<hbm>> -> memref<12845056xi32, #tpu.memory_space<hbm>>
        tpu.enqueue_indirect_dma source(%dma_start3A_75 : memref<128xi32, #tpu.memory_space<vmem>>) target(%dma_start3A_80 : memref<12845056xi32, #tpu.memory_space<hbm>>) offsets(%dma_start3A_78 : memref<128xi32, #tpu.memory_space<vmem>>) semaphore(%arg10 : memref<!tpu.dma_semaphore, #tpu.memory_space<semaphore_mem>>)
        %dma_start3A_81 = arith.constant 3 : i32
        %dma_start3A_82 = arith.constant 384 : i32
        %dma_start3A_83 = tpu.memref_slice %arg7[%dma_start3A_82] : memref<2048xi32, #tpu.memory_space<vmem>> -> memref<128xi32, #tpu.memory_space<vmem>>
        %dma_start3A_84 = arith.constant 0 : i32
        %dma_start3A_85 = tpu.memref_slice %arg6[%dma_start3A_81, %dma_start3A_84] : memref<16x128xi32, #tpu.memory_space<vmem>> -> memref<1x128xi32, #tpu.memory_space<vmem>>
        %dma_start3A_86 = tpu.memref_squeeze %dma_start3A_85 : memref<1x128xi32, #tpu.memory_space<vmem>> -> memref<128xi32, #tpu.memory_space<vmem>>
        %dma_start3A_87 = arith.constant 0 : i32
        %dma_start3A_88 = tpu.memref_slice %arg3[%dma_start3A_87] : memref<12845056xi32, #tpu.memory_space<hbm>> -> memref<12845056xi32, #tpu.memory_space<hbm>>
        tpu.enqueue_indirect_dma source(%dma_start3A_83 : memref<128xi32, #tpu.memory_space<vmem>>) target(%dma_start3A_88 : memref<12845056xi32, #tpu.memory_space<hbm>>) offsets(%dma_start3A_86 : memref<128xi32, #tpu.memory_space<vmem>>) semaphore(%arg10 : memref<!tpu.dma_semaphore, #tpu.memory_space<semaphore_mem>>)
        %dma_start3A_89 = arith.constant 4 : i32
        %dma_start3A_90 = arith.constant 512 : i32
        %dma_start3A_91 = tpu.memref_slice %arg7[%dma_start3A_90] : memref<2048xi32, #tpu.memory_space<vmem>> -> memref<128xi32, #tpu.memory_space<vmem>>
        %dma_start3A_92 = arith.constant 0 : i32
        %dma_start3A_93 = tpu.memref_slice %arg6[%dma_start3A_89, %dma_start3A_92] : memref<16x128xi32, #tpu.memory_space<vmem>> -> memref<1x128xi32, #tpu.memory_space<vmem>>
        %dma_start3A_94 = tpu.memref_squeeze %dma_start3A_93 : memref<1x128xi32, #tpu.memory_space<vmem>> -> memref<128xi32, #tpu.memory_space<vmem>>
        %dma_start3A_95 = arith.constant 0 : i32
        %dma_start3A_96 = tpu.memref_slice %arg3[%dma_start3A_95] : memref<12845056xi32, #tpu.memory_space<hbm>> -> memref<12845056xi32, #tpu.memory_space<hbm>>
        tpu.enqueue_indirect_dma source(%dma_start3A_91 : memref<128xi32, #tpu.memory_space<vmem>>) target(%dma_start3A_96 : memref<12845056xi32, #tpu.memory_space<hbm>>) offsets(%dma_start3A_94 : memref<128xi32, #tpu.memory_space<vmem>>) semaphore(%arg10 : memref<!tpu.dma_semaphore, #tpu.memory_space<semaphore_mem>>)
        %dma_start3A_97 = arith.constant 5 : i32
        %dma_start3A_98 = arith.constant 640 : i32
        %dma_start3A_99 = tpu.memref_slice %arg7[%dma_start3A_98] : memref<2048xi32, #tpu.memory_space<vmem>> -> memref<128xi32, #tpu.memory_space<vmem>>
        %dma_start3A_100 = arith.constant 0 : i32
        %dma_start3A_101 = tpu.memref_slice %arg6[%dma_start3A_97, %dma_start3A_100] : memref<16x128xi32, #tpu.memory_space<vmem>> -> memref<1x128xi32, #tpu.memory_space<vmem>>
        %dma_start3A_102 = tpu.memref_squeeze %dma_start3A_101 : memref<1x128xi32, #tpu.memory_space<vmem>> -> memref<128xi32, #tpu.memory_space<vmem>>
        %dma_start3A_103 = arith.constant 0 : i32
        %dma_start3A_104 = tpu.memref_slice %arg3[%dma_start3A_103] : memref<12845056xi32, #tpu.memory_space<hbm>> -> memref<12845056xi32, #tpu.memory_space<hbm>>
        tpu.enqueue_indirect_dma source(%dma_start3A_99 : memref<128xi32, #tpu.memory_space<vmem>>) target(%dma_start3A_104 : memref<12845056xi32, #tpu.memory_space<hbm>>) offsets(%dma_start3A_102 : memref<128xi32, #tpu.memory_space<vmem>>) semaphore(%arg10 : memref<!tpu.dma_semaphore, #tpu.memory_space<semaphore_mem>>)
        %dma_start3A_105 = arith.constant 6 : i32
        %dma_start3A_106 = arith.constant 768 : i32
        %dma_start3A_107 = tpu.memref_slice %arg7[%dma_start3A_106] : memref<2048xi32, #tpu.memory_space<vmem>> -> memref<128xi32, #tpu.memory_space<vmem>>
        %dma_start3A_108 = arith.constant 0 : i32
        %dma_start3A_109 = tpu.memref_slice %arg6[%dma_start3A_105, %dma_start3A_108] : memref<16x128xi32, #tpu.memory_space<vmem>> -> memref<1x128xi32, #tpu.memory_space<vmem>>
        %dma_start3A_110 = tpu.memref_squeeze %dma_start3A_109 : memref<1x128xi32, #tpu.memory_space<vmem>> -> memref<128xi32, #tpu.memory_space<vmem>>
        %dma_start3A_111 = arith.constant 0 : i32
        %dma_start3A_112 = tpu.memref_slice %arg3[%dma_start3A_111] : memref<12845056xi32, #tpu.memory_space<hbm>> -> memref<12845056xi32, #tpu.memory_space<hbm>>
        tpu.enqueue_indirect_dma source(%dma_start3A_107 : memref<128xi32, #tpu.memory_space<vmem>>) target(%dma_start3A_112 : memref<12845056xi32, #tpu.memory_space<hbm>>) offsets(%dma_start3A_110 : memref<128xi32, #tpu.memory_space<vmem>>) semaphore(%arg10 : memref<!tpu.dma_semaphore, #tpu.memory_space<semaphore_mem>>)
        %dma_start3A_113 = arith.constant 7 : i32
        %dma_start3A_114 = arith.constant 896 : i32
        %dma_start3A_115 = tpu.memref_slice %arg7[%dma_start3A_114] : memref<2048xi32, #tpu.memory_space<vmem>> -> memref<128xi32, #tpu.memory_space<vmem>>
        %dma_start3A_116 = arith.constant 0 : i32
        %dma_start3A_117 = tpu.memref_slice %arg6[%dma_start3A_113, %dma_start3A_116] : memref<16x128xi32, #tpu.memory_space<vmem>> -> memref<1x128xi32, #tpu.memory_space<vmem>>
        %dma_start3A_118 = tpu.memref_squeeze %dma_start3A_117 : memref<1x128xi32, #tpu.memory_space<vmem>> -> memref<128xi32, #tpu.memory_space<vmem>>
        %dma_start3A_119 = arith.constant 0 : i32
        %dma_start3A_120 = tpu.memref_slice %arg3[%dma_start3A_119] : memref<12845056xi32, #tpu.memory_space<hbm>> -> memref<12845056xi32, #tpu.memory_space<hbm>>
        tpu.enqueue_indirect_dma source(%dma_start3A_115 : memref<128xi32, #tpu.memory_space<vmem>>) target(%dma_start3A_120 : memref<12845056xi32, #tpu.memory_space<hbm>>) offsets(%dma_start3A_118 : memref<128xi32, #tpu.memory_space<vmem>>) semaphore(%arg10 : memref<!tpu.dma_semaphore, #tpu.memory_space<semaphore_mem>>)
        %dma_start3A_121 = arith.constant 8 : i32
        %dma_start3A_122 = arith.constant 1024 : i32
        %dma_start3A_123 = tpu.memref_slice %arg7[%dma_start3A_122] : memref<2048xi32, #tpu.memory_space<vmem>> -> memref<128xi32, #tpu.memory_space<vmem>>
        %dma_start3A_124 = arith.constant 0 : i32
        %dma_start3A_125 = tpu.memref_slice %arg6[%dma_start3A_121, %dma_start3A_124] : memref<16x128xi32, #tpu.memory_space<vmem>> -> memref<1x128xi32, #tpu.memory_space<vmem>>
        %dma_start3A_126 = tpu.memref_squeeze %dma_start3A_125 : memref<1x128xi32, #tpu.memory_space<vmem>> -> memref<128xi32, #tpu.memory_space<vmem>>
        %dma_start3A_127 = arith.constant 0 : i32
        %dma_start3A_128 = tpu.memref_slice %arg3[%dma_start3A_127] : memref<12845056xi32, #tpu.memory_space<hbm>> -> memref<12845056xi32, #tpu.memory_space<hbm>>
        tpu.enqueue_indirect_dma source(%dma_start3A_123 : memref<128xi32, #tpu.memory_space<vmem>>) target(%dma_start3A_128 : memref<12845056xi32, #tpu.memory_space<hbm>>) offsets(%dma_start3A_126 : memref<128xi32, #tpu.memory_space<vmem>>) semaphore(%arg10 : memref<!tpu.dma_semaphore, #tpu.memory_space<semaphore_mem>>)
        %dma_start3A_129 = arith.constant 9 : i32
        %dma_start3A_130 = arith.constant 1152 : i32
        %dma_start3A_131 = tpu.memref_slice %arg7[%dma_start3A_130] : memref<2048xi32, #tpu.memory_space<vmem>> -> memref<128xi32, #tpu.memory_space<vmem>>
        %dma_start3A_132 = arith.constant 0 : i32
        %dma_start3A_133 = tpu.memref_slice %arg6[%dma_start3A_129, %dma_start3A_132] : memref<16x128xi32, #tpu.memory_space<vmem>> -> memref<1x128xi32, #tpu.memory_space<vmem>>
        %dma_start3A_134 = tpu.memref_squeeze %dma_start3A_133 : memref<1x128xi32, #tpu.memory_space<vmem>> -> memref<128xi32, #tpu.memory_space<vmem>>
        %dma_start3A_135 = arith.constant 0 : i32
        %dma_start3A_136 = tpu.memref_slice %arg3[%dma_start3A_135] : memref<12845056xi32, #tpu.memory_space<hbm>> -> memref<12845056xi32, #tpu.memory_space<hbm>>
        tpu.enqueue_indirect_dma source(%dma_start3A_131 : memref<128xi32, #tpu.memory_space<vmem>>) target(%dma_start3A_136 : memref<12845056xi32, #tpu.memory_space<hbm>>) offsets(%dma_start3A_134 : memref<128xi32, #tpu.memory_space<vmem>>) semaphore(%arg10 : memref<!tpu.dma_semaphore, #tpu.memory_space<semaphore_mem>>)
        %dma_start3A_137 = arith.constant 10 : i32
        %dma_start3A_138 = arith.constant 1280 : i32
        %dma_start3A_139 = tpu.memref_slice %arg7[%dma_start3A_138] : memref<2048xi32, #tpu.memory_space<vmem>> -> memref<128xi32, #tpu.memory_space<vmem>>
        %dma_start3A_140 = arith.constant 0 : i32
        %dma_start3A_141 = tpu.memref_slice %arg6[%dma_start3A_137, %dma_start3A_140] : memref<16x128xi32, #tpu.memory_space<vmem>> -> memref<1x128xi32, #tpu.memory_space<vmem>>
        %dma_start3A_142 = tpu.memref_squeeze %dma_start3A_141 : memref<1x128xi32, #tpu.memory_space<vmem>> -> memref<128xi32, #tpu.memory_space<vmem>>
        %dma_start3A_143 = arith.constant 0 : i32
        %dma_start3A_144 = tpu.memref_slice %arg3[%dma_start3A_143] : memref<12845056xi32, #tpu.memory_space<hbm>> -> memref<12845056xi32, #tpu.memory_space<hbm>>
        tpu.enqueue_indirect_dma source(%dma_start3A_139 : memref<128xi32, #tpu.memory_space<vmem>>) target(%dma_start3A_144 : memref<12845056xi32, #tpu.memory_space<hbm>>) offsets(%dma_start3A_142 : memref<128xi32, #tpu.memory_space<vmem>>) semaphore(%arg10 : memref<!tpu.dma_semaphore, #tpu.memory_space<semaphore_mem>>)
        %dma_start3A_145 = arith.constant 11 : i32
        %dma_start3A_146 = arith.constant 1408 : i32
        %dma_start3A_147 = tpu.memref_slice %arg7[%dma_start3A_146] : memref<2048xi32, #tpu.memory_space<vmem>> -> memref<128xi32, #tpu.memory_space<vmem>>
        %dma_start3A_148 = arith.constant 0 : i32
        %dma_start3A_149 = tpu.memref_slice %arg6[%dma_start3A_145, %dma_start3A_148] : memref<16x128xi32, #tpu.memory_space<vmem>> -> memref<1x128xi32, #tpu.memory_space<vmem>>
        %dma_start3A_150 = tpu.memref_squeeze %dma_start3A_149 : memref<1x128xi32, #tpu.memory_space<vmem>> -> memref<128xi32, #tpu.memory_space<vmem>>
        %dma_start3A_151 = arith.constant 0 : i32
        %dma_start3A_152 = tpu.memref_slice %arg3[%dma_start3A_151] : memref<12845056xi32, #tpu.memory_space<hbm>> -> memref<12845056xi32, #tpu.memory_space<hbm>>
        tpu.enqueue_indirect_dma source(%dma_start3A_147 : memref<128xi32, #tpu.memory_space<vmem>>) target(%dma_start3A_152 : memref<12845056xi32, #tpu.memory_space<hbm>>) offsets(%dma_start3A_150 : memref<128xi32, #tpu.memory_space<vmem>>) semaphore(%arg10 : memref<!tpu.dma_semaphore, #tpu.memory_space<semaphore_mem>>)
        %dma_start3A_153 = arith.constant 12 : i32
        %dma_start3A_154 = arith.constant 1536 : i32
        %dma_start3A_155 = tpu.memref_slice %arg7[%dma_start3A_154] : memref<2048xi32, #tpu.memory_space<vmem>> -> memref<128xi32, #tpu.memory_space<vmem>>
        %dma_start3A_156 = arith.constant 0 : i32
        %dma_start3A_157 = tpu.memref_slice %arg6[%dma_start3A_153, %dma_start3A_156] : memref<16x128xi32, #tpu.memory_space<vmem>> -> memref<1x128xi32, #tpu.memory_space<vmem>>
        %dma_start3A_158 = tpu.memref_squeeze %dma_start3A_157 : memref<1x128xi32, #tpu.memory_space<vmem>> -> memref<128xi32, #tpu.memory_space<vmem>>
        %dma_start3A_159 = arith.constant 0 : i32
        %dma_start3A_160 = tpu.memref_slice %arg3[%dma_start3A_159] : memref<12845056xi32, #tpu.memory_space<hbm>> -> memref<12845056xi32, #tpu.memory_space<hbm>>
        tpu.enqueue_indirect_dma source(%dma_start3A_155 : memref<128xi32, #tpu.memory_space<vmem>>) target(%dma_start3A_160 : memref<12845056xi32, #tpu.memory_space<hbm>>) offsets(%dma_start3A_158 : memref<128xi32, #tpu.memory_space<vmem>>) semaphore(%arg10 : memref<!tpu.dma_semaphore, #tpu.memory_space<semaphore_mem>>)
        %dma_start3A_161 = arith.constant 13 : i32
        %dma_start3A_162 = arith.constant 1664 : i32
        %dma_start3A_163 = tpu.memref_slice %arg7[%dma_start3A_162] : memref<2048xi32, #tpu.memory_space<vmem>> -> memref<128xi32, #tpu.memory_space<vmem>>
        %dma_start3A_164 = arith.constant 0 : i32
        %dma_start3A_165 = tpu.memref_slice %arg6[%dma_start3A_161, %dma_start3A_164] : memref<16x128xi32, #tpu.memory_space<vmem>> -> memref<1x128xi32, #tpu.memory_space<vmem>>
        %dma_start3A_166 = tpu.memref_squeeze %dma_start3A_165 : memref<1x128xi32, #tpu.memory_space<vmem>> -> memref<128xi32, #tpu.memory_space<vmem>>
        %dma_start3A_167 = arith.constant 0 : i32
        %dma_start3A_168 = tpu.memref_slice %arg3[%dma_start3A_167] : memref<12845056xi32, #tpu.memory_space<hbm>> -> memref<12845056xi32, #tpu.memory_space<hbm>>
        tpu.enqueue_indirect_dma source(%dma_start3A_163 : memref<128xi32, #tpu.memory_space<vmem>>) target(%dma_start3A_168 : memref<12845056xi32, #tpu.memory_space<hbm>>) offsets(%dma_start3A_166 : memref<128xi32, #tpu.memory_space<vmem>>) semaphore(%arg10 : memref<!tpu.dma_semaphore, #tpu.memory_space<semaphore_mem>>)
        %dma_start3A_169 = arith.constant 14 : i32
        %dma_start3A_170 = arith.constant 1792 : i32
        %dma_start3A_171 = tpu.memref_slice %arg7[%dma_start3A_170] : memref<2048xi32, #tpu.memory_space<vmem>> -> memref<128xi32, #tpu.memory_space<vmem>>
        %dma_start3A_172 = arith.constant 0 : i32
        %dma_start3A_173 = tpu.memref_slice %arg6[%dma_start3A_169, %dma_start3A_172] : memref<16x128xi32, #tpu.memory_space<vmem>> -> memref<1x128xi32, #tpu.memory_space<vmem>>
        %dma_start3A_174 = tpu.memref_squeeze %dma_start3A_173 : memref<1x128xi32, #tpu.memory_space<vmem>> -> memref<128xi32, #tpu.memory_space<vmem>>
        %dma_start3A_175 = arith.constant 0 : i32
        %dma_start3A_176 = tpu.memref_slice %arg3[%dma_start3A_175] : memref<12845056xi32, #tpu.memory_space<hbm>> -> memref<12845056xi32, #tpu.memory_space<hbm>>
        tpu.enqueue_indirect_dma source(%dma_start3A_171 : memref<128xi32, #tpu.memory_space<vmem>>) target(%dma_start3A_176 : memref<12845056xi32, #tpu.memory_space<hbm>>) offsets(%dma_start3A_174 : memref<128xi32, #tpu.memory_space<vmem>>) semaphore(%arg10 : memref<!tpu.dma_semaphore, #tpu.memory_space<semaphore_mem>>)
        %dma_start3A_177 = arith.constant 15 : i32
        %dma_start3A_178 = arith.constant 1920 : i32
        %dma_start3A_179 = tpu.memref_slice %arg7[%dma_start3A_178] : memref<2048xi32, #tpu.memory_space<vmem>> -> memref<128xi32, #tpu.memory_space<vmem>>
        %dma_start3A_180 = arith.constant 0 : i32
        %dma_start3A_181 = tpu.memref_slice %arg6[%dma_start3A_177, %dma_start3A_180] : memref<16x128xi32, #tpu.memory_space<vmem>> -> memref<1x128xi32, #tpu.memory_space<vmem>>
        %dma_start3A_182 = tpu.memref_squeeze %dma_start3A_181 : memref<1x128xi32, #tpu.memory_space<vmem>> -> memref<128xi32, #tpu.memory_space<vmem>>
        %dma_start3A_183 = arith.constant 0 : i32
        %dma_start3A_184 = tpu.memref_slice %arg3[%dma_start3A_183] : memref<12845056xi32, #tpu.memory_space<hbm>> -> memref<12845056xi32, #tpu.memory_space<hbm>>
        tpu.enqueue_indirect_dma source(%dma_start3A_179 : memref<128xi32, #tpu.memory_space<vmem>>) target(%dma_start3A_184 : memref<12845056xi32, #tpu.memory_space<hbm>>) offsets(%dma_start3A_182 : memref<128xi32, #tpu.memory_space<vmem>>) semaphore(%arg10 : memref<!tpu.dma_semaphore, #tpu.memory_space<semaphore_mem>>)
        %dma_start3A_185 = arith.constant 0 : i32
        %dma_start3A_186 = arith.constant 0 : i32
        %dma_start3A_187 = tpu.memref_slice %arg8[%dma_start3A_186] : memref<2048xi32, #tpu.memory_space<vmem>> -> memref<128xi32, #tpu.memory_space<vmem>>
        %dma_start3A_188 = arith.constant 0 : i32
        %dma_start3A_189 = tpu.memref_slice %arg6[%dma_start3A_185, %dma_start3A_188] : memref<16x128xi32, #tpu.memory_space<vmem>> -> memref<1x128xi32, #tpu.memory_space<vmem>>
        %dma_start3A_190 = tpu.memref_squeeze %dma_start3A_189 : memref<1x128xi32, #tpu.memory_space<vmem>> -> memref<128xi32, #tpu.memory_space<vmem>>
        %dma_start3A_191 = arith.constant 0 : i32
        %dma_start3A_192 = tpu.memref_slice %arg4[%dma_start3A_191] : memref<12845056xi32, #tpu.memory_space<hbm>> -> memref<12845056xi32, #tpu.memory_space<hbm>>
        tpu.enqueue_indirect_dma source(%dma_start3A_187 : memref<128xi32, #tpu.memory_space<vmem>>) target(%dma_start3A_192 : memref<12845056xi32, #tpu.memory_space<hbm>>) offsets(%dma_start3A_190 : memref<128xi32, #tpu.memory_space<vmem>>) semaphore(%arg10 : memref<!tpu.dma_semaphore, #tpu.memory_space<semaphore_mem>>)
        %dma_start3A_193 = arith.constant 1 : i32
        %dma_start3A_194 = arith.constant 128 : i32
        %dma_start3A_195 = tpu.memref_slice %arg8[%dma_start3A_194] : memref<2048xi32, #tpu.memory_space<vmem>> -> memref<128xi32, #tpu.memory_space<vmem>>
        %dma_start3A_196 = arith.constant 0 : i32
        %dma_start3A_197 = tpu.memref_slice %arg6[%dma_start3A_193, %dma_start3A_196] : memref<16x128xi32, #tpu.memory_space<vmem>> -> memref<1x128xi32, #tpu.memory_space<vmem>>
        %dma_start3A_198 = tpu.memref_squeeze %dma_start3A_197 : memref<1x128xi32, #tpu.memory_space<vmem>> -> memref<128xi32, #tpu.memory_space<vmem>>
        %dma_start3A_199 = arith.constant 0 : i32
        %dma_start3A_200 = tpu.memref_slice %arg4[%dma_start3A_199] : memref<12845056xi32, #tpu.memory_space<hbm>> -> memref<12845056xi32, #tpu.memory_space<hbm>>
        tpu.enqueue_indirect_dma source(%dma_start3A_195 : memref<128xi32, #tpu.memory_space<vmem>>) target(%dma_start3A_200 : memref<12845056xi32, #tpu.memory_space<hbm>>) offsets(%dma_start3A_198 : memref<128xi32, #tpu.memory_space<vmem>>) semaphore(%arg10 : memref<!tpu.dma_semaphore, #tpu.memory_space<semaphore_mem>>)
        %dma_start3A_201 = arith.constant 2 : i32
        %dma_start3A_202 = arith.constant 256 : i32
        %dma_start3A_203 = tpu.memref_slice %arg8[%dma_start3A_202] : memref<2048xi32, #tpu.memory_space<vmem>> -> memref<128xi32, #tpu.memory_space<vmem>>
        %dma_start3A_204 = arith.constant 0 : i32
        %dma_start3A_205 = tpu.memref_slice %arg6[%dma_start3A_201, %dma_start3A_204] : memref<16x128xi32, #tpu.memory_space<vmem>> -> memref<1x128xi32, #tpu.memory_space<vmem>>
        %dma_start3A_206 = tpu.memref_squeeze %dma_start3A_205 : memref<1x128xi32, #tpu.memory_space<vmem>> -> memref<128xi32, #tpu.memory_space<vmem>>
        %dma_start3A_207 = arith.constant 0 : i32
        %dma_start3A_208 = tpu.memref_slice %arg4[%dma_start3A_207] : memref<12845056xi32, #tpu.memory_space<hbm>> -> memref<12845056xi32, #tpu.memory_space<hbm>>
        tpu.enqueue_indirect_dma source(%dma_start3A_203 : memref<128xi32, #tpu.memory_space<vmem>>) target(%dma_start3A_208 : memref<12845056xi32, #tpu.memory_space<hbm>>) offsets(%dma_start3A_206 : memref<128xi32, #tpu.memory_space<vmem>>) semaphore(%arg10 : memref<!tpu.dma_semaphore, #tpu.memory_space<semaphore_mem>>)
        %dma_start3A_209 = arith.constant 3 : i32
        %dma_start3A_210 = arith.constant 384 : i32
        %dma_start3A_211 = tpu.memref_slice %arg8[%dma_start3A_210] : memref<2048xi32, #tpu.memory_space<vmem>> -> memref<128xi32, #tpu.memory_space<vmem>>
        %dma_start3A_212 = arith.constant 0 : i32
        %dma_start3A_213 = tpu.memref_slice %arg6[%dma_start3A_209, %dma_start3A_212] : memref<16x128xi32, #tpu.memory_space<vmem>> -> memref<1x128xi32, #tpu.memory_space<vmem>>
        %dma_start3A_214 = tpu.memref_squeeze %dma_start3A_213 : memref<1x128xi32, #tpu.memory_space<vmem>> -> memref<128xi32, #tpu.memory_space<vmem>>
        %dma_start3A_215 = arith.constant 0 : i32
        %dma_start3A_216 = tpu.memref_slice %arg4[%dma_start3A_215] : memref<12845056xi32, #tpu.memory_space<hbm>> -> memref<12845056xi32, #tpu.memory_space<hbm>>
        tpu.enqueue_indirect_dma source(%dma_start3A_211 : memref<128xi32, #tpu.memory_space<vmem>>) target(%dma_start3A_216 : memref<12845056xi32, #tpu.memory_space<hbm>>) offsets(%dma_start3A_214 : memref<128xi32, #tpu.memory_space<vmem>>) semaphore(%arg10 : memref<!tpu.dma_semaphore, #tpu.memory_space<semaphore_mem>>)
        %dma_start3A_217 = arith.constant 4 : i32
        %dma_start3A_218 = arith.constant 512 : i32
        %dma_start3A_219 = tpu.memref_slice %arg8[%dma_start3A_218] : memref<2048xi32, #tpu.memory_space<vmem>> -> memref<128xi32, #tpu.memory_space<vmem>>
        %dma_start3A_220 = arith.constant 0 : i32
        %dma_start3A_221 = tpu.memref_slice %arg6[%dma_start3A_217, %dma_start3A_220] : memref<16x128xi32, #tpu.memory_space<vmem>> -> memref<1x128xi32, #tpu.memory_space<vmem>>
        %dma_start3A_222 = tpu.memref_squeeze %dma_start3A_221 : memref<1x128xi32, #tpu.memory_space<vmem>> -> memref<128xi32, #tpu.memory_space<vmem>>
        %dma_start3A_223 = arith.constant 0 : i32
        %dma_start3A_224 = tpu.memref_slice %arg4[%dma_start3A_223] : memref<12845056xi32, #tpu.memory_space<hbm>> -> memref<12845056xi32, #tpu.memory_space<hbm>>
        tpu.enqueue_indirect_dma source(%dma_start3A_219 : memref<128xi32, #tpu.memory_space<vmem>>) target(%dma_start3A_224 : memref<12845056xi32, #tpu.memory_space<hbm>>) offsets(%dma_start3A_222 : memref<128xi32, #tpu.memory_space<vmem>>) semaphore(%arg10 : memref<!tpu.dma_semaphore, #tpu.memory_space<semaphore_mem>>)
        %dma_start3A_225 = arith.constant 5 : i32
        %dma_start3A_226 = arith.constant 640 : i32
        %dma_start3A_227 = tpu.memref_slice %arg8[%dma_start3A_226] : memref<2048xi32, #tpu.memory_space<vmem>> -> memref<128xi32, #tpu.memory_space<vmem>>
        %dma_start3A_228 = arith.constant 0 : i32
        %dma_start3A_229 = tpu.memref_slice %arg6[%dma_start3A_225, %dma_start3A_228] : memref<16x128xi32, #tpu.memory_space<vmem>> -> memref<1x128xi32, #tpu.memory_space<vmem>>
        %dma_start3A_230 = tpu.memref_squeeze %dma_start3A_229 : memref<1x128xi32, #tpu.memory_space<vmem>> -> memref<128xi32, #tpu.memory_space<vmem>>
        %dma_start3A_231 = arith.constant 0 : i32
        %dma_start3A_232 = tpu.memref_slice %arg4[%dma_start3A_231] : memref<12845056xi32, #tpu.memory_space<hbm>> -> memref<12845056xi32, #tpu.memory_space<hbm>>
        tpu.enqueue_indirect_dma source(%dma_start3A_227 : memref<128xi32, #tpu.memory_space<vmem>>) target(%dma_start3A_232 : memref<12845056xi32, #tpu.memory_space<hbm>>) offsets(%dma_start3A_230 : memref<128xi32, #tpu.memory_space<vmem>>) semaphore(%arg10 : memref<!tpu.dma_semaphore, #tpu.memory_space<semaphore_mem>>)
        %dma_start3A_233 = arith.constant 6 : i32
        %dma_start3A_234 = arith.constant 768 : i32
        %dma_start3A_235 = tpu.memref_slice %arg8[%dma_start3A_234] : memref<2048xi32, #tpu.memory_space<vmem>> -> memref<128xi32, #tpu.memory_space<vmem>>
        %dma_start3A_236 = arith.constant 0 : i32
        %dma_start3A_237 = tpu.memref_slice %arg6[%dma_start3A_233, %dma_start3A_236] : memref<16x128xi32, #tpu.memory_space<vmem>> -> memref<1x128xi32, #tpu.memory_space<vmem>>
        %dma_start3A_238 = tpu.memref_squeeze %dma_start3A_237 : memref<1x128xi32, #tpu.memory_space<vmem>> -> memref<128xi32, #tpu.memory_space<vmem>>
        %dma_start3A_239 = arith.constant 0 : i32
        %dma_start3A_240 = tpu.memref_slice %arg4[%dma_start3A_239] : memref<12845056xi32, #tpu.memory_space<hbm>> -> memref<12845056xi32, #tpu.memory_space<hbm>>
        tpu.enqueue_indirect_dma source(%dma_start3A_235 : memref<128xi32, #tpu.memory_space<vmem>>) target(%dma_start3A_240 : memref<12845056xi32, #tpu.memory_space<hbm>>) offsets(%dma_start3A_238 : memref<128xi32, #tpu.memory_space<vmem>>) semaphore(%arg10 : memref<!tpu.dma_semaphore, #tpu.memory_space<semaphore_mem>>)
        %dma_start3A_241 = arith.constant 7 : i32
        %dma_start3A_242 = arith.constant 896 : i32
        %dma_start3A_243 = tpu.memref_slice %arg8[%dma_start3A_242] : memref<2048xi32, #tpu.memory_space<vmem>> -> memref<128xi32, #tpu.memory_space<vmem>>
        %dma_start3A_244 = arith.constant 0 : i32
        %dma_start3A_245 = tpu.memref_slice %arg6[%dma_start3A_241, %dma_start3A_244] : memref<16x128xi32, #tpu.memory_space<vmem>> -> memref<1x128xi32, #tpu.memory_space<vmem>>
        %dma_start3A_246 = tpu.memref_squeeze %dma_start3A_245 : memref<1x128xi32, #tpu.memory_space<vmem>> -> memref<128xi32, #tpu.memory_space<vmem>>
        %dma_start3A_247 = arith.constant 0 : i32
        %dma_start3A_248 = tpu.memref_slice %arg4[%dma_start3A_247] : memref<12845056xi32, #tpu.memory_space<hbm>> -> memref<12845056xi32, #tpu.memory_space<hbm>>
        tpu.enqueue_indirect_dma source(%dma_start3A_243 : memref<128xi32, #tpu.memory_space<vmem>>) target(%dma_start3A_248 : memref<12845056xi32, #tpu.memory_space<hbm>>) offsets(%dma_start3A_246 : memref<128xi32, #tpu.memory_space<vmem>>) semaphore(%arg10 : memref<!tpu.dma_semaphore, #tpu.memory_space<semaphore_mem>>)
        %dma_start3A_249 = arith.constant 8 : i32
        %dma_start3A_250 = arith.constant 1024 : i32
        %dma_start3A_251 = tpu.memref_slice %arg8[%dma_start3A_250] : memref<2048xi32, #tpu.memory_space<vmem>> -> memref<128xi32, #tpu.memory_space<vmem>>
        %dma_start3A_252 = arith.constant 0 : i32
        %dma_start3A_253 = tpu.memref_slice %arg6[%dma_start3A_249, %dma_start3A_252] : memref<16x128xi32, #tpu.memory_space<vmem>> -> memref<1x128xi32, #tpu.memory_space<vmem>>
        %dma_start3A_254 = tpu.memref_squeeze %dma_start3A_253 : memref<1x128xi32, #tpu.memory_space<vmem>> -> memref<128xi32, #tpu.memory_space<vmem>>
        %dma_start3A_255 = arith.constant 0 : i32
        %dma_start3A_256 = tpu.memref_slice %arg4[%dma_start3A_255] : memref<12845056xi32, #tpu.memory_space<hbm>> -> memref<12845056xi32, #tpu.memory_space<hbm>>
        tpu.enqueue_indirect_dma source(%dma_start3A_251 : memref<128xi32, #tpu.memory_space<vmem>>) target(%dma_start3A_256 : memref<12845056xi32, #tpu.memory_space<hbm>>) offsets(%dma_start3A_254 : memref<128xi32, #tpu.memory_space<vmem>>) semaphore(%arg10 : memref<!tpu.dma_semaphore, #tpu.memory_space<semaphore_mem>>)
        %dma_start3A_257 = arith.constant 9 : i32
        %dma_start3A_258 = arith.constant 1152 : i32
        %dma_start3A_259 = tpu.memref_slice %arg8[%dma_start3A_258] : memref<2048xi32, #tpu.memory_space<vmem>> -> memref<128xi32, #tpu.memory_space<vmem>>
        %dma_start3A_260 = arith.constant 0 : i32
        %dma_start3A_261 = tpu.memref_slice %arg6[%dma_start3A_257, %dma_start3A_260] : memref<16x128xi32, #tpu.memory_space<vmem>> -> memref<1x128xi32, #tpu.memory_space<vmem>>
        %dma_start3A_262 = tpu.memref_squeeze %dma_start3A_261 : memref<1x128xi32, #tpu.memory_space<vmem>> -> memref<128xi32, #tpu.memory_space<vmem>>
        %dma_start3A_263 = arith.constant 0 : i32
        %dma_start3A_264 = tpu.memref_slice %arg4[%dma_start3A_263] : memref<12845056xi32, #tpu.memory_space<hbm>> -> memref<12845056xi32, #tpu.memory_space<hbm>>
        tpu.enqueue_indirect_dma source(%dma_start3A_259 : memref<128xi32, #tpu.memory_space<vmem>>) target(%dma_start3A_264 : memref<12845056xi32, #tpu.memory_space<hbm>>) offsets(%dma_start3A_262 : memref<128xi32, #tpu.memory_space<vmem>>) semaphore(%arg10 : memref<!tpu.dma_semaphore, #tpu.memory_space<semaphore_mem>>)
        %dma_start3A_265 = arith.constant 10 : i32
        %dma_start3A_266 = arith.constant 1280 : i32
        %dma_start3A_267 = tpu.memref_slice %arg8[%dma_start3A_266] : memref<2048xi32, #tpu.memory_space<vmem>> -> memref<128xi32, #tpu.memory_space<vmem>>
        %dma_start3A_268 = arith.constant 0 : i32
        %dma_start3A_269 = tpu.memref_slice %arg6[%dma_start3A_265, %dma_start3A_268] : memref<16x128xi32, #tpu.memory_space<vmem>> -> memref<1x128xi32, #tpu.memory_space<vmem>>
        %dma_start3A_270 = tpu.memref_squeeze %dma_start3A_269 : memref<1x128xi32, #tpu.memory_space<vmem>> -> memref<128xi32, #tpu.memory_space<vmem>>
        %dma_start3A_271 = arith.constant 0 : i32
        %dma_start3A_272 = tpu.memref_slice %arg4[%dma_start3A_271] : memref<12845056xi32, #tpu.memory_space<hbm>> -> memref<12845056xi32, #tpu.memory_space<hbm>>
        tpu.enqueue_indirect_dma source(%dma_start3A_267 : memref<128xi32, #tpu.memory_space<vmem>>) target(%dma_start3A_272 : memref<12845056xi32, #tpu.memory_space<hbm>>) offsets(%dma_start3A_270 : memref<128xi32, #tpu.memory_space<vmem>>) semaphore(%arg10 : memref<!tpu.dma_semaphore, #tpu.memory_space<semaphore_mem>>)
        %dma_start3A_273 = arith.constant 11 : i32
        %dma_start3A_274 = arith.constant 1408 : i32
        %dma_start3A_275 = tpu.memref_slice %arg8[%dma_start3A_274] : memref<2048xi32, #tpu.memory_space<vmem>> -> memref<128xi32, #tpu.memory_space<vmem>>
        %dma_start3A_276 = arith.constant 0 : i32
        %dma_start3A_277 = tpu.memref_slice %arg6[%dma_start3A_273, %dma_start3A_276] : memref<16x128xi32, #tpu.memory_space<vmem>> -> memref<1x128xi32, #tpu.memory_space<vmem>>
        %dma_start3A_278 = tpu.memref_squeeze %dma_start3A_277 : memref<1x128xi32, #tpu.memory_space<vmem>> -> memref<128xi32, #tpu.memory_space<vmem>>
        %dma_start3A_279 = arith.constant 0 : i32
        %dma_start3A_280 = tpu.memref_slice %arg4[%dma_start3A_279] : memref<12845056xi32, #tpu.memory_space<hbm>> -> memref<12845056xi32, #tpu.memory_space<hbm>>
        tpu.enqueue_indirect_dma source(%dma_start3A_275 : memref<128xi32, #tpu.memory_space<vmem>>) target(%dma_start3A_280 : memref<12845056xi32, #tpu.memory_space<hbm>>) offsets(%dma_start3A_278 : memref<128xi32, #tpu.memory_space<vmem>>) semaphore(%arg10 : memref<!tpu.dma_semaphore, #tpu.memory_space<semaphore_mem>>)
        %dma_start3A_281 = arith.constant 12 : i32
        %dma_start3A_282 = arith.constant 1536 : i32
        %dma_start3A_283 = tpu.memref_slice %arg8[%dma_start3A_282] : memref<2048xi32, #tpu.memory_space<vmem>> -> memref<128xi32, #tpu.memory_space<vmem>>
        %dma_start3A_284 = arith.constant 0 : i32
        %dma_start3A_285 = tpu.memref_slice %arg6[%dma_start3A_281, %dma_start3A_284] : memref<16x128xi32, #tpu.memory_space<vmem>> -> memref<1x128xi32, #tpu.memory_space<vmem>>
        %dma_start3A_286 = tpu.memref_squeeze %dma_start3A_285 : memref<1x128xi32, #tpu.memory_space<vmem>> -> memref<128xi32, #tpu.memory_space<vmem>>
        %dma_start3A_287 = arith.constant 0 : i32
        %dma_start3A_288 = tpu.memref_slice %arg4[%dma_start3A_287] : memref<12845056xi32, #tpu.memory_space<hbm>> -> memref<12845056xi32, #tpu.memory_space<hbm>>
        tpu.enqueue_indirect_dma source(%dma_start3A_283 : memref<128xi32, #tpu.memory_space<vmem>>) target(%dma_start3A_288 : memref<12845056xi32, #tpu.memory_space<hbm>>) offsets(%dma_start3A_286 : memref<128xi32, #tpu.memory_space<vmem>>) semaphore(%arg10 : memref<!tpu.dma_semaphore, #tpu.memory_space<semaphore_mem>>)
        %dma_start3A_289 = arith.constant 13 : i32
        %dma_start3A_290 = arith.constant 1664 : i32
        %dma_start3A_291 = tpu.memref_slice %arg8[%dma_start3A_290] : memref<2048xi32, #tpu.memory_space<vmem>> -> memref<128xi32, #tpu.memory_space<vmem>>
        %dma_start3A_292 = arith.constant 0 : i32
        %dma_start3A_293 = tpu.memref_slice %arg6[%dma_start3A_289, %dma_start3A_292] : memref<16x128xi32, #tpu.memory_space<vmem>> -> memref<1x128xi32, #tpu.memory_space<vmem>>
        %dma_start3A_294 = tpu.memref_squeeze %dma_start3A_293 : memref<1x128xi32, #tpu.memory_space<vmem>> -> memref<128xi32, #tpu.memory_space<vmem>>
        %dma_start3A_295 = arith.constant 0 : i32
        %dma_start3A_296 = tpu.memref_slice %arg4[%dma_start3A_295] : memref<12845056xi32, #tpu.memory_space<hbm>> -> memref<12845056xi32, #tpu.memory_space<hbm>>
        tpu.enqueue_indirect_dma source(%dma_start3A_291 : memref<128xi32, #tpu.memory_space<vmem>>) target(%dma_start3A_296 : memref<12845056xi32, #tpu.memory_space<hbm>>) offsets(%dma_start3A_294 : memref<128xi32, #tpu.memory_space<vmem>>) semaphore(%arg10 : memref<!tpu.dma_semaphore, #tpu.memory_space<semaphore_mem>>)
        %dma_start3A_297 = arith.constant 14 : i32
        %dma_start3A_298 = arith.constant 1792 : i32
        %dma_start3A_299 = tpu.memref_slice %arg8[%dma_start3A_298] : memref<2048xi32, #tpu.memory_space<vmem>> -> memref<128xi32, #tpu.memory_space<vmem>>
        %dma_start3A_300 = arith.constant 0 : i32
        %dma_start3A_301 = tpu.memref_slice %arg6[%dma_start3A_297, %dma_start3A_300] : memref<16x128xi32, #tpu.memory_space<vmem>> -> memref<1x128xi32, #tpu.memory_space<vmem>>
        %dma_start3A_302 = tpu.memref_squeeze %dma_start3A_301 : memref<1x128xi32, #tpu.memory_space<vmem>> -> memref<128xi32, #tpu.memory_space<vmem>>
        %dma_start3A_303 = arith.constant 0 : i32
        %dma_start3A_304 = tpu.memref_slice %arg4[%dma_start3A_303] : memref<12845056xi32, #tpu.memory_space<hbm>> -> memref<12845056xi32, #tpu.memory_space<hbm>>
        tpu.enqueue_indirect_dma source(%dma_start3A_299 : memref<128xi32, #tpu.memory_space<vmem>>) target(%dma_start3A_304 : memref<12845056xi32, #tpu.memory_space<hbm>>) offsets(%dma_start3A_302 : memref<128xi32, #tpu.memory_space<vmem>>) semaphore(%arg10 : memref<!tpu.dma_semaphore, #tpu.memory_space<semaphore_mem>>)
        %dma_start3A_305 = arith.constant 15 : i32
        %dma_start3A_306 = arith.constant 1920 : i32
        %dma_start3A_307 = tpu.memref_slice %arg8[%dma_start3A_306] : memref<2048xi32, #tpu.memory_space<vmem>> -> memref<128xi32, #tpu.memory_space<vmem>>
        %dma_start3A_308 = arith.constant 0 : i32
        %dma_start3A_309 = tpu.memref_slice %arg6[%dma_start3A_305, %dma_start3A_308] : memref<16x128xi32, #tpu.memory_space<vmem>> -> memref<1x128xi32, #tpu.memory_space<vmem>>
        %dma_start3A_310 = tpu.memref_squeeze %dma_start3A_309 : memref<1x128xi32, #tpu.memory_space<vmem>> -> memref<128xi32, #tpu.memory_space<vmem>>
        %dma_start3A_311 = arith.constant 0 : i32
        %dma_start3A_312 = tpu.memref_slice %arg4[%dma_start3A_311] : memref<12845056xi32, #tpu.memory_space<hbm>> -> memref<12845056xi32, #tpu.memory_space<hbm>>
        tpu.enqueue_indirect_dma source(%dma_start3A_307 : memref<128xi32, #tpu.memory_space<vmem>>) target(%dma_start3A_312 : memref<12845056xi32, #tpu.memory_space<hbm>>) offsets(%dma_start3A_310 : memref<128xi32, #tpu.memory_space<vmem>>) semaphore(%arg10 : memref<!tpu.dma_semaphore, #tpu.memory_space<semaphore_mem>>)
        %dma_wait3A = arith.constant 0 : i32
        %dma_wait3A_313 = arith.constant 0 : i32
        %dma_wait3A_314 = tpu.memref_slice %arg7[%dma_wait3A_313] : memref<2048xi32, #tpu.memory_space<vmem>> -> memref<128xi32, #tpu.memory_space<vmem>>
        %dma_wait3A_315 = arith.constant 0 : i32
        %dma_wait3A_316 = tpu.memref_slice %arg6[%dma_wait3A, %dma_wait3A_315] : memref<16x128xi32, #tpu.memory_space<vmem>> -> memref<1x128xi32, #tpu.memory_space<vmem>>
        %dma_wait3A_317 = tpu.memref_squeeze %dma_wait3A_316 : memref<1x128xi32, #tpu.memory_space<vmem>> -> memref<128xi32, #tpu.memory_space<vmem>>
        %dma_wait3A_318 = arith.constant 0 : i32
        %dma_wait3A_319 = tpu.memref_slice %arg3[%dma_wait3A_318] : memref<12845056xi32, #tpu.memory_space<hbm>> -> memref<12845056xi32, #tpu.memory_space<hbm>>
        tpu.wait_indirect_dma semaphore(%arg10 : memref<!tpu.dma_semaphore, #tpu.memory_space<semaphore_mem>>) src(%dma_wait3A_314 : memref<128xi32, #tpu.memory_space<vmem>>) dst(%dma_wait3A_319 : memref<12845056xi32, #tpu.memory_space<hbm>>)
        %dma_wait3A_320 = arith.constant 1 : i32
        %dma_wait3A_321 = arith.constant 128 : i32
        %dma_wait3A_322 = tpu.memref_slice %arg7[%dma_wait3A_321] : memref<2048xi32, #tpu.memory_space<vmem>> -> memref<128xi32, #tpu.memory_space<vmem>>
        %dma_wait3A_323 = arith.constant 0 : i32
        %dma_wait3A_324 = tpu.memref_slice %arg6[%dma_wait3A_320, %dma_wait3A_323] : memref<16x128xi32, #tpu.memory_space<vmem>> -> memref<1x128xi32, #tpu.memory_space<vmem>>
        %dma_wait3A_325 = tpu.memref_squeeze %dma_wait3A_324 : memref<1x128xi32, #tpu.memory_space<vmem>> -> memref<128xi32, #tpu.memory_space<vmem>>
        %dma_wait3A_326 = arith.constant 0 : i32
        %dma_wait3A_327 = tpu.memref_slice %arg3[%dma_wait3A_326] : memref<12845056xi32, #tpu.memory_space<hbm>> -> memref<12845056xi32, #tpu.memory_space<hbm>>
        tpu.wait_indirect_dma semaphore(%arg10 : memref<!tpu.dma_semaphore, #tpu.memory_space<semaphore_mem>>) src(%dma_wait3A_322 : memref<128xi32, #tpu.memory_space<vmem>>) dst(%dma_wait3A_327 : memref<12845056xi32, #tpu.memory_space<hbm>>)
        %dma_wait3A_328 = arith.constant 2 : i32
        %dma_wait3A_329 = arith.constant 256 : i32
        %dma_wait3A_330 = tpu.memref_slice %arg7[%dma_wait3A_329] : memref<2048xi32, #tpu.memory_space<vmem>> -> memref<128xi32, #tpu.memory_space<vmem>>
        %dma_wait3A_331 = arith.constant 0 : i32
        %dma_wait3A_332 = tpu.memref_slice %arg6[%dma_wait3A_328, %dma_wait3A_331] : memref<16x128xi32, #tpu.memory_space<vmem>> -> memref<1x128xi32, #tpu.memory_space<vmem>>
        %dma_wait3A_333 = tpu.memref_squeeze %dma_wait3A_332 : memref<1x128xi32, #tpu.memory_space<vmem>> -> memref<128xi32, #tpu.memory_space<vmem>>
        %dma_wait3A_334 = arith.constant 0 : i32
        %dma_wait3A_335 = tpu.memref_slice %arg3[%dma_wait3A_334] : memref<12845056xi32, #tpu.memory_space<hbm>> -> memref<12845056xi32, #tpu.memory_space<hbm>>
        tpu.wait_indirect_dma semaphore(%arg10 : memref<!tpu.dma_semaphore, #tpu.memory_space<semaphore_mem>>) src(%dma_wait3A_330 : memref<128xi32, #tpu.memory_space<vmem>>) dst(%dma_wait3A_335 : memref<12845056xi32, #tpu.memory_space<hbm>>)
        %dma_wait3A_336 = arith.constant 3 : i32
        %dma_wait3A_337 = arith.constant 384 : i32
        %dma_wait3A_338 = tpu.memref_slice %arg7[%dma_wait3A_337] : memref<2048xi32, #tpu.memory_space<vmem>> -> memref<128xi32, #tpu.memory_space<vmem>>
        %dma_wait3A_339 = arith.constant 0 : i32
        %dma_wait3A_340 = tpu.memref_slice %arg6[%dma_wait3A_336, %dma_wait3A_339] : memref<16x128xi32, #tpu.memory_space<vmem>> -> memref<1x128xi32, #tpu.memory_space<vmem>>
        %dma_wait3A_341 = tpu.memref_squeeze %dma_wait3A_340 : memref<1x128xi32, #tpu.memory_space<vmem>> -> memref<128xi32, #tpu.memory_space<vmem>>
        %dma_wait3A_342 = arith.constant 0 : i32
        %dma_wait3A_343 = tpu.memref_slice %arg3[%dma_wait3A_342] : memref<12845056xi32, #tpu.memory_space<hbm>> -> memref<12845056xi32, #tpu.memory_space<hbm>>
        tpu.wait_indirect_dma semaphore(%arg10 : memref<!tpu.dma_semaphore, #tpu.memory_space<semaphore_mem>>) src(%dma_wait3A_338 : memref<128xi32, #tpu.memory_space<vmem>>) dst(%dma_wait3A_343 : memref<12845056xi32, #tpu.memory_space<hbm>>)
        %dma_wait3A_344 = arith.constant 4 : i32
        %dma_wait3A_345 = arith.constant 512 : i32
        %dma_wait3A_346 = tpu.memref_slice %arg7[%dma_wait3A_345] : memref<2048xi32, #tpu.memory_space<vmem>> -> memref<128xi32, #tpu.memory_space<vmem>>
        %dma_wait3A_347 = arith.constant 0 : i32
        %dma_wait3A_348 = tpu.memref_slice %arg6[%dma_wait3A_344, %dma_wait3A_347] : memref<16x128xi32, #tpu.memory_space<vmem>> -> memref<1x128xi32, #tpu.memory_space<vmem>>
        %dma_wait3A_349 = tpu.memref_squeeze %dma_wait3A_348 : memref<1x128xi32, #tpu.memory_space<vmem>> -> memref<128xi32, #tpu.memory_space<vmem>>
        %dma_wait3A_350 = arith.constant 0 : i32
        %dma_wait3A_351 = tpu.memref_slice %arg3[%dma_wait3A_350] : memref<12845056xi32, #tpu.memory_space<hbm>> -> memref<12845056xi32, #tpu.memory_space<hbm>>
        tpu.wait_indirect_dma semaphore(%arg10 : memref<!tpu.dma_semaphore, #tpu.memory_space<semaphore_mem>>) src(%dma_wait3A_346 : memref<128xi32, #tpu.memory_space<vmem>>) dst(%dma_wait3A_351 : memref<12845056xi32, #tpu.memory_space<hbm>>)
        %dma_wait3A_352 = arith.constant 5 : i32
        %dma_wait3A_353 = arith.constant 640 : i32
        %dma_wait3A_354 = tpu.memref_slice %arg7[%dma_wait3A_353] : memref<2048xi32, #tpu.memory_space<vmem>> -> memref<128xi32, #tpu.memory_space<vmem>>
        %dma_wait3A_355 = arith.constant 0 : i32
        %dma_wait3A_356 = tpu.memref_slice %arg6[%dma_wait3A_352, %dma_wait3A_355] : memref<16x128xi32, #tpu.memory_space<vmem>> -> memref<1x128xi32, #tpu.memory_space<vmem>>
        %dma_wait3A_357 = tpu.memref_squeeze %dma_wait3A_356 : memref<1x128xi32, #tpu.memory_space<vmem>> -> memref<128xi32, #tpu.memory_space<vmem>>
        %dma_wait3A_358 = arith.constant 0 : i32
        %dma_wait3A_359 = tpu.memref_slice %arg3[%dma_wait3A_358] : memref<12845056xi32, #tpu.memory_space<hbm>> -> memref<12845056xi32, #tpu.memory_space<hbm>>
        tpu.wait_indirect_dma semaphore(%arg10 : memref<!tpu.dma_semaphore, #tpu.memory_space<semaphore_mem>>) src(%dma_wait3A_354 : memref<128xi32, #tpu.memory_space<vmem>>) dst(%dma_wait3A_359 : memref<12845056xi32, #tpu.memory_space<hbm>>)
        %dma_wait3A_360 = arith.constant 6 : i32
        %dma_wait3A_361 = arith.constant 768 : i32
        %dma_wait3A_362 = tpu.memref_slice %arg7[%dma_wait3A_361] : memref<2048xi32, #tpu.memory_space<vmem>> -> memref<128xi32, #tpu.memory_space<vmem>>
        %dma_wait3A_363 = arith.constant 0 : i32
        %dma_wait3A_364 = tpu.memref_slice %arg6[%dma_wait3A_360, %dma_wait3A_363] : memref<16x128xi32, #tpu.memory_space<vmem>> -> memref<1x128xi32, #tpu.memory_space<vmem>>
        %dma_wait3A_365 = tpu.memref_squeeze %dma_wait3A_364 : memref<1x128xi32, #tpu.memory_space<vmem>> -> memref<128xi32, #tpu.memory_space<vmem>>
        %dma_wait3A_366 = arith.constant 0 : i32
        %dma_wait3A_367 = tpu.memref_slice %arg3[%dma_wait3A_366] : memref<12845056xi32, #tpu.memory_space<hbm>> -> memref<12845056xi32, #tpu.memory_space<hbm>>
        tpu.wait_indirect_dma semaphore(%arg10 : memref<!tpu.dma_semaphore, #tpu.memory_space<semaphore_mem>>) src(%dma_wait3A_362 : memref<128xi32, #tpu.memory_space<vmem>>) dst(%dma_wait3A_367 : memref<12845056xi32, #tpu.memory_space<hbm>>)
        %dma_wait3A_368 = arith.constant 7 : i32
        %dma_wait3A_369 = arith.constant 896 : i32
        %dma_wait3A_370 = tpu.memref_slice %arg7[%dma_wait3A_369] : memref<2048xi32, #tpu.memory_space<vmem>> -> memref<128xi32, #tpu.memory_space<vmem>>
        %dma_wait3A_371 = arith.constant 0 : i32
        %dma_wait3A_372 = tpu.memref_slice %arg6[%dma_wait3A_368, %dma_wait3A_371] : memref<16x128xi32, #tpu.memory_space<vmem>> -> memref<1x128xi32, #tpu.memory_space<vmem>>
        %dma_wait3A_373 = tpu.memref_squeeze %dma_wait3A_372 : memref<1x128xi32, #tpu.memory_space<vmem>> -> memref<128xi32, #tpu.memory_space<vmem>>
        %dma_wait3A_374 = arith.constant 0 : i32
        %dma_wait3A_375 = tpu.memref_slice %arg3[%dma_wait3A_374] : memref<12845056xi32, #tpu.memory_space<hbm>> -> memref<12845056xi32, #tpu.memory_space<hbm>>
        tpu.wait_indirect_dma semaphore(%arg10 : memref<!tpu.dma_semaphore, #tpu.memory_space<semaphore_mem>>) src(%dma_wait3A_370 : memref<128xi32, #tpu.memory_space<vmem>>) dst(%dma_wait3A_375 : memref<12845056xi32, #tpu.memory_space<hbm>>)
        %dma_wait3A_376 = arith.constant 8 : i32
        %dma_wait3A_377 = arith.constant 1024 : i32
        %dma_wait3A_378 = tpu.memref_slice %arg7[%dma_wait3A_377] : memref<2048xi32, #tpu.memory_space<vmem>> -> memref<128xi32, #tpu.memory_space<vmem>>
        %dma_wait3A_379 = arith.constant 0 : i32
        %dma_wait3A_380 = tpu.memref_slice %arg6[%dma_wait3A_376, %dma_wait3A_379] : memref<16x128xi32, #tpu.memory_space<vmem>> -> memref<1x128xi32, #tpu.memory_space<vmem>>
        %dma_wait3A_381 = tpu.memref_squeeze %dma_wait3A_380 : memref<1x128xi32, #tpu.memory_space<vmem>> -> memref<128xi32, #tpu.memory_space<vmem>>
        %dma_wait3A_382 = arith.constant 0 : i32
        %dma_wait3A_383 = tpu.memref_slice %arg3[%dma_wait3A_382] : memref<12845056xi32, #tpu.memory_space<hbm>> -> memref<12845056xi32, #tpu.memory_space<hbm>>
        tpu.wait_indirect_dma semaphore(%arg10 : memref<!tpu.dma_semaphore, #tpu.memory_space<semaphore_mem>>) src(%dma_wait3A_378 : memref<128xi32, #tpu.memory_space<vmem>>) dst(%dma_wait3A_383 : memref<12845056xi32, #tpu.memory_space<hbm>>)
        %dma_wait3A_384 = arith.constant 9 : i32
        %dma_wait3A_385 = arith.constant 1152 : i32
        %dma_wait3A_386 = tpu.memref_slice %arg7[%dma_wait3A_385] : memref<2048xi32, #tpu.memory_space<vmem>> -> memref<128xi32, #tpu.memory_space<vmem>>
        %dma_wait3A_387 = arith.constant 0 : i32
        %dma_wait3A_388 = tpu.memref_slice %arg6[%dma_wait3A_384, %dma_wait3A_387] : memref<16x128xi32, #tpu.memory_space<vmem>> -> memref<1x128xi32, #tpu.memory_space<vmem>>
        %dma_wait3A_389 = tpu.memref_squeeze %dma_wait3A_388 : memref<1x128xi32, #tpu.memory_space<vmem>> -> memref<128xi32, #tpu.memory_space<vmem>>
        %dma_wait3A_390 = arith.constant 0 : i32
        %dma_wait3A_391 = tpu.memref_slice %arg3[%dma_wait3A_390] : memref<12845056xi32, #tpu.memory_space<hbm>> -> memref<12845056xi32, #tpu.memory_space<hbm>>
        tpu.wait_indirect_dma semaphore(%arg10 : memref<!tpu.dma_semaphore, #tpu.memory_space<semaphore_mem>>) src(%dma_wait3A_386 : memref<128xi32, #tpu.memory_space<vmem>>) dst(%dma_wait3A_391 : memref<12845056xi32, #tpu.memory_space<hbm>>)
        %dma_wait3A_392 = arith.constant 10 : i32
        %dma_wait3A_393 = arith.constant 1280 : i32
        %dma_wait3A_394 = tpu.memref_slice %arg7[%dma_wait3A_393] : memref<2048xi32, #tpu.memory_space<vmem>> -> memref<128xi32, #tpu.memory_space<vmem>>
        %dma_wait3A_395 = arith.constant 0 : i32
        %dma_wait3A_396 = tpu.memref_slice %arg6[%dma_wait3A_392, %dma_wait3A_395] : memref<16x128xi32, #tpu.memory_space<vmem>> -> memref<1x128xi32, #tpu.memory_space<vmem>>
        %dma_wait3A_397 = tpu.memref_squeeze %dma_wait3A_396 : memref<1x128xi32, #tpu.memory_space<vmem>> -> memref<128xi32, #tpu.memory_space<vmem>>
        %dma_wait3A_398 = arith.constant 0 : i32
        %dma_wait3A_399 = tpu.memref_slice %arg3[%dma_wait3A_398] : memref<12845056xi32, #tpu.memory_space<hbm>> -> memref<12845056xi32, #tpu.memory_space<hbm>>
        tpu.wait_indirect_dma semaphore(%arg10 : memref<!tpu.dma_semaphore, #tpu.memory_space<semaphore_mem>>) src(%dma_wait3A_394 : memref<128xi32, #tpu.memory_space<vmem>>) dst(%dma_wait3A_399 : memref<12845056xi32, #tpu.memory_space<hbm>>)
        %dma_wait3A_400 = arith.constant 11 : i32
        %dma_wait3A_401 = arith.constant 1408 : i32
        %dma_wait3A_402 = tpu.memref_slice %arg7[%dma_wait3A_401] : memref<2048xi32, #tpu.memory_space<vmem>> -> memref<128xi32, #tpu.memory_space<vmem>>
        %dma_wait3A_403 = arith.constant 0 : i32
        %dma_wait3A_404 = tpu.memref_slice %arg6[%dma_wait3A_400, %dma_wait3A_403] : memref<16x128xi32, #tpu.memory_space<vmem>> -> memref<1x128xi32, #tpu.memory_space<vmem>>
        %dma_wait3A_405 = tpu.memref_squeeze %dma_wait3A_404 : memref<1x128xi32, #tpu.memory_space<vmem>> -> memref<128xi32, #tpu.memory_space<vmem>>
        %dma_wait3A_406 = arith.constant 0 : i32
        %dma_wait3A_407 = tpu.memref_slice %arg3[%dma_wait3A_406] : memref<12845056xi32, #tpu.memory_space<hbm>> -> memref<12845056xi32, #tpu.memory_space<hbm>>
        tpu.wait_indirect_dma semaphore(%arg10 : memref<!tpu.dma_semaphore, #tpu.memory_space<semaphore_mem>>) src(%dma_wait3A_402 : memref<128xi32, #tpu.memory_space<vmem>>) dst(%dma_wait3A_407 : memref<12845056xi32, #tpu.memory_space<hbm>>)
        %dma_wait3A_408 = arith.constant 12 : i32
        %dma_wait3A_409 = arith.constant 1536 : i32
        %dma_wait3A_410 = tpu.memref_slice %arg7[%dma_wait3A_409] : memref<2048xi32, #tpu.memory_space<vmem>> -> memref<128xi32, #tpu.memory_space<vmem>>
        %dma_wait3A_411 = arith.constant 0 : i32
        %dma_wait3A_412 = tpu.memref_slice %arg6[%dma_wait3A_408, %dma_wait3A_411] : memref<16x128xi32, #tpu.memory_space<vmem>> -> memref<1x128xi32, #tpu.memory_space<vmem>>
        %dma_wait3A_413 = tpu.memref_squeeze %dma_wait3A_412 : memref<1x128xi32, #tpu.memory_space<vmem>> -> memref<128xi32, #tpu.memory_space<vmem>>
        %dma_wait3A_414 = arith.constant 0 : i32
        %dma_wait3A_415 = tpu.memref_slice %arg3[%dma_wait3A_414] : memref<12845056xi32, #tpu.memory_space<hbm>> -> memref<12845056xi32, #tpu.memory_space<hbm>>
        tpu.wait_indirect_dma semaphore(%arg10 : memref<!tpu.dma_semaphore, #tpu.memory_space<semaphore_mem>>) src(%dma_wait3A_410 : memref<128xi32, #tpu.memory_space<vmem>>) dst(%dma_wait3A_415 : memref<12845056xi32, #tpu.memory_space<hbm>>)
        %dma_wait3A_416 = arith.constant 13 : i32
        %dma_wait3A_417 = arith.constant 1664 : i32
        %dma_wait3A_418 = tpu.memref_slice %arg7[%dma_wait3A_417] : memref<2048xi32, #tpu.memory_space<vmem>> -> memref<128xi32, #tpu.memory_space<vmem>>
        %dma_wait3A_419 = arith.constant 0 : i32
        %dma_wait3A_420 = tpu.memref_slice %arg6[%dma_wait3A_416, %dma_wait3A_419] : memref<16x128xi32, #tpu.memory_space<vmem>> -> memref<1x128xi32, #tpu.memory_space<vmem>>
        %dma_wait3A_421 = tpu.memref_squeeze %dma_wait3A_420 : memref<1x128xi32, #tpu.memory_space<vmem>> -> memref<128xi32, #tpu.memory_space<vmem>>
        %dma_wait3A_422 = arith.constant 0 : i32
        %dma_wait3A_423 = tpu.memref_slice %arg3[%dma_wait3A_422] : memref<12845056xi32, #tpu.memory_space<hbm>> -> memref<12845056xi32, #tpu.memory_space<hbm>>
        tpu.wait_indirect_dma semaphore(%arg10 : memref<!tpu.dma_semaphore, #tpu.memory_space<semaphore_mem>>) src(%dma_wait3A_418 : memref<128xi32, #tpu.memory_space<vmem>>) dst(%dma_wait3A_423 : memref<12845056xi32, #tpu.memory_space<hbm>>)
        %dma_wait3A_424 = arith.constant 14 : i32
        %dma_wait3A_425 = arith.constant 1792 : i32
        %dma_wait3A_426 = tpu.memref_slice %arg7[%dma_wait3A_425] : memref<2048xi32, #tpu.memory_space<vmem>> -> memref<128xi32, #tpu.memory_space<vmem>>
        %dma_wait3A_427 = arith.constant 0 : i32
        %dma_wait3A_428 = tpu.memref_slice %arg6[%dma_wait3A_424, %dma_wait3A_427] : memref<16x128xi32, #tpu.memory_space<vmem>> -> memref<1x128xi32, #tpu.memory_space<vmem>>
        %dma_wait3A_429 = tpu.memref_squeeze %dma_wait3A_428 : memref<1x128xi32, #tpu.memory_space<vmem>> -> memref<128xi32, #tpu.memory_space<vmem>>
        %dma_wait3A_430 = arith.constant 0 : i32
        %dma_wait3A_431 = tpu.memref_slice %arg3[%dma_wait3A_430] : memref<12845056xi32, #tpu.memory_space<hbm>> -> memref<12845056xi32, #tpu.memory_space<hbm>>
        tpu.wait_indirect_dma semaphore(%arg10 : memref<!tpu.dma_semaphore, #tpu.memory_space<semaphore_mem>>) src(%dma_wait3A_426 : memref<128xi32, #tpu.memory_space<vmem>>) dst(%dma_wait3A_431 : memref<12845056xi32, #tpu.memory_space<hbm>>)
        %dma_wait3A_432 = arith.constant 15 : i32
        %dma_wait3A_433 = arith.constant 1920 : i32
        %dma_wait3A_434 = tpu.memref_slice %arg7[%dma_wait3A_433] : memref<2048xi32, #tpu.memory_space<vmem>> -> memref<128xi32, #tpu.memory_space<vmem>>
        %dma_wait3A_435 = arith.constant 0 : i32
        %dma_wait3A_436 = tpu.memref_slice %arg6[%dma_wait3A_432, %dma_wait3A_435] : memref<16x128xi32, #tpu.memory_space<vmem>> -> memref<1x128xi32, #tpu.memory_space<vmem>>
        %dma_wait3A_437 = tpu.memref_squeeze %dma_wait3A_436 : memref<1x128xi32, #tpu.memory_space<vmem>> -> memref<128xi32, #tpu.memory_space<vmem>>
        %dma_wait3A_438 = arith.constant 0 : i32
        %dma_wait3A_439 = tpu.memref_slice %arg3[%dma_wait3A_438] : memref<12845056xi32, #tpu.memory_space<hbm>> -> memref<12845056xi32, #tpu.memory_space<hbm>>
        tpu.wait_indirect_dma semaphore(%arg10 : memref<!tpu.dma_semaphore, #tpu.memory_space<semaphore_mem>>) src(%dma_wait3A_434 : memref<128xi32, #tpu.memory_space<vmem>>) dst(%dma_wait3A_439 : memref<12845056xi32, #tpu.memory_space<hbm>>)
        %dma_wait3A_440 = arith.constant 0 : i32
        %dma_wait3A_441 = arith.constant 0 : i32
        %dma_wait3A_442 = tpu.memref_slice %arg8[%dma_wait3A_441] : memref<2048xi32, #tpu.memory_space<vmem>> -> memref<128xi32, #tpu.memory_space<vmem>>
        %dma_wait3A_443 = arith.constant 0 : i32
        %dma_wait3A_444 = tpu.memref_slice %arg6[%dma_wait3A_440, %dma_wait3A_443] : memref<16x128xi32, #tpu.memory_space<vmem>> -> memref<1x128xi32, #tpu.memory_space<vmem>>
        %dma_wait3A_445 = tpu.memref_squeeze %dma_wait3A_444 : memref<1x128xi32, #tpu.memory_space<vmem>> -> memref<128xi32, #tpu.memory_space<vmem>>
        %dma_wait3A_446 = arith.constant 0 : i32
        %dma_wait3A_447 = tpu.memref_slice %arg4[%dma_wait3A_446] : memref<12845056xi32, #tpu.memory_space<hbm>> -> memref<12845056xi32, #tpu.memory_space<hbm>>
        tpu.wait_indirect_dma semaphore(%arg10 : memref<!tpu.dma_semaphore, #tpu.memory_space<semaphore_mem>>) src(%dma_wait3A_442 : memref<128xi32, #tpu.memory_space<vmem>>) dst(%dma_wait3A_447 : memref<12845056xi32, #tpu.memory_space<hbm>>)
        %dma_wait3A_448 = arith.constant 1 : i32
        %dma_wait3A_449 = arith.constant 128 : i32
        %dma_wait3A_450 = tpu.memref_slice %arg8[%dma_wait3A_449] : memref<2048xi32, #tpu.memory_space<vmem>> -> memref<128xi32, #tpu.memory_space<vmem>>
        %dma_wait3A_451 = arith.constant 0 : i32
        %dma_wait3A_452 = tpu.memref_slice %arg6[%dma_wait3A_448, %dma_wait3A_451] : memref<16x128xi32, #tpu.memory_space<vmem>> -> memref<1x128xi32, #tpu.memory_space<vmem>>
        %dma_wait3A_453 = tpu.memref_squeeze %dma_wait3A_452 : memref<1x128xi32, #tpu.memory_space<vmem>> -> memref<128xi32, #tpu.memory_space<vmem>>
        %dma_wait3A_454 = arith.constant 0 : i32
        %dma_wait3A_455 = tpu.memref_slice %arg4[%dma_wait3A_454] : memref<12845056xi32, #tpu.memory_space<hbm>> -> memref<12845056xi32, #tpu.memory_space<hbm>>
        tpu.wait_indirect_dma semaphore(%arg10 : memref<!tpu.dma_semaphore, #tpu.memory_space<semaphore_mem>>) src(%dma_wait3A_450 : memref<128xi32, #tpu.memory_space<vmem>>) dst(%dma_wait3A_455 : memref<12845056xi32, #tpu.memory_space<hbm>>)
        %dma_wait3A_456 = arith.constant 2 : i32
        %dma_wait3A_457 = arith.constant 256 : i32
        %dma_wait3A_458 = tpu.memref_slice %arg8[%dma_wait3A_457] : memref<2048xi32, #tpu.memory_space<vmem>> -> memref<128xi32, #tpu.memory_space<vmem>>
        %dma_wait3A_459 = arith.constant 0 : i32
        %dma_wait3A_460 = tpu.memref_slice %arg6[%dma_wait3A_456, %dma_wait3A_459] : memref<16x128xi32, #tpu.memory_space<vmem>> -> memref<1x128xi32, #tpu.memory_space<vmem>>
        %dma_wait3A_461 = tpu.memref_squeeze %dma_wait3A_460 : memref<1x128xi32, #tpu.memory_space<vmem>> -> memref<128xi32, #tpu.memory_space<vmem>>
        %dma_wait3A_462 = arith.constant 0 : i32
        %dma_wait3A_463 = tpu.memref_slice %arg4[%dma_wait3A_462] : memref<12845056xi32, #tpu.memory_space<hbm>> -> memref<12845056xi32, #tpu.memory_space<hbm>>
        tpu.wait_indirect_dma semaphore(%arg10 : memref<!tpu.dma_semaphore, #tpu.memory_space<semaphore_mem>>) src(%dma_wait3A_458 : memref<128xi32, #tpu.memory_space<vmem>>) dst(%dma_wait3A_463 : memref<12845056xi32, #tpu.memory_space<hbm>>)
        %dma_wait3A_464 = arith.constant 3 : i32
        %dma_wait3A_465 = arith.constant 384 : i32
        %dma_wait3A_466 = tpu.memref_slice %arg8[%dma_wait3A_465] : memref<2048xi32, #tpu.memory_space<vmem>> -> memref<128xi32, #tpu.memory_space<vmem>>
        %dma_wait3A_467 = arith.constant 0 : i32
        %dma_wait3A_468 = tpu.memref_slice %arg6[%dma_wait3A_464, %dma_wait3A_467] : memref<16x128xi32, #tpu.memory_space<vmem>> -> memref<1x128xi32, #tpu.memory_space<vmem>>
        %dma_wait3A_469 = tpu.memref_squeeze %dma_wait3A_468 : memref<1x128xi32, #tpu.memory_space<vmem>> -> memref<128xi32, #tpu.memory_space<vmem>>
        %dma_wait3A_470 = arith.constant 0 : i32
        %dma_wait3A_471 = tpu.memref_slice %arg4[%dma_wait3A_470] : memref<12845056xi32, #tpu.memory_space<hbm>> -> memref<12845056xi32, #tpu.memory_space<hbm>>
        tpu.wait_indirect_dma semaphore(%arg10 : memref<!tpu.dma_semaphore, #tpu.memory_space<semaphore_mem>>) src(%dma_wait3A_466 : memref<128xi32, #tpu.memory_space<vmem>>) dst(%dma_wait3A_471 : memref<12845056xi32, #tpu.memory_space<hbm>>)
        %dma_wait3A_472 = arith.constant 4 : i32
        %dma_wait3A_473 = arith.constant 512 : i32
        %dma_wait3A_474 = tpu.memref_slice %arg8[%dma_wait3A_473] : memref<2048xi32, #tpu.memory_space<vmem>> -> memref<128xi32, #tpu.memory_space<vmem>>
        %dma_wait3A_475 = arith.constant 0 : i32
        %dma_wait3A_476 = tpu.memref_slice %arg6[%dma_wait3A_472, %dma_wait3A_475] : memref<16x128xi32, #tpu.memory_space<vmem>> -> memref<1x128xi32, #tpu.memory_space<vmem>>
        %dma_wait3A_477 = tpu.memref_squeeze %dma_wait3A_476 : memref<1x128xi32, #tpu.memory_space<vmem>> -> memref<128xi32, #tpu.memory_space<vmem>>
        %dma_wait3A_478 = arith.constant 0 : i32
        %dma_wait3A_479 = tpu.memref_slice %arg4[%dma_wait3A_478] : memref<12845056xi32, #tpu.memory_space<hbm>> -> memref<12845056xi32, #tpu.memory_space<hbm>>
        tpu.wait_indirect_dma semaphore(%arg10 : memref<!tpu.dma_semaphore, #tpu.memory_space<semaphore_mem>>) src(%dma_wait3A_474 : memref<128xi32, #tpu.memory_space<vmem>>) dst(%dma_wait3A_479 : memref<12845056xi32, #tpu.memory_space<hbm>>)
        %dma_wait3A_480 = arith.constant 5 : i32
        %dma_wait3A_481 = arith.constant 640 : i32
        %dma_wait3A_482 = tpu.memref_slice %arg8[%dma_wait3A_481] : memref<2048xi32, #tpu.memory_space<vmem>> -> memref<128xi32, #tpu.memory_space<vmem>>
        %dma_wait3A_483 = arith.constant 0 : i32
        %dma_wait3A_484 = tpu.memref_slice %arg6[%dma_wait3A_480, %dma_wait3A_483] : memref<16x128xi32, #tpu.memory_space<vmem>> -> memref<1x128xi32, #tpu.memory_space<vmem>>
        %dma_wait3A_485 = tpu.memref_squeeze %dma_wait3A_484 : memref<1x128xi32, #tpu.memory_space<vmem>> -> memref<128xi32, #tpu.memory_space<vmem>>
        %dma_wait3A_486 = arith.constant 0 : i32
        %dma_wait3A_487 = tpu.memref_slice %arg4[%dma_wait3A_486] : memref<12845056xi32, #tpu.memory_space<hbm>> -> memref<12845056xi32, #tpu.memory_space<hbm>>
        tpu.wait_indirect_dma semaphore(%arg10 : memref<!tpu.dma_semaphore, #tpu.memory_space<semaphore_mem>>) src(%dma_wait3A_482 : memref<128xi32, #tpu.memory_space<vmem>>) dst(%dma_wait3A_487 : memref<12845056xi32, #tpu.memory_space<hbm>>)
        %dma_wait3A_488 = arith.constant 6 : i32
        %dma_wait3A_489 = arith.constant 768 : i32
        %dma_wait3A_490 = tpu.memref_slice %arg8[%dma_wait3A_489] : memref<2048xi32, #tpu.memory_space<vmem>> -> memref<128xi32, #tpu.memory_space<vmem>>
        %dma_wait3A_491 = arith.constant 0 : i32
        %dma_wait3A_492 = tpu.memref_slice %arg6[%dma_wait3A_488, %dma_wait3A_491] : memref<16x128xi32, #tpu.memory_space<vmem>> -> memref<1x128xi32, #tpu.memory_space<vmem>>
        %dma_wait3A_493 = tpu.memref_squeeze %dma_wait3A_492 : memref<1x128xi32, #tpu.memory_space<vmem>> -> memref<128xi32, #tpu.memory_space<vmem>>
        %dma_wait3A_494 = arith.constant 0 : i32
        %dma_wait3A_495 = tpu.memref_slice %arg4[%dma_wait3A_494] : memref<12845056xi32, #tpu.memory_space<hbm>> -> memref<12845056xi32, #tpu.memory_space<hbm>>
        tpu.wait_indirect_dma semaphore(%arg10 : memref<!tpu.dma_semaphore, #tpu.memory_space<semaphore_mem>>) src(%dma_wait3A_490 : memref<128xi32, #tpu.memory_space<vmem>>) dst(%dma_wait3A_495 : memref<12845056xi32, #tpu.memory_space<hbm>>)
        %dma_wait3A_496 = arith.constant 7 : i32
        %dma_wait3A_497 = arith.constant 896 : i32
        %dma_wait3A_498 = tpu.memref_slice %arg8[%dma_wait3A_497] : memref<2048xi32, #tpu.memory_space<vmem>> -> memref<128xi32, #tpu.memory_space<vmem>>
        %dma_wait3A_499 = arith.constant 0 : i32
        %dma_wait3A_500 = tpu.memref_slice %arg6[%dma_wait3A_496, %dma_wait3A_499] : memref<16x128xi32, #tpu.memory_space<vmem>> -> memref<1x128xi32, #tpu.memory_space<vmem>>
        %dma_wait3A_501 = tpu.memref_squeeze %dma_wait3A_500 : memref<1x128xi32, #tpu.memory_space<vmem>> -> memref<128xi32, #tpu.memory_space<vmem>>
        %dma_wait3A_502 = arith.constant 0 : i32
        %dma_wait3A_503 = tpu.memref_slice %arg4[%dma_wait3A_502] : memref<12845056xi32, #tpu.memory_space<hbm>> -> memref<12845056xi32, #tpu.memory_space<hbm>>
        tpu.wait_indirect_dma semaphore(%arg10 : memref<!tpu.dma_semaphore, #tpu.memory_space<semaphore_mem>>) src(%dma_wait3A_498 : memref<128xi32, #tpu.memory_space<vmem>>) dst(%dma_wait3A_503 : memref<12845056xi32, #tpu.memory_space<hbm>>)
        %dma_wait3A_504 = arith.constant 8 : i32
        %dma_wait3A_505 = arith.constant 1024 : i32
        %dma_wait3A_506 = tpu.memref_slice %arg8[%dma_wait3A_505] : memref<2048xi32, #tpu.memory_space<vmem>> -> memref<128xi32, #tpu.memory_space<vmem>>
        %dma_wait3A_507 = arith.constant 0 : i32
        %dma_wait3A_508 = tpu.memref_slice %arg6[%dma_wait3A_504, %dma_wait3A_507] : memref<16x128xi32, #tpu.memory_space<vmem>> -> memref<1x128xi32, #tpu.memory_space<vmem>>
        %dma_wait3A_509 = tpu.memref_squeeze %dma_wait3A_508 : memref<1x128xi32, #tpu.memory_space<vmem>> -> memref<128xi32, #tpu.memory_space<vmem>>
        %dma_wait3A_510 = arith.constant 0 : i32
        %dma_wait3A_511 = tpu.memref_slice %arg4[%dma_wait3A_510] : memref<12845056xi32, #tpu.memory_space<hbm>> -> memref<12845056xi32, #tpu.memory_space<hbm>>
        tpu.wait_indirect_dma semaphore(%arg10 : memref<!tpu.dma_semaphore, #tpu.memory_space<semaphore_mem>>) src(%dma_wait3A_506 : memref<128xi32, #tpu.memory_space<vmem>>) dst(%dma_wait3A_511 : memref<12845056xi32, #tpu.memory_space<hbm>>)
        %dma_wait3A_512 = arith.constant 9 : i32
        %dma_wait3A_513 = arith.constant 1152 : i32
        %dma_wait3A_514 = tpu.memref_slice %arg8[%dma_wait3A_513] : memref<2048xi32, #tpu.memory_space<vmem>> -> memref<128xi32, #tpu.memory_space<vmem>>
        %dma_wait3A_515 = arith.constant 0 : i32
        %dma_wait3A_516 = tpu.memref_slice %arg6[%dma_wait3A_512, %dma_wait3A_515] : memref<16x128xi32, #tpu.memory_space<vmem>> -> memref<1x128xi32, #tpu.memory_space<vmem>>
        %dma_wait3A_517 = tpu.memref_squeeze %dma_wait3A_516 : memref<1x128xi32, #tpu.memory_space<vmem>> -> memref<128xi32, #tpu.memory_space<vmem>>
        %dma_wait3A_518 = arith.constant 0 : i32
        %dma_wait3A_519 = tpu.memref_slice %arg4[%dma_wait3A_518] : memref<12845056xi32, #tpu.memory_space<hbm>> -> memref<12845056xi32, #tpu.memory_space<hbm>>
        tpu.wait_indirect_dma semaphore(%arg10 : memref<!tpu.dma_semaphore, #tpu.memory_space<semaphore_mem>>) src(%dma_wait3A_514 : memref<128xi32, #tpu.memory_space<vmem>>) dst(%dma_wait3A_519 : memref<12845056xi32, #tpu.memory_space<hbm>>)
        %dma_wait3A_520 = arith.constant 10 : i32
        %dma_wait3A_521 = arith.constant 1280 : i32
        %dma_wait3A_522 = tpu.memref_slice %arg8[%dma_wait3A_521] : memref<2048xi32, #tpu.memory_space<vmem>> -> memref<128xi32, #tpu.memory_space<vmem>>
        %dma_wait3A_523 = arith.constant 0 : i32
        %dma_wait3A_524 = tpu.memref_slice %arg6[%dma_wait3A_520, %dma_wait3A_523] : memref<16x128xi32, #tpu.memory_space<vmem>> -> memref<1x128xi32, #tpu.memory_space<vmem>>
        %dma_wait3A_525 = tpu.memref_squeeze %dma_wait3A_524 : memref<1x128xi32, #tpu.memory_space<vmem>> -> memref<128xi32, #tpu.memory_space<vmem>>
        %dma_wait3A_526 = arith.constant 0 : i32
        %dma_wait3A_527 = tpu.memref_slice %arg4[%dma_wait3A_526] : memref<12845056xi32, #tpu.memory_space<hbm>> -> memref<12845056xi32, #tpu.memory_space<hbm>>
        tpu.wait_indirect_dma semaphore(%arg10 : memref<!tpu.dma_semaphore, #tpu.memory_space<semaphore_mem>>) src(%dma_wait3A_522 : memref<128xi32, #tpu.memory_space<vmem>>) dst(%dma_wait3A_527 : memref<12845056xi32, #tpu.memory_space<hbm>>)
        %dma_wait3A_528 = arith.constant 11 : i32
        %dma_wait3A_529 = arith.constant 1408 : i32
        %dma_wait3A_530 = tpu.memref_slice %arg8[%dma_wait3A_529] : memref<2048xi32, #tpu.memory_space<vmem>> -> memref<128xi32, #tpu.memory_space<vmem>>
        %dma_wait3A_531 = arith.constant 0 : i32
        %dma_wait3A_532 = tpu.memref_slice %arg6[%dma_wait3A_528, %dma_wait3A_531] : memref<16x128xi32, #tpu.memory_space<vmem>> -> memref<1x128xi32, #tpu.memory_space<vmem>>
        %dma_wait3A_533 = tpu.memref_squeeze %dma_wait3A_532 : memref<1x128xi32, #tpu.memory_space<vmem>> -> memref<128xi32, #tpu.memory_space<vmem>>
        %dma_wait3A_534 = arith.constant 0 : i32
        %dma_wait3A_535 = tpu.memref_slice %arg4[%dma_wait3A_534] : memref<12845056xi32, #tpu.memory_space<hbm>> -> memref<12845056xi32, #tpu.memory_space<hbm>>
        tpu.wait_indirect_dma semaphore(%arg10 : memref<!tpu.dma_semaphore, #tpu.memory_space<semaphore_mem>>) src(%dma_wait3A_530 : memref<128xi32, #tpu.memory_space<vmem>>) dst(%dma_wait3A_535 : memref<12845056xi32, #tpu.memory_space<hbm>>)
        %dma_wait3A_536 = arith.constant 12 : i32
        %dma_wait3A_537 = arith.constant 1536 : i32
        %dma_wait3A_538 = tpu.memref_slice %arg8[%dma_wait3A_537] : memref<2048xi32, #tpu.memory_space<vmem>> -> memref<128xi32, #tpu.memory_space<vmem>>
        %dma_wait3A_539 = arith.constant 0 : i32
        %dma_wait3A_540 = tpu.memref_slice %arg6[%dma_wait3A_536, %dma_wait3A_539] : memref<16x128xi32, #tpu.memory_space<vmem>> -> memref<1x128xi32, #tpu.memory_space<vmem>>
        %dma_wait3A_541 = tpu.memref_squeeze %dma_wait3A_540 : memref<1x128xi32, #tpu.memory_space<vmem>> -> memref<128xi32, #tpu.memory_space<vmem>>
        %dma_wait3A_542 = arith.constant 0 : i32
        %dma_wait3A_543 = tpu.memref_slice %arg4[%dma_wait3A_542] : memref<12845056xi32, #tpu.memory_space<hbm>> -> memref<12845056xi32, #tpu.memory_space<hbm>>
        tpu.wait_indirect_dma semaphore(%arg10 : memref<!tpu.dma_semaphore, #tpu.memory_space<semaphore_mem>>) src(%dma_wait3A_538 : memref<128xi32, #tpu.memory_space<vmem>>) dst(%dma_wait3A_543 : memref<12845056xi32, #tpu.memory_space<hbm>>)
        %dma_wait3A_544 = arith.constant 13 : i32
        %dma_wait3A_545 = arith.constant 1664 : i32
        %dma_wait3A_546 = tpu.memref_slice %arg8[%dma_wait3A_545] : memref<2048xi32, #tpu.memory_space<vmem>> -> memref<128xi32, #tpu.memory_space<vmem>>
        %dma_wait3A_547 = arith.constant 0 : i32
        %dma_wait3A_548 = tpu.memref_slice %arg6[%dma_wait3A_544, %dma_wait3A_547] : memref<16x128xi32, #tpu.memory_space<vmem>> -> memref<1x128xi32, #tpu.memory_space<vmem>>
        %dma_wait3A_549 = tpu.memref_squeeze %dma_wait3A_548 : memref<1x128xi32, #tpu.memory_space<vmem>> -> memref<128xi32, #tpu.memory_space<vmem>>
        %dma_wait3A_550 = arith.constant 0 : i32
        %dma_wait3A_551 = tpu.memref_slice %arg4[%dma_wait3A_550] : memref<12845056xi32, #tpu.memory_space<hbm>> -> memref<12845056xi32, #tpu.memory_space<hbm>>
        tpu.wait_indirect_dma semaphore(%arg10 : memref<!tpu.dma_semaphore, #tpu.memory_space<semaphore_mem>>) src(%dma_wait3A_546 : memref<128xi32, #tpu.memory_space<vmem>>) dst(%dma_wait3A_551 : memref<12845056xi32, #tpu.memory_space<hbm>>)
        %dma_wait3A_552 = arith.constant 14 : i32
        %dma_wait3A_553 = arith.constant 1792 : i32
        %dma_wait3A_554 = tpu.memref_slice %arg8[%dma_wait3A_553] : memref<2048xi32, #tpu.memory_space<vmem>> -> memref<128xi32, #tpu.memory_space<vmem>>
        %dma_wait3A_555 = arith.constant 0 : i32
        %dma_wait3A_556 = tpu.memref_slice %arg6[%dma_wait3A_552, %dma_wait3A_555] : memref<16x128xi32, #tpu.memory_space<vmem>> -> memref<1x128xi32, #tpu.memory_space<vmem>>
        %dma_wait3A_557 = tpu.memref_squeeze %dma_wait3A_556 : memref<1x128xi32, #tpu.memory_space<vmem>> -> memref<128xi32, #tpu.memory_space<vmem>>
        %dma_wait3A_558 = arith.constant 0 : i32
        %dma_wait3A_559 = tpu.memref_slice %arg4[%dma_wait3A_558] : memref<12845056xi32, #tpu.memory_space<hbm>> -> memref<12845056xi32, #tpu.memory_space<hbm>>
        tpu.wait_indirect_dma semaphore(%arg10 : memref<!tpu.dma_semaphore, #tpu.memory_space<semaphore_mem>>) src(%dma_wait3A_554 : memref<128xi32, #tpu.memory_space<vmem>>) dst(%dma_wait3A_559 : memref<12845056xi32, #tpu.memory_space<hbm>>)
        %dma_wait3A_560 = arith.constant 15 : i32
        %dma_wait3A_561 = arith.constant 1920 : i32
        %dma_wait3A_562 = tpu.memref_slice %arg8[%dma_wait3A_561] : memref<2048xi32, #tpu.memory_space<vmem>> -> memref<128xi32, #tpu.memory_space<vmem>>
        %dma_wait3A_563 = arith.constant 0 : i32
        %dma_wait3A_564 = tpu.memref_slice %arg6[%dma_wait3A_560, %dma_wait3A_563] : memref<16x128xi32, #tpu.memory_space<vmem>> -> memref<1x128xi32, #tpu.memory_space<vmem>>
        %dma_wait3A_565 = tpu.memref_squeeze %dma_wait3A_564 : memref<1x128xi32, #tpu.memory_space<vmem>> -> memref<128xi32, #tpu.memory_space<vmem>>
        %dma_wait3A_566 = arith.constant 0 : i32
        %dma_wait3A_567 = tpu.memref_slice %arg4[%dma_wait3A_566] : memref<12845056xi32, #tpu.memory_space<hbm>> -> memref<12845056xi32, #tpu.memory_space<hbm>>
        tpu.wait_indirect_dma semaphore(%arg10 : memref<!tpu.dma_semaphore, #tpu.memory_space<semaphore_mem>>) src(%dma_wait3A_562 : memref<128xi32, #tpu.memory_space<vmem>>) dst(%dma_wait3A_567 : memref<12845056xi32, #tpu.memory_space<hbm>>)
        %scan3A_568 = arith.constant 0 : i32
        scf.yield %scan3A_568 : i32
      }
      %scan3A_41 = arith.constant 49 : i32
      %scan3A_42 = arith.constant 0 : i32
      scf.yield %scan3A_42 : i32
    }
    %scan3A_7 = arith.constant 4 : i32
    return
  }
}

#map = affine_map<(d0, d1) -> (0)>
module attributes {stable_mosaic.version = 14 : i64} {
  func.func @body(%arg0: i32, %arg1: i32, %arg2: memref<12845056xi32, #tpu.memory_space<hbm>>, %arg3: memref<12845056xi32, #tpu.memory_space<hbm>>, %arg4: memref<12845056xi32, #tpu.memory_space<hbm>>, %arg5: memref<2048xi32, #tpu.memory_space<vmem>>, %arg6: memref<2048xi32, #tpu.memory_space<vmem>>, %arg7: memref<16x128xi32, #tpu.memory_space<vmem>>, %arg8: memref<65536xi32, #tpu.memory_space<vmem>>, %arg9: memref<!tpu.dma_semaphore, #tpu.memory_space<semaphore_mem>>) attributes {dimension_semantics = [#tpu.dimension_semantics<core_parallel>, #tpu.dimension_semantics<subcore_parallel>], iteration_bounds = array<i64: 2, 16>, scalar_prefetch = 0 : i64, scratch_operands = 5 : i64, tpu.core_type = #tpu.core_type<sc_vector_subcore>, window_params = [{transform_indices = #map}, {transform_indices = #map}, {transform_indices = #map}]} {
    %mul3A = arith.constant 2 : i32
    %mul3A_0 = arith.muli %arg1, %mul3A : i32
    %add3A = arith.addi %mul3A_0, %arg0 : i32
    %broadcast_in_dim3A = arith.constant 1 : i32
    %broadcast_in_dim3A_1 = vector.broadcast %broadcast_in_dim3A : i32 to vector<16xi32>
    %scan3A = arith.constant 0 : i32
    %scan3A_2 = arith.constant 0 : i32
    %scan3A_3 = arith.constant 4 : i32
    %scan3A_4 = arith.addi %scan3A_2, %scan3A_3 : i32
    %scan3A_5 = arith.constant 1 : i32
    %scan3A_6 = scf.for %scan3A_8 = %scan3A_2 to %scan3A_4 step %scan3A_5 iter_args(%scan3A_9 = %scan3A) -> (i32)  : i32 {
      %mul3A_10 = arith.constant 4 : i32
      %mul3A_11 = arith.muli %add3A, %mul3A_10 : i32
      %add3A_12 = arith.addi %mul3A_11, %scan3A_8 : i32
      %mul3A_13 = arith.constant 100352 : i32
      %mul3A_14 = arith.muli %add3A_12, %mul3A_13 : i32
      %scan3A_15 = arith.constant 0 : i32
      %scan3A_16 = arith.constant 0 : i32
      %scan3A_17 = arith.constant 4096 : i32
      %scan3A_18 = arith.addi %scan3A_16, %scan3A_17 : i32
      %scan3A_19 = arith.constant 1 : i32
      %scan3A_20 = scf.for %scan3A_43 = %scan3A_16 to %scan3A_18 step %scan3A_19 iter_args(%scan3A_44 = %scan3A_15) -> (i32)  : i32 {
        %broadcast_in_dim3A_45 = arith.constant 0 : i32
        %broadcast_in_dim3A_46 = vector.broadcast %broadcast_in_dim3A_45 : i32 to vector<16xi32>
        %mul3A_47 = arith.constant 16 : i32
        %mul3A_48 = arith.muli %scan3A_43, %mul3A_47 : i32
        %swap3A = arith.index_cast %mul3A_48 : i32 to index
        %swap3A_49 = tpu.vector_load %arg8[%swap3A] {strides = array<i32>} : memref<65536xi32, #tpu.memory_space<vmem>>, vector<16xi32>,
        tpu.vector_store %arg8[%swap3A], %broadcast_in_dim3A_46 {strides = array<i32>} : memref<65536xi32, #tpu.memory_space<vmem>>, vector<16xi32>,
        %scan3A_50 = arith.constant 0 : i32
        scf.yield %scan3A_50 : i32
      }
      %scan3A_21 = arith.constant 4096 : i32
      %scan3A_22 = arith.constant 0 : i32
      %scan3A_23 = arith.constant 0 : i32
      %scan3A_24 = arith.constant 49 : i32
      %scan3A_25 = arith.addi %scan3A_23, %scan3A_24 : i32
      %scan3A_26 = arith.constant 1 : i32
      %scan3A_27 = scf.for %scan3A_43 = %scan3A_23 to %scan3A_25 step %scan3A_26 iter_args(%scan3A_44 = %scan3A_22) -> (i32)  : i32 {
        %mul3A_45 = arith.constant 2048 : i32
        %mul3A_46 = arith.muli %scan3A_43, %mul3A_45 : i32
        %add3A_47 = arith.addi %mul3A_14, %mul3A_46 : i32
        "tpu.region"() ({
          %run_scoped3A = tpu.sem_alloc : memref<!tpu.dma_semaphore, #tpu.memory_space<semaphore_mem>>
          %dma_start3A = tpu.memref_slice %arg2[%add3A_47] : memref<12845056xi32, #tpu.memory_space<hbm>> -> memref<2048xi32, #tpu.memory_space<hbm>>
          %dma_start3A_51 = tpu.memref_slice %arg2[%add3A_47] : memref<12845056xi32, #tpu.memory_space<hbm>> -> memref<2048xi32, #tpu.memory_space<hbm>>
          tpu.enqueue_dma source(%dma_start3A_51 : memref<2048xi32, #tpu.memory_space<hbm>>) target(%arg5 : memref<2048xi32, #tpu.memory_space<vmem>>) target_semaphore(%run_scoped3A : memref<!tpu.dma_semaphore, #tpu.memory_space<semaphore_mem>>)
          %dma_wait3A = tpu.memref_slice %arg2[%add3A_47] : memref<12845056xi32, #tpu.memory_space<hbm>> -> memref<2048xi32, #tpu.memory_space<hbm>>
          %dma_wait3A_52 = tpu.memref_slice %arg2[%add3A_47] : memref<12845056xi32, #tpu.memory_space<hbm>> -> memref<2048xi32, #tpu.memory_space<hbm>>
          tpu.wait_dma2 semaphore(%run_scoped3A : memref<!tpu.dma_semaphore, #tpu.memory_space<semaphore_mem>>) src(%dma_wait3A_52 : memref<2048xi32, #tpu.memory_space<hbm>>) dst(%arg5 : memref<2048xi32, #tpu.memory_space<vmem>>)
          tpu.yield
        }) : () -> ()
        %parallel_loop3A = arith.constant 0 : i32
        %parallel_loop3A_48 = arith.constant 128 : i32
        %parallel_loop3A_49 = arith.constant 1 : i32
        scf.for %parallel_loop3A_51 = %parallel_loop3A to %parallel_loop3A_48 step %parallel_loop3A_49  : i32 {
          %parallel_loop3A_52 = arith.constant 16 : i32
          %parallel_loop3A_53 = arith.muli %parallel_loop3A_51, %parallel_loop3A_52 : i32
          %parallel_loop3A_54 = arith.index_cast %parallel_loop3A_53 : i32 to index
          %parallel_loop3A_55 = tpu.vector_load %arg5[%parallel_loop3A_54] {strides = array<i32>} : memref<2048xi32, #tpu.memory_space<vmem>>, vector<16xi32>,
          %parallel_loop3A_56 = arith.constant 16 : i32
          %parallel_loop3A_57 = vector.broadcast %parallel_loop3A_56 : i32 to vector<16xi32>
          %parallel_loop3A_58 = arith.shrui %parallel_loop3A_55, %parallel_loop3A_57 : vector<16xi32>
          tpu.vector_store_idx %arg8[%parallel_loop3A_58], %broadcast_in_dim3A_1 {add = true} : memref<65536xi32, #tpu.memory_space<vmem>>[vector<16xi32>], vector<16xi32>,
        } {sc.loop_unroll_factor = 8 : i64, sc.parallel_access}
        %scan3A_50 = arith.constant 0 : i32
        scf.yield %scan3A_50 : i32
      }
      %scan3A_28 = arith.constant 49 : i32
      %scan3A_29 = arith.constant 0 : i32
      %scan3A_30 = arith.constant 4096 : i32
      %scan3A_31 = arith.addi %scan3A_29, %scan3A_30 : i32
      %scan3A_32 = arith.constant 1 : i32
      %scan3A_33 = scf.for %scan3A_43 = %scan3A_29 to %scan3A_31 step %scan3A_32 iter_args(%scan3A_44 = %mul3A_14) -> (i32)  : i32 {
        %mul3A_45 = arith.constant 16 : i32
        %mul3A_46 = arith.muli %scan3A_43, %mul3A_45 : i32
        %get3A = arith.index_cast %mul3A_46 : i32 to index
        %get3A_47 = tpu.vector_load %arg8[%get3A] {strides = array<i32>} : memref<65536xi32, #tpu.memory_space<vmem>>, vector<16xi32>,
        %broadcast_in_dim3A_48 = arith.constant true
        %broadcast_in_dim3A_49 = vector.broadcast %broadcast_in_dim3A_48 : i1 to vector<16xi1>
        %masked_cumsum3A = tpu.scan <sum>, %get3A_47 masked %broadcast_in_dim3A_49 : vector<16xi32>, vector<16xi1> -> vector<16xi32>
        %add3A_50 = vector.broadcast %scan3A_44 : i32 to vector<16xi32>
        %add3A_51 = arith.addi %add3A_50, %masked_cumsum3A : vector<16xi32>
        %sub3A = arith.subi %add3A_51, %get3A_47 : vector<16xi32>
        %mul3A_52 = arith.constant 16 : i32
        %mul3A_53 = arith.muli %scan3A_43, %mul3A_52 : i32
        %swap3A = arith.index_cast %mul3A_53 : i32 to index
        %swap3A_54 = tpu.vector_load %arg8[%swap3A] {strides = array<i32>} : memref<65536xi32, #tpu.memory_space<vmem>>, vector<16xi32>,
        tpu.vector_store %arg8[%swap3A], %sub3A {strides = array<i32>} : memref<65536xi32, #tpu.memory_space<vmem>>, vector<16xi32>,
        %reduce_sum3A = arith.constant true
        %reduce_sum3A_55 = vector.broadcast %reduce_sum3A : i1 to vector<16xi1>
        %reduce_sum3A_56 = tpu.scan <sum>, %get3A_47 masked %reduce_sum3A_55 : vector<16xi32>, vector<16xi1> -> vector<16xi32>
        %reduce_sum3A_57 = vector.extract %reduce_sum3A_56[15] : i32 from vector<16xi32>
        %add3A_58 = arith.addi %scan3A_44, %reduce_sum3A_57 : i32
        scf.yield %add3A_58 : i32
      }
      %scan3A_34 = arith.constant 4096 : i32
      %scan3A_35 = arith.constant 0 : i32
      %scan3A_36 = arith.constant 0 : i32
      %scan3A_37 = arith.constant 49 : i32
      %scan3A_38 = arith.addi %scan3A_36, %scan3A_37 : i32
      %scan3A_39 = arith.constant 1 : i32
      %scan3A_40 = scf.for %scan3A_43 = %scan3A_36 to %scan3A_38 step %scan3A_39 iter_args(%scan3A_44 = %scan3A_35) -> (i32)  : i32 {
        %mul3A_45 = arith.constant 2048 : i32
        %mul3A_46 = arith.muli %scan3A_43, %mul3A_45 : i32
        %add3A_47 = arith.addi %mul3A_14, %mul3A_46 : i32
        "tpu.region"() ({
          %run_scoped3A = tpu.sem_alloc : memref<!tpu.dma_semaphore, #tpu.memory_space<semaphore_mem>>
          %dma_start3A_313 = tpu.memref_slice %arg2[%add3A_47] : memref<12845056xi32, #tpu.memory_space<hbm>> -> memref<2048xi32, #tpu.memory_space<hbm>>
          %dma_start3A_314 = tpu.memref_slice %arg2[%add3A_47] : memref<12845056xi32, #tpu.memory_space<hbm>> -> memref<2048xi32, #tpu.memory_space<hbm>>
          tpu.enqueue_dma source(%dma_start3A_314 : memref<2048xi32, #tpu.memory_space<hbm>>) target(%arg5 : memref<2048xi32, #tpu.memory_space<vmem>>) target_semaphore(%run_scoped3A : memref<!tpu.dma_semaphore, #tpu.memory_space<semaphore_mem>>)
          %dma_wait3A_315 = tpu.memref_slice %arg2[%add3A_47] : memref<12845056xi32, #tpu.memory_space<hbm>> -> memref<2048xi32, #tpu.memory_space<hbm>>
          %dma_wait3A_316 = tpu.memref_slice %arg2[%add3A_47] : memref<12845056xi32, #tpu.memory_space<hbm>> -> memref<2048xi32, #tpu.memory_space<hbm>>
          tpu.wait_dma2 semaphore(%run_scoped3A : memref<!tpu.dma_semaphore, #tpu.memory_space<semaphore_mem>>) src(%dma_wait3A_316 : memref<2048xi32, #tpu.memory_space<hbm>>) dst(%arg5 : memref<2048xi32, #tpu.memory_space<vmem>>)
          tpu.yield
        }) : () -> ()
        %mul3A_48 = arith.constant 2048 : i32
        %mul3A_49 = arith.muli %scan3A_43, %mul3A_48 : i32
        %add3A_50 = arith.addi %mul3A_14, %mul3A_49 : i32
        "tpu.region"() ({
          %run_scoped3A = tpu.sem_alloc : memref<!tpu.dma_semaphore, #tpu.memory_space<semaphore_mem>>
          %dma_start3A_313 = tpu.memref_slice %arg3[%add3A_50] : memref<12845056xi32, #tpu.memory_space<hbm>> -> memref<2048xi32, #tpu.memory_space<hbm>>
          %dma_start3A_314 = tpu.memref_slice %arg3[%add3A_50] : memref<12845056xi32, #tpu.memory_space<hbm>> -> memref<2048xi32, #tpu.memory_space<hbm>>
          tpu.enqueue_dma source(%dma_start3A_314 : memref<2048xi32, #tpu.memory_space<hbm>>) target(%arg6 : memref<2048xi32, #tpu.memory_space<vmem>>) target_semaphore(%run_scoped3A : memref<!tpu.dma_semaphore, #tpu.memory_space<semaphore_mem>>)
          %dma_wait3A_315 = tpu.memref_slice %arg3[%add3A_50] : memref<12845056xi32, #tpu.memory_space<hbm>> -> memref<2048xi32, #tpu.memory_space<hbm>>
          %dma_wait3A_316 = tpu.memref_slice %arg3[%add3A_50] : memref<12845056xi32, #tpu.memory_space<hbm>> -> memref<2048xi32, #tpu.memory_space<hbm>>
          tpu.wait_dma2 semaphore(%run_scoped3A : memref<!tpu.dma_semaphore, #tpu.memory_space<semaphore_mem>>) src(%dma_wait3A_316 : memref<2048xi32, #tpu.memory_space<hbm>>) dst(%arg6 : memref<2048xi32, #tpu.memory_space<vmem>>)
          tpu.yield
        }) : () -> ()
        %scan3A_51 = arith.constant 0 : i32
        %scan3A_52 = arith.constant 0 : i32
        %scan3A_53 = arith.constant 128 : i32
        %scan3A_54 = arith.addi %scan3A_52, %scan3A_53 : i32
        %scan3A_55 = arith.constant 1 : i32
        %scan3A_56 = scf.for %scan3A_313 = %scan3A_52 to %scan3A_54 step %scan3A_55 iter_args(%scan3A_314 = %scan3A_51) -> (i32)  : i32 {
          %mul3A_315 = arith.constant 16 : i32
          %mul3A_316 = arith.muli %scan3A_313, %mul3A_315 : i32
          %get3A = arith.index_cast %mul3A_316 : i32 to index
          %get3A_317 = tpu.vector_load %arg5[%get3A] {strides = array<i32>} : memref<2048xi32, #tpu.memory_space<vmem>>, vector<16xi32>,
          %shift_right_logical3A = arith.constant 16 : i32
          %shift_right_logical3A_318 = vector.broadcast %shift_right_logical3A : i32 to vector<16xi32>
          %shift_right_logical3A_319 = arith.shrui %get3A_317, %shift_right_logical3A_318 : vector<16xi32>
          %broadcast_in_dim3A_320 = arith.constant true
          %broadcast_in_dim3A_321 = vector.broadcast %broadcast_in_dim3A_320 : i1 to vector<16xi1>
          %unique3A, %unique3A_322 = tpu.scan_count mask(%broadcast_in_dim3A_321 : vector<16xi1>) value(%shift_right_logical3A_319 : vector<16xi32>) : vector<16xi1>, vector<16xi32>
          %gather3A = tpu.vector_load_idx %arg8[%shift_right_logical3A_319] : memref<65536xi32, #tpu.memory_space<vmem>>[vector<16xi32>], vector<16xi32>,
          %add3A_323 = arith.addi %gather3A, %unique3A_322 : vector<16xi32>
          %sub3A = arith.constant 1 : i32
          %sub3A_324 = vector.broadcast %sub3A : i32 to vector<16xi32>
          %sub3A_325 = arith.subi %add3A_323, %sub3A_324 : vector<16xi32>
          tpu.vector_store_idx %arg8[%shift_right_logical3A_319], %broadcast_in_dim3A_1 {add = true} : memref<65536xi32, #tpu.memory_space<vmem>>[vector<16xi32>], vector<16xi32>,
          %jit3A = arith.constant 8 : i32
          %div3A = arith.divsi %scan3A_313, %jit3A : i32
          %sign3A = arith.constant 0 : i32
          %sign3A_326 = arith.cmpi sgt, %scan3A_313, %sign3A : i32
          %sign3A_327 = arith.extui %sign3A_326 : i1 to i32
          %sign3A_328 = arith.constant 0 : i32
          %sign3A_329 = arith.cmpi slt, %scan3A_313, %sign3A_328 : i32
          %sign3A_330 = arith.extui %sign3A_329 : i1 to i32
          %sign3A_331 = arith.subi %sign3A_327, %sign3A_330 : i32
          %sign3A_332 = arith.constant 0 : i32
          %sign3A_333 = arith.cmpi sgt, %jit3A, %sign3A_332 : i32
          %sign3A_334 = arith.extui %sign3A_333 : i1 to i32
          %sign3A_335 = arith.constant 0 : i32
          %sign3A_336 = arith.cmpi slt, %jit3A, %sign3A_335 : i32
          %sign3A_337 = arith.extui %sign3A_336 : i1 to i32
          %sign3A_338 = arith.subi %sign3A_334, %sign3A_337 : i32
          %ne3A = arith.cmpi ne, %sign3A_331, %sign3A_338 : i32
          %rem3A = arith.remsi %scan3A_313, %jit3A : i32
          %ne3A_339 = arith.constant 0 : i32
          %ne3A_340 = arith.cmpi ne, %rem3A, %ne3A_339 : i32
          %and3A = arith.andi %ne3A, %ne3A_340 : i1
          %sub3A_341 = arith.constant 1 : i32
          %sub3A_342 = arith.subi %div3A, %sub3A_341 : i32
          %select_n3A = arith.select %and3A, %sub3A_342, %div3A : i32
          %jit3A_343 = arith.constant 8 : i32
          %eq3A = arith.constant 0 : i32
          %eq3A_344 = arith.cmpi eq, %jit3A_343, %eq3A : i32
          %jit3A_345 = arith.constant 1 : i32
          %select_n3A_346 = arith.select %eq3A_344, %jit3A_345, %jit3A_343 : i32
          %rem3A_347 = arith.remsi %scan3A_313, %select_n3A_346 : i32
          %ne3A_348 = arith.constant 0 : i32
          %ne3A_349 = arith.cmpi ne, %rem3A_347, %ne3A_348 : i32
          %lt3A = arith.constant 0 : i32
          %lt3A_350 = arith.cmpi slt, %rem3A_347, %lt3A : i32
          %lt3A_351 = arith.constant 0 : i32
          %lt3A_352 = arith.cmpi slt, %select_n3A_346, %lt3A_351 : i32
          %ne3A_353 = arith.xori %lt3A_350, %lt3A_352 : i1
          %and3A_354 = arith.andi %ne3A_353, %ne3A_349 : i1
          %add3A_355 = arith.addi %rem3A_347, %select_n3A_346 : i32
          %select_n3A_356 = arith.select %and3A_354, %add3A_355, %rem3A_347 : i32
          %mul3A_357 = arith.constant 16 : i32
          %mul3A_358 = arith.muli %select_n3A_356, %mul3A_357 : i32
          %swap3A = arith.index_cast %select_n3A : i32 to index
          %swap3A_359 = arith.index_cast %mul3A_358 : i32 to index
          %swap3A_360 = tpu.vector_load %arg7[%swap3A, %swap3A_359] {strides = array<i32>} : memref<16x128xi32, #tpu.memory_space<vmem>>, vector<16xi32>,
          tpu.vector_store %arg7[%swap3A, %swap3A_359], %sub3A_325 {strides = array<i32>} : memref<16x128xi32, #tpu.memory_space<vmem>>, vector<16xi32>,
          %scan3A_361 = arith.constant 0 : i32
          scf.yield %scan3A_361 : i32
        }
        %scan3A_57 = arith.constant 128 : i32
        %dma_start3A = arith.constant 0 : i32
        %dma_start3A_58 = arith.constant 0 : i32
        %dma_start3A_59 = tpu.memref_slice %arg6[%dma_start3A_58] : memref<2048xi32, #tpu.memory_space<vmem>> -> memref<128xi32, #tpu.memory_space<vmem>>
        %dma_start3A_60 = arith.constant 0 : i32
        %dma_start3A_61 = tpu.memref_slice %arg7[%dma_start3A, %dma_start3A_60] : memref<16x128xi32, #tpu.memory_space<vmem>> -> memref<1x128xi32, #tpu.memory_space<vmem>>
        %dma_start3A_62 = tpu.memref_squeeze %dma_start3A_61 : memref<1x128xi32, #tpu.memory_space<vmem>> -> memref<128xi32, #tpu.memory_space<vmem>>
        %dma_start3A_63 = arith.constant 0 : i32
        %dma_start3A_64 = tpu.memref_slice %arg4[%dma_start3A_63] : memref<12845056xi32, #tpu.memory_space<hbm>> -> memref<12845056xi32, #tpu.memory_space<hbm>>
        tpu.enqueue_indirect_dma source(%dma_start3A_59 : memref<128xi32, #tpu.memory_space<vmem>>) target(%dma_start3A_64 : memref<12845056xi32, #tpu.memory_space<hbm>>) offsets(%dma_start3A_62 : memref<128xi32, #tpu.memory_space<vmem>>) semaphore(%arg9 : memref<!tpu.dma_semaphore, #tpu.memory_space<semaphore_mem>>)
        %dma_start3A_65 = arith.constant 1 : i32
        %dma_start3A_66 = arith.constant 128 : i32
        %dma_start3A_67 = tpu.memref_slice %arg6[%dma_start3A_66] : memref<2048xi32, #tpu.memory_space<vmem>> -> memref<128xi32, #tpu.memory_space<vmem>>
        %dma_start3A_68 = arith.constant 0 : i32
        %dma_start3A_69 = tpu.memref_slice %arg7[%dma_start3A_65, %dma_start3A_68] : memref<16x128xi32, #tpu.memory_space<vmem>> -> memref<1x128xi32, #tpu.memory_space<vmem>>
        %dma_start3A_70 = tpu.memref_squeeze %dma_start3A_69 : memref<1x128xi32, #tpu.memory_space<vmem>> -> memref<128xi32, #tpu.memory_space<vmem>>
        %dma_start3A_71 = arith.constant 0 : i32
        %dma_start3A_72 = tpu.memref_slice %arg4[%dma_start3A_71] : memref<12845056xi32, #tpu.memory_space<hbm>> -> memref<12845056xi32, #tpu.memory_space<hbm>>
        tpu.enqueue_indirect_dma source(%dma_start3A_67 : memref<128xi32, #tpu.memory_space<vmem>>) target(%dma_start3A_72 : memref<12845056xi32, #tpu.memory_space<hbm>>) offsets(%dma_start3A_70 : memref<128xi32, #tpu.memory_space<vmem>>) semaphore(%arg9 : memref<!tpu.dma_semaphore, #tpu.memory_space<semaphore_mem>>)
        %dma_start3A_73 = arith.constant 2 : i32
        %dma_start3A_74 = arith.constant 256 : i32
        %dma_start3A_75 = tpu.memref_slice %arg6[%dma_start3A_74] : memref<2048xi32, #tpu.memory_space<vmem>> -> memref<128xi32, #tpu.memory_space<vmem>>
        %dma_start3A_76 = arith.constant 0 : i32
        %dma_start3A_77 = tpu.memref_slice %arg7[%dma_start3A_73, %dma_start3A_76] : memref<16x128xi32, #tpu.memory_space<vmem>> -> memref<1x128xi32, #tpu.memory_space<vmem>>
        %dma_start3A_78 = tpu.memref_squeeze %dma_start3A_77 : memref<1x128xi32, #tpu.memory_space<vmem>> -> memref<128xi32, #tpu.memory_space<vmem>>
        %dma_start3A_79 = arith.constant 0 : i32
        %dma_start3A_80 = tpu.memref_slice %arg4[%dma_start3A_79] : memref<12845056xi32, #tpu.memory_space<hbm>> -> memref<12845056xi32, #tpu.memory_space<hbm>>
        tpu.enqueue_indirect_dma source(%dma_start3A_75 : memref<128xi32, #tpu.memory_space<vmem>>) target(%dma_start3A_80 : memref<12845056xi32, #tpu.memory_space<hbm>>) offsets(%dma_start3A_78 : memref<128xi32, #tpu.memory_space<vmem>>) semaphore(%arg9 : memref<!tpu.dma_semaphore, #tpu.memory_space<semaphore_mem>>)
        %dma_start3A_81 = arith.constant 3 : i32
        %dma_start3A_82 = arith.constant 384 : i32
        %dma_start3A_83 = tpu.memref_slice %arg6[%dma_start3A_82] : memref<2048xi32, #tpu.memory_space<vmem>> -> memref<128xi32, #tpu.memory_space<vmem>>
        %dma_start3A_84 = arith.constant 0 : i32
        %dma_start3A_85 = tpu.memref_slice %arg7[%dma_start3A_81, %dma_start3A_84] : memref<16x128xi32, #tpu.memory_space<vmem>> -> memref<1x128xi32, #tpu.memory_space<vmem>>
        %dma_start3A_86 = tpu.memref_squeeze %dma_start3A_85 : memref<1x128xi32, #tpu.memory_space<vmem>> -> memref<128xi32, #tpu.memory_space<vmem>>
        %dma_start3A_87 = arith.constant 0 : i32
        %dma_start3A_88 = tpu.memref_slice %arg4[%dma_start3A_87] : memref<12845056xi32, #tpu.memory_space<hbm>> -> memref<12845056xi32, #tpu.memory_space<hbm>>
        tpu.enqueue_indirect_dma source(%dma_start3A_83 : memref<128xi32, #tpu.memory_space<vmem>>) target(%dma_start3A_88 : memref<12845056xi32, #tpu.memory_space<hbm>>) offsets(%dma_start3A_86 : memref<128xi32, #tpu.memory_space<vmem>>) semaphore(%arg9 : memref<!tpu.dma_semaphore, #tpu.memory_space<semaphore_mem>>)
        %dma_start3A_89 = arith.constant 4 : i32
        %dma_start3A_90 = arith.constant 512 : i32
        %dma_start3A_91 = tpu.memref_slice %arg6[%dma_start3A_90] : memref<2048xi32, #tpu.memory_space<vmem>> -> memref<128xi32, #tpu.memory_space<vmem>>
        %dma_start3A_92 = arith.constant 0 : i32
        %dma_start3A_93 = tpu.memref_slice %arg7[%dma_start3A_89, %dma_start3A_92] : memref<16x128xi32, #tpu.memory_space<vmem>> -> memref<1x128xi32, #tpu.memory_space<vmem>>
        %dma_start3A_94 = tpu.memref_squeeze %dma_start3A_93 : memref<1x128xi32, #tpu.memory_space<vmem>> -> memref<128xi32, #tpu.memory_space<vmem>>
        %dma_start3A_95 = arith.constant 0 : i32
        %dma_start3A_96 = tpu.memref_slice %arg4[%dma_start3A_95] : memref<12845056xi32, #tpu.memory_space<hbm>> -> memref<12845056xi32, #tpu.memory_space<hbm>>
        tpu.enqueue_indirect_dma source(%dma_start3A_91 : memref<128xi32, #tpu.memory_space<vmem>>) target(%dma_start3A_96 : memref<12845056xi32, #tpu.memory_space<hbm>>) offsets(%dma_start3A_94 : memref<128xi32, #tpu.memory_space<vmem>>) semaphore(%arg9 : memref<!tpu.dma_semaphore, #tpu.memory_space<semaphore_mem>>)
        %dma_start3A_97 = arith.constant 5 : i32
        %dma_start3A_98 = arith.constant 640 : i32
        %dma_start3A_99 = tpu.memref_slice %arg6[%dma_start3A_98] : memref<2048xi32, #tpu.memory_space<vmem>> -> memref<128xi32, #tpu.memory_space<vmem>>
        %dma_start3A_100 = arith.constant 0 : i32
        %dma_start3A_101 = tpu.memref_slice %arg7[%dma_start3A_97, %dma_start3A_100] : memref<16x128xi32, #tpu.memory_space<vmem>> -> memref<1x128xi32, #tpu.memory_space<vmem>>
        %dma_start3A_102 = tpu.memref_squeeze %dma_start3A_101 : memref<1x128xi32, #tpu.memory_space<vmem>> -> memref<128xi32, #tpu.memory_space<vmem>>
        %dma_start3A_103 = arith.constant 0 : i32
        %dma_start3A_104 = tpu.memref_slice %arg4[%dma_start3A_103] : memref<12845056xi32, #tpu.memory_space<hbm>> -> memref<12845056xi32, #tpu.memory_space<hbm>>
        tpu.enqueue_indirect_dma source(%dma_start3A_99 : memref<128xi32, #tpu.memory_space<vmem>>) target(%dma_start3A_104 : memref<12845056xi32, #tpu.memory_space<hbm>>) offsets(%dma_start3A_102 : memref<128xi32, #tpu.memory_space<vmem>>) semaphore(%arg9 : memref<!tpu.dma_semaphore, #tpu.memory_space<semaphore_mem>>)
        %dma_start3A_105 = arith.constant 6 : i32
        %dma_start3A_106 = arith.constant 768 : i32
        %dma_start3A_107 = tpu.memref_slice %arg6[%dma_start3A_106] : memref<2048xi32, #tpu.memory_space<vmem>> -> memref<128xi32, #tpu.memory_space<vmem>>
        %dma_start3A_108 = arith.constant 0 : i32
        %dma_start3A_109 = tpu.memref_slice %arg7[%dma_start3A_105, %dma_start3A_108] : memref<16x128xi32, #tpu.memory_space<vmem>> -> memref<1x128xi32, #tpu.memory_space<vmem>>
        %dma_start3A_110 = tpu.memref_squeeze %dma_start3A_109 : memref<1x128xi32, #tpu.memory_space<vmem>> -> memref<128xi32, #tpu.memory_space<vmem>>
        %dma_start3A_111 = arith.constant 0 : i32
        %dma_start3A_112 = tpu.memref_slice %arg4[%dma_start3A_111] : memref<12845056xi32, #tpu.memory_space<hbm>> -> memref<12845056xi32, #tpu.memory_space<hbm>>
        tpu.enqueue_indirect_dma source(%dma_start3A_107 : memref<128xi32, #tpu.memory_space<vmem>>) target(%dma_start3A_112 : memref<12845056xi32, #tpu.memory_space<hbm>>) offsets(%dma_start3A_110 : memref<128xi32, #tpu.memory_space<vmem>>) semaphore(%arg9 : memref<!tpu.dma_semaphore, #tpu.memory_space<semaphore_mem>>)
        %dma_start3A_113 = arith.constant 7 : i32
        %dma_start3A_114 = arith.constant 896 : i32
        %dma_start3A_115 = tpu.memref_slice %arg6[%dma_start3A_114] : memref<2048xi32, #tpu.memory_space<vmem>> -> memref<128xi32, #tpu.memory_space<vmem>>
        %dma_start3A_116 = arith.constant 0 : i32
        %dma_start3A_117 = tpu.memref_slice %arg7[%dma_start3A_113, %dma_start3A_116] : memref<16x128xi32, #tpu.memory_space<vmem>> -> memref<1x128xi32, #tpu.memory_space<vmem>>
        %dma_start3A_118 = tpu.memref_squeeze %dma_start3A_117 : memref<1x128xi32, #tpu.memory_space<vmem>> -> memref<128xi32, #tpu.memory_space<vmem>>
        %dma_start3A_119 = arith.constant 0 : i32
        %dma_start3A_120 = tpu.memref_slice %arg4[%dma_start3A_119] : memref<12845056xi32, #tpu.memory_space<hbm>> -> memref<12845056xi32, #tpu.memory_space<hbm>>
        tpu.enqueue_indirect_dma source(%dma_start3A_115 : memref<128xi32, #tpu.memory_space<vmem>>) target(%dma_start3A_120 : memref<12845056xi32, #tpu.memory_space<hbm>>) offsets(%dma_start3A_118 : memref<128xi32, #tpu.memory_space<vmem>>) semaphore(%arg9 : memref<!tpu.dma_semaphore, #tpu.memory_space<semaphore_mem>>)
        %dma_start3A_121 = arith.constant 8 : i32
        %dma_start3A_122 = arith.constant 1024 : i32
        %dma_start3A_123 = tpu.memref_slice %arg6[%dma_start3A_122] : memref<2048xi32, #tpu.memory_space<vmem>> -> memref<128xi32, #tpu.memory_space<vmem>>
        %dma_start3A_124 = arith.constant 0 : i32
        %dma_start3A_125 = tpu.memref_slice %arg7[%dma_start3A_121, %dma_start3A_124] : memref<16x128xi32, #tpu.memory_space<vmem>> -> memref<1x128xi32, #tpu.memory_space<vmem>>
        %dma_start3A_126 = tpu.memref_squeeze %dma_start3A_125 : memref<1x128xi32, #tpu.memory_space<vmem>> -> memref<128xi32, #tpu.memory_space<vmem>>
        %dma_start3A_127 = arith.constant 0 : i32
        %dma_start3A_128 = tpu.memref_slice %arg4[%dma_start3A_127] : memref<12845056xi32, #tpu.memory_space<hbm>> -> memref<12845056xi32, #tpu.memory_space<hbm>>
        tpu.enqueue_indirect_dma source(%dma_start3A_123 : memref<128xi32, #tpu.memory_space<vmem>>) target(%dma_start3A_128 : memref<12845056xi32, #tpu.memory_space<hbm>>) offsets(%dma_start3A_126 : memref<128xi32, #tpu.memory_space<vmem>>) semaphore(%arg9 : memref<!tpu.dma_semaphore, #tpu.memory_space<semaphore_mem>>)
        %dma_start3A_129 = arith.constant 9 : i32
        %dma_start3A_130 = arith.constant 1152 : i32
        %dma_start3A_131 = tpu.memref_slice %arg6[%dma_start3A_130] : memref<2048xi32, #tpu.memory_space<vmem>> -> memref<128xi32, #tpu.memory_space<vmem>>
        %dma_start3A_132 = arith.constant 0 : i32
        %dma_start3A_133 = tpu.memref_slice %arg7[%dma_start3A_129, %dma_start3A_132] : memref<16x128xi32, #tpu.memory_space<vmem>> -> memref<1x128xi32, #tpu.memory_space<vmem>>
        %dma_start3A_134 = tpu.memref_squeeze %dma_start3A_133 : memref<1x128xi32, #tpu.memory_space<vmem>> -> memref<128xi32, #tpu.memory_space<vmem>>
        %dma_start3A_135 = arith.constant 0 : i32
        %dma_start3A_136 = tpu.memref_slice %arg4[%dma_start3A_135] : memref<12845056xi32, #tpu.memory_space<hbm>> -> memref<12845056xi32, #tpu.memory_space<hbm>>
        tpu.enqueue_indirect_dma source(%dma_start3A_131 : memref<128xi32, #tpu.memory_space<vmem>>) target(%dma_start3A_136 : memref<12845056xi32, #tpu.memory_space<hbm>>) offsets(%dma_start3A_134 : memref<128xi32, #tpu.memory_space<vmem>>) semaphore(%arg9 : memref<!tpu.dma_semaphore, #tpu.memory_space<semaphore_mem>>)
        %dma_start3A_137 = arith.constant 10 : i32
        %dma_start3A_138 = arith.constant 1280 : i32
        %dma_start3A_139 = tpu.memref_slice %arg6[%dma_start3A_138] : memref<2048xi32, #tpu.memory_space<vmem>> -> memref<128xi32, #tpu.memory_space<vmem>>
        %dma_start3A_140 = arith.constant 0 : i32
        %dma_start3A_141 = tpu.memref_slice %arg7[%dma_start3A_137, %dma_start3A_140] : memref<16x128xi32, #tpu.memory_space<vmem>> -> memref<1x128xi32, #tpu.memory_space<vmem>>
        %dma_start3A_142 = tpu.memref_squeeze %dma_start3A_141 : memref<1x128xi32, #tpu.memory_space<vmem>> -> memref<128xi32, #tpu.memory_space<vmem>>
        %dma_start3A_143 = arith.constant 0 : i32
        %dma_start3A_144 = tpu.memref_slice %arg4[%dma_start3A_143] : memref<12845056xi32, #tpu.memory_space<hbm>> -> memref<12845056xi32, #tpu.memory_space<hbm>>
        tpu.enqueue_indirect_dma source(%dma_start3A_139 : memref<128xi32, #tpu.memory_space<vmem>>) target(%dma_start3A_144 : memref<12845056xi32, #tpu.memory_space<hbm>>) offsets(%dma_start3A_142 : memref<128xi32, #tpu.memory_space<vmem>>) semaphore(%arg9 : memref<!tpu.dma_semaphore, #tpu.memory_space<semaphore_mem>>)
        %dma_start3A_145 = arith.constant 11 : i32
        %dma_start3A_146 = arith.constant 1408 : i32
        %dma_start3A_147 = tpu.memref_slice %arg6[%dma_start3A_146] : memref<2048xi32, #tpu.memory_space<vmem>> -> memref<128xi32, #tpu.memory_space<vmem>>
        %dma_start3A_148 = arith.constant 0 : i32
        %dma_start3A_149 = tpu.memref_slice %arg7[%dma_start3A_145, %dma_start3A_148] : memref<16x128xi32, #tpu.memory_space<vmem>> -> memref<1x128xi32, #tpu.memory_space<vmem>>
        %dma_start3A_150 = tpu.memref_squeeze %dma_start3A_149 : memref<1x128xi32, #tpu.memory_space<vmem>> -> memref<128xi32, #tpu.memory_space<vmem>>
        %dma_start3A_151 = arith.constant 0 : i32
        %dma_start3A_152 = tpu.memref_slice %arg4[%dma_start3A_151] : memref<12845056xi32, #tpu.memory_space<hbm>> -> memref<12845056xi32, #tpu.memory_space<hbm>>
        tpu.enqueue_indirect_dma source(%dma_start3A_147 : memref<128xi32, #tpu.memory_space<vmem>>) target(%dma_start3A_152 : memref<12845056xi32, #tpu.memory_space<hbm>>) offsets(%dma_start3A_150 : memref<128xi32, #tpu.memory_space<vmem>>) semaphore(%arg9 : memref<!tpu.dma_semaphore, #tpu.memory_space<semaphore_mem>>)
        %dma_start3A_153 = arith.constant 12 : i32
        %dma_start3A_154 = arith.constant 1536 : i32
        %dma_start3A_155 = tpu.memref_slice %arg6[%dma_start3A_154] : memref<2048xi32, #tpu.memory_space<vmem>> -> memref<128xi32, #tpu.memory_space<vmem>>
        %dma_start3A_156 = arith.constant 0 : i32
        %dma_start3A_157 = tpu.memref_slice %arg7[%dma_start3A_153, %dma_start3A_156] : memref<16x128xi32, #tpu.memory_space<vmem>> -> memref<1x128xi32, #tpu.memory_space<vmem>>
        %dma_start3A_158 = tpu.memref_squeeze %dma_start3A_157 : memref<1x128xi32, #tpu.memory_space<vmem>> -> memref<128xi32, #tpu.memory_space<vmem>>
        %dma_start3A_159 = arith.constant 0 : i32
        %dma_start3A_160 = tpu.memref_slice %arg4[%dma_start3A_159] : memref<12845056xi32, #tpu.memory_space<hbm>> -> memref<12845056xi32, #tpu.memory_space<hbm>>
        tpu.enqueue_indirect_dma source(%dma_start3A_155 : memref<128xi32, #tpu.memory_space<vmem>>) target(%dma_start3A_160 : memref<12845056xi32, #tpu.memory_space<hbm>>) offsets(%dma_start3A_158 : memref<128xi32, #tpu.memory_space<vmem>>) semaphore(%arg9 : memref<!tpu.dma_semaphore, #tpu.memory_space<semaphore_mem>>)
        %dma_start3A_161 = arith.constant 13 : i32
        %dma_start3A_162 = arith.constant 1664 : i32
        %dma_start3A_163 = tpu.memref_slice %arg6[%dma_start3A_162] : memref<2048xi32, #tpu.memory_space<vmem>> -> memref<128xi32, #tpu.memory_space<vmem>>
        %dma_start3A_164 = arith.constant 0 : i32
        %dma_start3A_165 = tpu.memref_slice %arg7[%dma_start3A_161, %dma_start3A_164] : memref<16x128xi32, #tpu.memory_space<vmem>> -> memref<1x128xi32, #tpu.memory_space<vmem>>
        %dma_start3A_166 = tpu.memref_squeeze %dma_start3A_165 : memref<1x128xi32, #tpu.memory_space<vmem>> -> memref<128xi32, #tpu.memory_space<vmem>>
        %dma_start3A_167 = arith.constant 0 : i32
        %dma_start3A_168 = tpu.memref_slice %arg4[%dma_start3A_167] : memref<12845056xi32, #tpu.memory_space<hbm>> -> memref<12845056xi32, #tpu.memory_space<hbm>>
        tpu.enqueue_indirect_dma source(%dma_start3A_163 : memref<128xi32, #tpu.memory_space<vmem>>) target(%dma_start3A_168 : memref<12845056xi32, #tpu.memory_space<hbm>>) offsets(%dma_start3A_166 : memref<128xi32, #tpu.memory_space<vmem>>) semaphore(%arg9 : memref<!tpu.dma_semaphore, #tpu.memory_space<semaphore_mem>>)
        %dma_start3A_169 = arith.constant 14 : i32
        %dma_start3A_170 = arith.constant 1792 : i32
        %dma_start3A_171 = tpu.memref_slice %arg6[%dma_start3A_170] : memref<2048xi32, #tpu.memory_space<vmem>> -> memref<128xi32, #tpu.memory_space<vmem>>
        %dma_start3A_172 = arith.constant 0 : i32
        %dma_start3A_173 = tpu.memref_slice %arg7[%dma_start3A_169, %dma_start3A_172] : memref<16x128xi32, #tpu.memory_space<vmem>> -> memref<1x128xi32, #tpu.memory_space<vmem>>
        %dma_start3A_174 = tpu.memref_squeeze %dma_start3A_173 : memref<1x128xi32, #tpu.memory_space<vmem>> -> memref<128xi32, #tpu.memory_space<vmem>>
        %dma_start3A_175 = arith.constant 0 : i32
        %dma_start3A_176 = tpu.memref_slice %arg4[%dma_start3A_175] : memref<12845056xi32, #tpu.memory_space<hbm>> -> memref<12845056xi32, #tpu.memory_space<hbm>>
        tpu.enqueue_indirect_dma source(%dma_start3A_171 : memref<128xi32, #tpu.memory_space<vmem>>) target(%dma_start3A_176 : memref<12845056xi32, #tpu.memory_space<hbm>>) offsets(%dma_start3A_174 : memref<128xi32, #tpu.memory_space<vmem>>) semaphore(%arg9 : memref<!tpu.dma_semaphore, #tpu.memory_space<semaphore_mem>>)
        %dma_start3A_177 = arith.constant 15 : i32
        %dma_start3A_178 = arith.constant 1920 : i32
        %dma_start3A_179 = tpu.memref_slice %arg6[%dma_start3A_178] : memref<2048xi32, #tpu.memory_space<vmem>> -> memref<128xi32, #tpu.memory_space<vmem>>
        %dma_start3A_180 = arith.constant 0 : i32
        %dma_start3A_181 = tpu.memref_slice %arg7[%dma_start3A_177, %dma_start3A_180] : memref<16x128xi32, #tpu.memory_space<vmem>> -> memref<1x128xi32, #tpu.memory_space<vmem>>
        %dma_start3A_182 = tpu.memref_squeeze %dma_start3A_181 : memref<1x128xi32, #tpu.memory_space<vmem>> -> memref<128xi32, #tpu.memory_space<vmem>>
        %dma_start3A_183 = arith.constant 0 : i32
        %dma_start3A_184 = tpu.memref_slice %arg4[%dma_start3A_183] : memref<12845056xi32, #tpu.memory_space<hbm>> -> memref<12845056xi32, #tpu.memory_space<hbm>>
        tpu.enqueue_indirect_dma source(%dma_start3A_179 : memref<128xi32, #tpu.memory_space<vmem>>) target(%dma_start3A_184 : memref<12845056xi32, #tpu.memory_space<hbm>>) offsets(%dma_start3A_182 : memref<128xi32, #tpu.memory_space<vmem>>) semaphore(%arg9 : memref<!tpu.dma_semaphore, #tpu.memory_space<semaphore_mem>>)
        %dma_wait3A = arith.constant 0 : i32
        %dma_wait3A_185 = arith.constant 0 : i32
        %dma_wait3A_186 = tpu.memref_slice %arg6[%dma_wait3A_185] : memref<2048xi32, #tpu.memory_space<vmem>> -> memref<128xi32, #tpu.memory_space<vmem>>
        %dma_wait3A_187 = arith.constant 0 : i32
        %dma_wait3A_188 = tpu.memref_slice %arg7[%dma_wait3A, %dma_wait3A_187] : memref<16x128xi32, #tpu.memory_space<vmem>> -> memref<1x128xi32, #tpu.memory_space<vmem>>
        %dma_wait3A_189 = tpu.memref_squeeze %dma_wait3A_188 : memref<1x128xi32, #tpu.memory_space<vmem>> -> memref<128xi32, #tpu.memory_space<vmem>>
        %dma_wait3A_190 = arith.constant 0 : i32
        %dma_wait3A_191 = tpu.memref_slice %arg4[%dma_wait3A_190] : memref<12845056xi32, #tpu.memory_space<hbm>> -> memref<12845056xi32, #tpu.memory_space<hbm>>
        tpu.wait_indirect_dma semaphore(%arg9 : memref<!tpu.dma_semaphore, #tpu.memory_space<semaphore_mem>>) src(%dma_wait3A_186 : memref<128xi32, #tpu.memory_space<vmem>>) dst(%dma_wait3A_191 : memref<12845056xi32, #tpu.memory_space<hbm>>)
        %dma_wait3A_192 = arith.constant 1 : i32
        %dma_wait3A_193 = arith.constant 128 : i32
        %dma_wait3A_194 = tpu.memref_slice %arg6[%dma_wait3A_193] : memref<2048xi32, #tpu.memory_space<vmem>> -> memref<128xi32, #tpu.memory_space<vmem>>
        %dma_wait3A_195 = arith.constant 0 : i32
        %dma_wait3A_196 = tpu.memref_slice %arg7[%dma_wait3A_192, %dma_wait3A_195] : memref<16x128xi32, #tpu.memory_space<vmem>> -> memref<1x128xi32, #tpu.memory_space<vmem>>
        %dma_wait3A_197 = tpu.memref_squeeze %dma_wait3A_196 : memref<1x128xi32, #tpu.memory_space<vmem>> -> memref<128xi32, #tpu.memory_space<vmem>>
        %dma_wait3A_198 = arith.constant 0 : i32
        %dma_wait3A_199 = tpu.memref_slice %arg4[%dma_wait3A_198] : memref<12845056xi32, #tpu.memory_space<hbm>> -> memref<12845056xi32, #tpu.memory_space<hbm>>
        tpu.wait_indirect_dma semaphore(%arg9 : memref<!tpu.dma_semaphore, #tpu.memory_space<semaphore_mem>>) src(%dma_wait3A_194 : memref<128xi32, #tpu.memory_space<vmem>>) dst(%dma_wait3A_199 : memref<12845056xi32, #tpu.memory_space<hbm>>)
        %dma_wait3A_200 = arith.constant 2 : i32
        %dma_wait3A_201 = arith.constant 256 : i32
        %dma_wait3A_202 = tpu.memref_slice %arg6[%dma_wait3A_201] : memref<2048xi32, #tpu.memory_space<vmem>> -> memref<128xi32, #tpu.memory_space<vmem>>
        %dma_wait3A_203 = arith.constant 0 : i32
        %dma_wait3A_204 = tpu.memref_slice %arg7[%dma_wait3A_200, %dma_wait3A_203] : memref<16x128xi32, #tpu.memory_space<vmem>> -> memref<1x128xi32, #tpu.memory_space<vmem>>
        %dma_wait3A_205 = tpu.memref_squeeze %dma_wait3A_204 : memref<1x128xi32, #tpu.memory_space<vmem>> -> memref<128xi32, #tpu.memory_space<vmem>>
        %dma_wait3A_206 = arith.constant 0 : i32
        %dma_wait3A_207 = tpu.memref_slice %arg4[%dma_wait3A_206] : memref<12845056xi32, #tpu.memory_space<hbm>> -> memref<12845056xi32, #tpu.memory_space<hbm>>
        tpu.wait_indirect_dma semaphore(%arg9 : memref<!tpu.dma_semaphore, #tpu.memory_space<semaphore_mem>>) src(%dma_wait3A_202 : memref<128xi32, #tpu.memory_space<vmem>>) dst(%dma_wait3A_207 : memref<12845056xi32, #tpu.memory_space<hbm>>)
        %dma_wait3A_208 = arith.constant 3 : i32
        %dma_wait3A_209 = arith.constant 384 : i32
        %dma_wait3A_210 = tpu.memref_slice %arg6[%dma_wait3A_209] : memref<2048xi32, #tpu.memory_space<vmem>> -> memref<128xi32, #tpu.memory_space<vmem>>
        %dma_wait3A_211 = arith.constant 0 : i32
        %dma_wait3A_212 = tpu.memref_slice %arg7[%dma_wait3A_208, %dma_wait3A_211] : memref<16x128xi32, #tpu.memory_space<vmem>> -> memref<1x128xi32, #tpu.memory_space<vmem>>
        %dma_wait3A_213 = tpu.memref_squeeze %dma_wait3A_212 : memref<1x128xi32, #tpu.memory_space<vmem>> -> memref<128xi32, #tpu.memory_space<vmem>>
        %dma_wait3A_214 = arith.constant 0 : i32
        %dma_wait3A_215 = tpu.memref_slice %arg4[%dma_wait3A_214] : memref<12845056xi32, #tpu.memory_space<hbm>> -> memref<12845056xi32, #tpu.memory_space<hbm>>
        tpu.wait_indirect_dma semaphore(%arg9 : memref<!tpu.dma_semaphore, #tpu.memory_space<semaphore_mem>>) src(%dma_wait3A_210 : memref<128xi32, #tpu.memory_space<vmem>>) dst(%dma_wait3A_215 : memref<12845056xi32, #tpu.memory_space<hbm>>)
        %dma_wait3A_216 = arith.constant 4 : i32
        %dma_wait3A_217 = arith.constant 512 : i32
        %dma_wait3A_218 = tpu.memref_slice %arg6[%dma_wait3A_217] : memref<2048xi32, #tpu.memory_space<vmem>> -> memref<128xi32, #tpu.memory_space<vmem>>
        %dma_wait3A_219 = arith.constant 0 : i32
        %dma_wait3A_220 = tpu.memref_slice %arg7[%dma_wait3A_216, %dma_wait3A_219] : memref<16x128xi32, #tpu.memory_space<vmem>> -> memref<1x128xi32, #tpu.memory_space<vmem>>
        %dma_wait3A_221 = tpu.memref_squeeze %dma_wait3A_220 : memref<1x128xi32, #tpu.memory_space<vmem>> -> memref<128xi32, #tpu.memory_space<vmem>>
        %dma_wait3A_222 = arith.constant 0 : i32
        %dma_wait3A_223 = tpu.memref_slice %arg4[%dma_wait3A_222] : memref<12845056xi32, #tpu.memory_space<hbm>> -> memref<12845056xi32, #tpu.memory_space<hbm>>
        tpu.wait_indirect_dma semaphore(%arg9 : memref<!tpu.dma_semaphore, #tpu.memory_space<semaphore_mem>>) src(%dma_wait3A_218 : memref<128xi32, #tpu.memory_space<vmem>>) dst(%dma_wait3A_223 : memref<12845056xi32, #tpu.memory_space<hbm>>)
        %dma_wait3A_224 = arith.constant 5 : i32
        %dma_wait3A_225 = arith.constant 640 : i32
        %dma_wait3A_226 = tpu.memref_slice %arg6[%dma_wait3A_225] : memref<2048xi32, #tpu.memory_space<vmem>> -> memref<128xi32, #tpu.memory_space<vmem>>
        %dma_wait3A_227 = arith.constant 0 : i32
        %dma_wait3A_228 = tpu.memref_slice %arg7[%dma_wait3A_224, %dma_wait3A_227] : memref<16x128xi32, #tpu.memory_space<vmem>> -> memref<1x128xi32, #tpu.memory_space<vmem>>
        %dma_wait3A_229 = tpu.memref_squeeze %dma_wait3A_228 : memref<1x128xi32, #tpu.memory_space<vmem>> -> memref<128xi32, #tpu.memory_space<vmem>>
        %dma_wait3A_230 = arith.constant 0 : i32
        %dma_wait3A_231 = tpu.memref_slice %arg4[%dma_wait3A_230] : memref<12845056xi32, #tpu.memory_space<hbm>> -> memref<12845056xi32, #tpu.memory_space<hbm>>
        tpu.wait_indirect_dma semaphore(%arg9 : memref<!tpu.dma_semaphore, #tpu.memory_space<semaphore_mem>>) src(%dma_wait3A_226 : memref<128xi32, #tpu.memory_space<vmem>>) dst(%dma_wait3A_231 : memref<12845056xi32, #tpu.memory_space<hbm>>)
        %dma_wait3A_232 = arith.constant 6 : i32
        %dma_wait3A_233 = arith.constant 768 : i32
        %dma_wait3A_234 = tpu.memref_slice %arg6[%dma_wait3A_233] : memref<2048xi32, #tpu.memory_space<vmem>> -> memref<128xi32, #tpu.memory_space<vmem>>
        %dma_wait3A_235 = arith.constant 0 : i32
        %dma_wait3A_236 = tpu.memref_slice %arg7[%dma_wait3A_232, %dma_wait3A_235] : memref<16x128xi32, #tpu.memory_space<vmem>> -> memref<1x128xi32, #tpu.memory_space<vmem>>
        %dma_wait3A_237 = tpu.memref_squeeze %dma_wait3A_236 : memref<1x128xi32, #tpu.memory_space<vmem>> -> memref<128xi32, #tpu.memory_space<vmem>>
        %dma_wait3A_238 = arith.constant 0 : i32
        %dma_wait3A_239 = tpu.memref_slice %arg4[%dma_wait3A_238] : memref<12845056xi32, #tpu.memory_space<hbm>> -> memref<12845056xi32, #tpu.memory_space<hbm>>
        tpu.wait_indirect_dma semaphore(%arg9 : memref<!tpu.dma_semaphore, #tpu.memory_space<semaphore_mem>>) src(%dma_wait3A_234 : memref<128xi32, #tpu.memory_space<vmem>>) dst(%dma_wait3A_239 : memref<12845056xi32, #tpu.memory_space<hbm>>)
        %dma_wait3A_240 = arith.constant 7 : i32
        %dma_wait3A_241 = arith.constant 896 : i32
        %dma_wait3A_242 = tpu.memref_slice %arg6[%dma_wait3A_241] : memref<2048xi32, #tpu.memory_space<vmem>> -> memref<128xi32, #tpu.memory_space<vmem>>
        %dma_wait3A_243 = arith.constant 0 : i32
        %dma_wait3A_244 = tpu.memref_slice %arg7[%dma_wait3A_240, %dma_wait3A_243] : memref<16x128xi32, #tpu.memory_space<vmem>> -> memref<1x128xi32, #tpu.memory_space<vmem>>
        %dma_wait3A_245 = tpu.memref_squeeze %dma_wait3A_244 : memref<1x128xi32, #tpu.memory_space<vmem>> -> memref<128xi32, #tpu.memory_space<vmem>>
        %dma_wait3A_246 = arith.constant 0 : i32
        %dma_wait3A_247 = tpu.memref_slice %arg4[%dma_wait3A_246] : memref<12845056xi32, #tpu.memory_space<hbm>> -> memref<12845056xi32, #tpu.memory_space<hbm>>
        tpu.wait_indirect_dma semaphore(%arg9 : memref<!tpu.dma_semaphore, #tpu.memory_space<semaphore_mem>>) src(%dma_wait3A_242 : memref<128xi32, #tpu.memory_space<vmem>>) dst(%dma_wait3A_247 : memref<12845056xi32, #tpu.memory_space<hbm>>)
        %dma_wait3A_248 = arith.constant 8 : i32
        %dma_wait3A_249 = arith.constant 1024 : i32
        %dma_wait3A_250 = tpu.memref_slice %arg6[%dma_wait3A_249] : memref<2048xi32, #tpu.memory_space<vmem>> -> memref<128xi32, #tpu.memory_space<vmem>>
        %dma_wait3A_251 = arith.constant 0 : i32
        %dma_wait3A_252 = tpu.memref_slice %arg7[%dma_wait3A_248, %dma_wait3A_251] : memref<16x128xi32, #tpu.memory_space<vmem>> -> memref<1x128xi32, #tpu.memory_space<vmem>>
        %dma_wait3A_253 = tpu.memref_squeeze %dma_wait3A_252 : memref<1x128xi32, #tpu.memory_space<vmem>> -> memref<128xi32, #tpu.memory_space<vmem>>
        %dma_wait3A_254 = arith.constant 0 : i32
        %dma_wait3A_255 = tpu.memref_slice %arg4[%dma_wait3A_254] : memref<12845056xi32, #tpu.memory_space<hbm>> -> memref<12845056xi32, #tpu.memory_space<hbm>>
        tpu.wait_indirect_dma semaphore(%arg9 : memref<!tpu.dma_semaphore, #tpu.memory_space<semaphore_mem>>) src(%dma_wait3A_250 : memref<128xi32, #tpu.memory_space<vmem>>) dst(%dma_wait3A_255 : memref<12845056xi32, #tpu.memory_space<hbm>>)
        %dma_wait3A_256 = arith.constant 9 : i32
        %dma_wait3A_257 = arith.constant 1152 : i32
        %dma_wait3A_258 = tpu.memref_slice %arg6[%dma_wait3A_257] : memref<2048xi32, #tpu.memory_space<vmem>> -> memref<128xi32, #tpu.memory_space<vmem>>
        %dma_wait3A_259 = arith.constant 0 : i32
        %dma_wait3A_260 = tpu.memref_slice %arg7[%dma_wait3A_256, %dma_wait3A_259] : memref<16x128xi32, #tpu.memory_space<vmem>> -> memref<1x128xi32, #tpu.memory_space<vmem>>
        %dma_wait3A_261 = tpu.memref_squeeze %dma_wait3A_260 : memref<1x128xi32, #tpu.memory_space<vmem>> -> memref<128xi32, #tpu.memory_space<vmem>>
        %dma_wait3A_262 = arith.constant 0 : i32
        %dma_wait3A_263 = tpu.memref_slice %arg4[%dma_wait3A_262] : memref<12845056xi32, #tpu.memory_space<hbm>> -> memref<12845056xi32, #tpu.memory_space<hbm>>
        tpu.wait_indirect_dma semaphore(%arg9 : memref<!tpu.dma_semaphore, #tpu.memory_space<semaphore_mem>>) src(%dma_wait3A_258 : memref<128xi32, #tpu.memory_space<vmem>>) dst(%dma_wait3A_263 : memref<12845056xi32, #tpu.memory_space<hbm>>)
        %dma_wait3A_264 = arith.constant 10 : i32
        %dma_wait3A_265 = arith.constant 1280 : i32
        %dma_wait3A_266 = tpu.memref_slice %arg6[%dma_wait3A_265] : memref<2048xi32, #tpu.memory_space<vmem>> -> memref<128xi32, #tpu.memory_space<vmem>>
        %dma_wait3A_267 = arith.constant 0 : i32
        %dma_wait3A_268 = tpu.memref_slice %arg7[%dma_wait3A_264, %dma_wait3A_267] : memref<16x128xi32, #tpu.memory_space<vmem>> -> memref<1x128xi32, #tpu.memory_space<vmem>>
        %dma_wait3A_269 = tpu.memref_squeeze %dma_wait3A_268 : memref<1x128xi32, #tpu.memory_space<vmem>> -> memref<128xi32, #tpu.memory_space<vmem>>
        %dma_wait3A_270 = arith.constant 0 : i32
        %dma_wait3A_271 = tpu.memref_slice %arg4[%dma_wait3A_270] : memref<12845056xi32, #tpu.memory_space<hbm>> -> memref<12845056xi32, #tpu.memory_space<hbm>>
        tpu.wait_indirect_dma semaphore(%arg9 : memref<!tpu.dma_semaphore, #tpu.memory_space<semaphore_mem>>) src(%dma_wait3A_266 : memref<128xi32, #tpu.memory_space<vmem>>) dst(%dma_wait3A_271 : memref<12845056xi32, #tpu.memory_space<hbm>>)
        %dma_wait3A_272 = arith.constant 11 : i32
        %dma_wait3A_273 = arith.constant 1408 : i32
        %dma_wait3A_274 = tpu.memref_slice %arg6[%dma_wait3A_273] : memref<2048xi32, #tpu.memory_space<vmem>> -> memref<128xi32, #tpu.memory_space<vmem>>
        %dma_wait3A_275 = arith.constant 0 : i32
        %dma_wait3A_276 = tpu.memref_slice %arg7[%dma_wait3A_272, %dma_wait3A_275] : memref<16x128xi32, #tpu.memory_space<vmem>> -> memref<1x128xi32, #tpu.memory_space<vmem>>
        %dma_wait3A_277 = tpu.memref_squeeze %dma_wait3A_276 : memref<1x128xi32, #tpu.memory_space<vmem>> -> memref<128xi32, #tpu.memory_space<vmem>>
        %dma_wait3A_278 = arith.constant 0 : i32
        %dma_wait3A_279 = tpu.memref_slice %arg4[%dma_wait3A_278] : memref<12845056xi32, #tpu.memory_space<hbm>> -> memref<12845056xi32, #tpu.memory_space<hbm>>
        tpu.wait_indirect_dma semaphore(%arg9 : memref<!tpu.dma_semaphore, #tpu.memory_space<semaphore_mem>>) src(%dma_wait3A_274 : memref<128xi32, #tpu.memory_space<vmem>>) dst(%dma_wait3A_279 : memref<12845056xi32, #tpu.memory_space<hbm>>)
        %dma_wait3A_280 = arith.constant 12 : i32
        %dma_wait3A_281 = arith.constant 1536 : i32
        %dma_wait3A_282 = tpu.memref_slice %arg6[%dma_wait3A_281] : memref<2048xi32, #tpu.memory_space<vmem>> -> memref<128xi32, #tpu.memory_space<vmem>>
        %dma_wait3A_283 = arith.constant 0 : i32
        %dma_wait3A_284 = tpu.memref_slice %arg7[%dma_wait3A_280, %dma_wait3A_283] : memref<16x128xi32, #tpu.memory_space<vmem>> -> memref<1x128xi32, #tpu.memory_space<vmem>>
        %dma_wait3A_285 = tpu.memref_squeeze %dma_wait3A_284 : memref<1x128xi32, #tpu.memory_space<vmem>> -> memref<128xi32, #tpu.memory_space<vmem>>
        %dma_wait3A_286 = arith.constant 0 : i32
        %dma_wait3A_287 = tpu.memref_slice %arg4[%dma_wait3A_286] : memref<12845056xi32, #tpu.memory_space<hbm>> -> memref<12845056xi32, #tpu.memory_space<hbm>>
        tpu.wait_indirect_dma semaphore(%arg9 : memref<!tpu.dma_semaphore, #tpu.memory_space<semaphore_mem>>) src(%dma_wait3A_282 : memref<128xi32, #tpu.memory_space<vmem>>) dst(%dma_wait3A_287 : memref<12845056xi32, #tpu.memory_space<hbm>>)
        %dma_wait3A_288 = arith.constant 13 : i32
        %dma_wait3A_289 = arith.constant 1664 : i32
        %dma_wait3A_290 = tpu.memref_slice %arg6[%dma_wait3A_289] : memref<2048xi32, #tpu.memory_space<vmem>> -> memref<128xi32, #tpu.memory_space<vmem>>
        %dma_wait3A_291 = arith.constant 0 : i32
        %dma_wait3A_292 = tpu.memref_slice %arg7[%dma_wait3A_288, %dma_wait3A_291] : memref<16x128xi32, #tpu.memory_space<vmem>> -> memref<1x128xi32, #tpu.memory_space<vmem>>
        %dma_wait3A_293 = tpu.memref_squeeze %dma_wait3A_292 : memref<1x128xi32, #tpu.memory_space<vmem>> -> memref<128xi32, #tpu.memory_space<vmem>>
        %dma_wait3A_294 = arith.constant 0 : i32
        %dma_wait3A_295 = tpu.memref_slice %arg4[%dma_wait3A_294] : memref<12845056xi32, #tpu.memory_space<hbm>> -> memref<12845056xi32, #tpu.memory_space<hbm>>
        tpu.wait_indirect_dma semaphore(%arg9 : memref<!tpu.dma_semaphore, #tpu.memory_space<semaphore_mem>>) src(%dma_wait3A_290 : memref<128xi32, #tpu.memory_space<vmem>>) dst(%dma_wait3A_295 : memref<12845056xi32, #tpu.memory_space<hbm>>)
        %dma_wait3A_296 = arith.constant 14 : i32
        %dma_wait3A_297 = arith.constant 1792 : i32
        %dma_wait3A_298 = tpu.memref_slice %arg6[%dma_wait3A_297] : memref<2048xi32, #tpu.memory_space<vmem>> -> memref<128xi32, #tpu.memory_space<vmem>>
        %dma_wait3A_299 = arith.constant 0 : i32
        %dma_wait3A_300 = tpu.memref_slice %arg7[%dma_wait3A_296, %dma_wait3A_299] : memref<16x128xi32, #tpu.memory_space<vmem>> -> memref<1x128xi32, #tpu.memory_space<vmem>>
        %dma_wait3A_301 = tpu.memref_squeeze %dma_wait3A_300 : memref<1x128xi32, #tpu.memory_space<vmem>> -> memref<128xi32, #tpu.memory_space<vmem>>
        %dma_wait3A_302 = arith.constant 0 : i32
        %dma_wait3A_303 = tpu.memref_slice %arg4[%dma_wait3A_302] : memref<12845056xi32, #tpu.memory_space<hbm>> -> memref<12845056xi32, #tpu.memory_space<hbm>>
        tpu.wait_indirect_dma semaphore(%arg9 : memref<!tpu.dma_semaphore, #tpu.memory_space<semaphore_mem>>) src(%dma_wait3A_298 : memref<128xi32, #tpu.memory_space<vmem>>) dst(%dma_wait3A_303 : memref<12845056xi32, #tpu.memory_space<hbm>>)
        %dma_wait3A_304 = arith.constant 15 : i32
        %dma_wait3A_305 = arith.constant 1920 : i32
        %dma_wait3A_306 = tpu.memref_slice %arg6[%dma_wait3A_305] : memref<2048xi32, #tpu.memory_space<vmem>> -> memref<128xi32, #tpu.memory_space<vmem>>
        %dma_wait3A_307 = arith.constant 0 : i32
        %dma_wait3A_308 = tpu.memref_slice %arg7[%dma_wait3A_304, %dma_wait3A_307] : memref<16x128xi32, #tpu.memory_space<vmem>> -> memref<1x128xi32, #tpu.memory_space<vmem>>
        %dma_wait3A_309 = tpu.memref_squeeze %dma_wait3A_308 : memref<1x128xi32, #tpu.memory_space<vmem>> -> memref<128xi32, #tpu.memory_space<vmem>>
        %dma_wait3A_310 = arith.constant 0 : i32
        %dma_wait3A_311 = tpu.memref_slice %arg4[%dma_wait3A_310] : memref<12845056xi32, #tpu.memory_space<hbm>> -> memref<12845056xi32, #tpu.memory_space<hbm>>
        tpu.wait_indirect_dma semaphore(%arg9 : memref<!tpu.dma_semaphore, #tpu.memory_space<semaphore_mem>>) src(%dma_wait3A_306 : memref<128xi32, #tpu.memory_space<vmem>>) dst(%dma_wait3A_311 : memref<12845056xi32, #tpu.memory_space<hbm>>)
        %scan3A_312 = arith.constant 0 : i32
        scf.yield %scan3A_312 : i32
      }
      %scan3A_41 = arith.constant 49 : i32
      %scan3A_42 = arith.constant 0 : i32
      scf.yield %scan3A_42 : i32
    }
    %scan3A_7 = arith.constant 4 : i32
    return
  }
}

</mosaic_0001>

<sc_bundles>
// kernel: kernel.4.cloned.1.call-start
scs
__scs_entry_jumppad:
0x0: {  	(pc) =	sbr.rel $0x88, $3  }
0x1: {  	(tag) =	ssettag $0x0;
	lr =	simm.s32 $0x1  }
0x2: {  	[smem:$0x3FA0] =	sst lr;
	_ =	strace $0xD0000000  }
0x3: {  	_ = 	snop  }
0x4: {  	_ = 	snop  }
0x5: {  	_ = 	snop  }
0x6: {  	_ = 	snop  }
0x7: {  	_ = 	snop  }
__scs_overlays_trampoline_lowered:
0x8: {  	[smem:$0x3FAF] =	sst s0  }
0x9: {  	[smem:$0x3FB0] =	sst s1  }
0xa: {  	[smem:$0x3FB1] =	sst s2  }
0xb: {  	[smem:$0x3FB2] =	sst s3  }
0xc: {  	[smem:$0x3FB3] =	sst s4  }
0xd: {  	[smem:$0x3FB4] =	sst s5  }
0xe: {  	[smem:$0x3FB5] =	sst s6  }
0xf: {  	[smem:$0x3FB6] =	sst s7  }
0x10: {  	[smem:$0x3FB7] =	sst s8  }
0x11: {  	[smem:$0x3FB8] =	sst s9;
	s0 =	simm.s32 @!p0 $0x0  }
0x12: {  	s1 =	sld [smem:$0x3F9E];
	s0 =	simm.s32 @p0 $0x1  }
0x13: {  	[smem:$0x3FB9] =	sst s0;
	s0 =	simm.s32 @!p1 $0x0  }
0x14: {  	s2 =	sld [smem:$0x3F9D];
	s0 =	simm.s32 @p1 $0x1  }
0x15: {  	[smem:$0x3FBA] =	sst s0;
	s0 =	simm.s32 @!p2 $0x0  }
0x16: {  	s3 =	sld [smem:$0x3FDB];
	s0 =	simm.s32 @p2 $0x1  }
0x17: {  	s4 =	simm.s32 $0x1BF5;
	[smem:$0x3FBC] =	sst s0  }
0x18: {  	s0 =	sld [smem:$0x3F9F];
	_ =	swait.ge [sflag:s4], $0x0  }
0x19: {  	s7 =	sld [smem:$0x3FA0]  }
0x1a: {  	s8 =	sadd.s32 $0xFFFFE003, lr  }
0x1b: {  	s9 =	sadd.s32 $0xFFFFFEF7, lr;
	s5 =	simm.s32 $0xFFFFFFFF;
	p2 =	slt.u32 s8, $0xFFFFF086  }
0x1c: {  	p1 =	slt.u32 s9, $0xF7A;
	s5 =	simm.s32 @!p2 $0x0  }
0x1d: {  	s5 =	simm.s32 @p1 $0x1;
	p0 =	seq.s32 s7, s2  }
0x1e: {  	s7 =	smul.u32 @!p0 $0xF7A, s2;
	p2 =	seq.s32 @!p0 s5, $0x0  }
0x1f: {  	s9 =	smul.u32 $0xF7A, s1;
	s8 =	simm.s32 @!p0 $0x1BF5;
	p2 =	por !p2, p0  }
0x20: {  	[sflag:s8] =	ssyncset.s32 @!p0 $0xFFFFF086;
	s6 =	sadd.s32 @!p0 s3, s7;
	s7 =	simm.s32 @!p0 $0x108  }
0x21: {  	s3 =	sadd.s32 s3, s9;
	s6 =	sadd.s32 @!p0 $0x88, s6;
	s7 =	simm.s32 @p2 $0x1082  }
0x22: {  	[simem:s7], [sflag:s8] =	dma.local @!p0 [hbm:s6], $0xF7A  }
0x23: {  	s9 =	sor.u32 $0xD0000000, s2;
	s6 =	simm.s32 $0x108;
	_ =	swait.ge @!p0 [sflag:s8], $0x0  }
0x24: {  	s3 =	sadd.s32 $0x88, s3;
	s6 =	simm.s32 @!p1 $0x1082;
	[sflag:s4] =	ssyncset.s32 $0xFFFFF086  }
0x25: {  	[simem:s6], [sflag:s4] =	dma.local [hbm:s3], $0xF7A  }
0x26: {  	[smem:$0x3FA0] =	sst s1;
	(tag) =	ssettag s2;
	_ =	strace s9  }
0x27: {  	s1 =	sld [smem:$0x3FB0]  }
0x28: {  	s2 =	sld [smem:$0x3FB1]  }
0x29: {  	s4 =	sld [smem:$0x3FB3]  }
0x2a: {  	p0 =	seq.s32 s5, $0x0;
	s5 =	sld [smem:$0x3FB4]  }
0x2b: {  	s6 =	sld [smem:$0x3FB5]  }
0x2c: {  	s7 =	sld [smem:$0x3FB6]  }
0x2d: {  	s3 =	simm.s32 $0x108;
	s8 =	sld [smem:$0x3FB7]  }
0x2e: {  	s3 =	simm.s32 @!p0 $0x1082;
	s9 =	sld [smem:$0x3FB8]  }
0x2f: {  	lr =	sadd.s32 s0, s3;
	s0 =	sld [smem:$0x3FAF]  }
0x30: {  	s3 =	sld [smem:$0x3FB2]  }
0x31: {  	[smem:$0x3FBB] =	sst s10  }
0x32: {  	s10 =	sld [smem:$0x3FB9];
	_ =	sdelay $0x3  }
0x33: {  	p0 =	seq.s32 s10, $0x1;
	s10 =	sld [smem:$0x3FBB];
	_ =	sdelay $0x3  }
0x34: {  	[smem:$0x3FBB] =	sst s10  }
0x35: {  	s10 =	sld [smem:$0x3FBA];
	_ =	sdelay $0x3  }
0x36: {  	p1 =	seq.s32 s10, $0x1;
	s10 =	sld [smem:$0x3FBB];
	_ =	sdelay $0x3  }
0x37: {  	[smem:$0x3FBB] =	sst s10  }
0x38: {  	s10 =	sld [smem:$0x3FBC]  }
0x39: {  	_ = 	snop;
	(pc) =	sbr.ind lr, $3  }
0x3a: {  	_ = 	snop  }
0x3b: {  	_ = 	snop  }
0x3c: {  	p2 =	seq.s32 s10, $0x1;
	s10 =	sld [smem:$0x3FBB]  }
0x3d: {  	_ =	shalt  }
0x3e: {  	_ =	shalt  }
0x3f: {  	_ =	shalt  }
0x40: {  	_ =	shalt  }
0x41: {  	_ =	shalt  }
0x42: {  	_ =	shalt  }
0x43: {  	_ =	shalt  }
0x44: {  	_ =	shalt  }
0x45: {  	_ =	shalt  }
0x46: {  	_ =	shalt  }
0x47: {  	_ =	shalt  }
0x48: {  	_ =	shalt  }
0x49: {  	_ =	shalt  }
0x4a: {  	_ =	shalt  }
0x4b: {  	_ =	shalt  }
0x4c: {  	_ =	shalt  }
0x4d: {  	_ =	shalt  }
0x4e: {  	_ =	shalt  }
0x4f: {  	_ =	shalt  }
0x50: {  	_ =	shalt  }
0x51: {  	_ =	shalt  }
0x52: {  	_ =	shalt  }
0x53: {  	_ =	shalt  }
0x54: {  	_ =	shalt  }
0x55: {  	_ =	shalt  }
0x56: {  	_ =	shalt  }
0x57: {  	_ =	shalt  }
0x58: {  	_ =	shalt  }
0x59: {  	_ =	shalt  }
0x5a: {  	_ =	shalt  }
0x5b: {  	_ =	shalt  }
0x5c: {  	_ =	shalt  }
0x5d: {  	_ =	shalt  }
0x5e: {  	_ =	shalt  }
0x5f: {  	_ =	shalt  }
0x60: {  	_ =	shalt  }
0x61: {  	_ =	shalt  }
0x62: {  	_ =	shalt  }
0x63: {  	_ =	shalt  }
0x64: {  	_ =	shalt  }
0x65: {  	_ =	shalt  }
0x66: {  	_ =	shalt  }
0x67: {  	_ =	shalt  }
0x68: {  	_ =	shalt  }
0x69: {  	_ =	shalt  }
0x6a: {  	_ =	shalt  }
0x6b: {  	_ =	shalt  }
0x6c: {  	_ =	shalt  }
0x6d: {  	_ =	shalt  }
0x6e: {  	_ =	shalt  }
0x6f: {  	_ =	shalt  }
0x70: {  	_ =	shalt  }
0x71: {  	_ =	shalt  }
0x72: {  	_ =	shalt  }
0x73: {  	_ =	shalt  }
0x74: {  	_ =	shalt  }
0x75: {  	_ =	shalt  }
0x76: {  	_ =	shalt  }
0x77: {  	_ =	shalt  }
0x78: {  	_ =	shalt  }
0x79: {  	_ =	shalt  }
0x7a: {  	_ =	shalt  }
0x7b: {  	_ =	shalt  }
0x7c: {  	_ =	shalt  }
0x7d: {  	_ =	shalt  }
0x7e: {  	_ =	shalt  }
0x7f: {  	_ =	shalt  }
0x80: {  	_ =	shalt  }
0x81: {  	_ =	shalt  }
0x82: {  	_ =	shalt  }
0x83: {  	_ =	shalt  }
0x84: {  	_ =	shalt  }
0x85: {  	_ =	shalt  }
0x86: {  	_ =	shalt  }
0x87: {  	_ =	shalt  }
.Lfunc_end0:
.L_simem_size_0:
called_computation.1_lowered:
.L_overlay_start_0:
0x88: {  	s2 =	sld [smem:$0x3FD9]  }
0x89: {  	s3 =	sld [smem:$0x3FFE];
	_ =	sdelay $0x1  }
0x8a: {  	s1 =	srdreg.scid  }
0x8b: {  	s0 =	sand.u32 $0x1, s1  }
0x8c: {  	s17 =	sshll.u32 s0, $0xA;
	s2 =	sadd.s32 s3, s2  }
0x8d: {  	s2 =	sadd.s32 s2, s17  }
0x8e: {  	[smem:$0x3FC7] =	sst s2  }
0x8f: {  	_ = 	snop  }
0x90: {  	s2 =	sld [smem:$0x3FD0];
	(tm) =	ssettm $0x1  }
0x91: {  	s18 =	sld [smem:$0x3FFB];
	_ =	sdelay $0x3  }
0x92: {  	_ =	strace s18  }
0x93: {  	s3 =	sld [smem:$0x3FFC];
	_ =	sdelay $0x3  }
0x94: {  	_ =	strace s3  }
0x95: {  	s3 =	sld [smem:$0x3FFD];
	_ =	sdelay $0x3  }
0x96: {  	_ =	strace s3  }
0x97: {  	_ =	strace $0x8FFFFFFF  }
0x98: {  	s19 =	sld [smem:$0x3FDB];
	_ =	sdelay $0x1  }
0x99: {  	s4 =	simm.s32 $_scs_section_size  }
0x9a: {  	s5 =	simm.s32 $_size__tile_overlayer_lowered;
	s6 =	simm.s32 $_tile_overlayer_lowered  }
0x9b: {  	s22 =	simm.s32 $0x1BFF;
	s21 =	sshll.u32 s6, $0x1;
	s3 =	sadd.s32 s4, s19  }
0x9c: {  	s7 =	simm.s32 $0x0;
	s20 =	sshll.u32 s5, $0x1;
	s5 =	sadd.s32 s21, s3  }
0x9d: {  	[timem:s7], [sflag:s22] =	dma.local [hbm:s5], s20  }
0x9e: {  	_ =	swait.ge [sflag:s22], s20  }
0x9f: {  	s4 =	ssub.s32 $0x0, s20;
	[sflag:s22] =	ssyncset.done $0x0  }
0xa0: {  	[sflag:s22] =	ssyncadd.s32 s4;
	_ =	sdelay $0x1  }
0xa1: {  	s23 =	simm.s32 $0x1B8B  }
0xa2: {  	_ =	swait.ge [sflag:s23], $0x1  }
0xa3: {  	[sflag:s23] =	ssyncset.done $0x0  }
0xa4: {  	s25 =	simm.s32 $0x1B8E;
	s24 =	sld [smem:$0x3FFE];
	[sflag:s23] =	ssyncadd.s32 $0xFFFFFFFF  }
0xa5: {  	s26 =	simm.s32 $execute0_lowered;
	[smem:$0x3FD2] =	sst s25  }
0xa6: {  	s5 =	sshll.u32 s26, $0x1;
	_ =	strace $0x80000046;
	[dreg:$0x1] =	wrdreg $0xFFFFFFFF  }
0xa7: {  	s28 =	simm.s32 $_size_execute0_lowered;
	s3 =	sadd.s32 s3, s5;
	[dreg:$0x0] =	wrdreg $0x0  }
0xa8: {  	s5 =	sshll.u32 s28, $0x1;
	[dreg:$0x2] =	wrdreg s3  }
0xa9: {  	[dreg:$0x3] =	wrdreg s5  }
0xaa: {  	[dreg:$0x4] =	wrdreg $0xC0  }
0xab: {  	_ =	task [dreg:s7], $0x5FFFF  }
0xac: {  	[dreg:$0x1] =	wrdreg $0xFFFFFFFF  }
0xad: {  	[dreg:$0x0] =	wrdreg $0x60  }
0xae: {  	[dreg:$0x2] =	wrdreg s2  }
0xaf: {  	[dreg:$0x3] =	wrdreg s24  }
0xb0: {  	[dreg:$0x4] =	wrdreg $0x9  }
0xb1: {  	_ =	task.clear_ibuf [dreg:s7], $0x5FFFF;
	_ =	strace $0x90000046  }
0xb2: {  	s29 =	simm.s32 $0x9;
	_ =	strace $0x80000048  }
0xb3: {  	_ =	swait.ge [sflag:s29], $0x1  }
0xb4: {  	[sflag:s29] =	ssyncadd.s32 $0xFFFFFFFF  }
0xb5: {  	_ =	strace $0x90000048  }
0xb6: {  	_ =	sfence  }
0xb7: {  	s30 =	sld [smem:$0x0];
	_ =	sdelay $0x2  }
0xb8: {  	s31 =	sshll.u32 s1, $0xD;
	s1 =	sshrl.u32 s1, $0x2  }
0xb9: {  	s3 =	sand.u32 $0x4000, s31;
	s1 =	sadd.s32 s1, s30  }
0xba: {  	s0 =	sor.u32 s3, s0;
	s1 =	sshll.u32 s1, $0x11  }
0xbb: {  	s0 =	sor.u32 s1, s0  }
0xbc: {  	s0 =	sadd.s32 $0x8F2B, s0  }
0xbd: {  	[sflag:s0] =	ssyncadd.remote.s32 $0x1  }
0xbe: {  	_ =	sfence.sel $0xFFFF  }
0xbf: {  	[dreg:$0x0] =	wrdreg $0xFFFFFFFF;
	(pc) =	sbr.abs _section_cstart, $3  }
0xc0: {  	[dreg:$0x1] =	wrdreg $0xFFFFFFFF  }
0xc1: {  	_ =	task.clear_ibuf [dreg:s7], $0x2FFFF;
	_ =	strace $0x9FFFFFFF  }
0xc2: {  	(tm) =	ssettm $0x7FFFFFFF  }
0xc3: {  	_ =	shalt  }
tec
execute0_lowered:
.L_overlay_start_1:
0x0: {  	(tag) =	ssettag $0x1  }
0x1: {  	s12 =	rddreg [dreg:$0x0]  }
0x2: {  	s0 =	rddreg [dreg:$0x1]  }
0x3: {  	s1 =	simm.s32 $0x0;
	s2 =	srdreg.scid;
	s6 =	stileid.u32  }
0x4: {  	s8 =	simm.s32 $0x2000;
	s9 =	simm.s32 $0x80;
	s16 =	simm.s32 $0x980  }
0x5: {  	s18 =	simm.s32 $0xA00;
	s20 =	simm.s32 $0xA80;
	s22 =	simm.s32 $0xB00  }
0x6: {  	s24 =	simm.s32 $0xB80;
	s26 =	simm.s32 $0xC00;
	s29 =	simm.s32 $0xC80  }
0x7: {  	s31 =	simm.s32 $0xD00;
	s11 =	simm.s32 $0xE80;
	s15 =	simm.s32 $0xF00  }
0x8: {  	s19 =	simm.s32 $0xF80;
	[smem:$0x7FF] =	sst s1;
	s2 =	sand.u32 $0x1, s2  }
0x9: {  	s4 =	sadd.s32 $0x1000, s0;
	s6 =	sshll.u32 s6, $0x3;
	s3 =	ssub.s32 $0x2, s2  }
0xa: {  	_ =	strace $0x80000047;
	s2 =	sshll.u32 s2, $0x2;
	s5 =	sshrl.u32 s3, $0x1  }
0xb: {  	s28 =	sor.u32 s2, s6;
	s2 =	simm.s32 $0xE00;
	s3 =	ssub.s32 s3, s5  }
0xc: {  	s6 =	simm.s32 $0x1;
	[dreg:$0x4] =	wrdreg s28;
	s30 =	smax.u32 s3, $0x1  }
0xd: {  	v0 =	vimm.s32 $0x0;
	v1 =	vimm.s32 $0x1;
	v2 =	vlaneseq.u32;
	s5 =	sadd.s32 $0x189000, s0;
	s3 =	simm.s32 $0xD80;
	[dreg:$0x5] =	wrdreg s30  }
.LBB2_1:
0xe: {  	[dreg:$0x3] =	wrdreg s1;
	s1 =	simm.s32 $0x0  }
.LBB2_2:
0xf: {  	s13 =	simm.s32 $0x40;
	s0 =	simm.s32 $0x0  }
.LBB2_3:
0x10: {  	p0 =	seq.s32 s13, $0x3FFC0;
	[tilespmem:s0+$0x2000] =	vst v0;
	s0 =	smov.u32 s13;
	s13 =	sadd.s32 $0x40, s13  }
.Ltmp0:
0x11: {  	(pc) =	sbr.rel @!p0 .LBB2_3-.Ltmp0, $2  }
0x12: {  	_ =	sdelay $0x2  }
0x13: {  	s0 =	sshra.s32 s0, $0x2  }
0x14: {  	s30 =	rddreg [dreg:$0x4]  }
0x15: {  	[tilespmem:s0+$0x2000] =	vst v0;
	s0 =	sadd.s32 s30, s1  }
0x16: {  	s13 =	smul.u32 $0x186A0, s0;
	_ =	sdelay $0x1  }
0x17: {  	[dreg:$0x7] =	wrdreg s0;
	s0 =	sshrl.u32 s13, $0x3  }
0x18: {  	s0 =	sadd.s32 s12, s0  }
0x19: {  	[dreg:$0x6] =	wrdreg s1;
	s21 =	simm.s32 $0x0;
	s17 =	sadd.s32 $0x3000, s0  }
.LBB2_5:
0x1a: {  	p0 =	seq.s32 s21, $0x30  }
0x1b: {  	s0 =	simm.s32 @p0 $0x0  }
0x1c: {  	[tilespmem:s0], [sflag:$0x2] =	stream.linear.gather @p0 [hbm4b:s17+s0], $0x6A0, $0x38;
	[tilespmem:$0x12000] =	vst v63  }
0x1d: {  	s23 =	sshll.u32 @!p0 s21, $0xB;
	s0 =	simm.s32 @p0 $0x2  }
0x1e: {  	s25 =	sadd.s32 @!p0 s13, s23;
	_ =	swait.ge @p0 [sflag:s0], $0x6A0  }
0x1f: {  	s25 =	sshrl.u32 @!p0 s25, $0x3;
	[sflag:s0] =	ssyncset.done @p0 $0x0  }
0x20: {  	[sflag:s0] =	ssyncadd.s32 @p0 $0xFFFFF960;
	s0 =	sadd.s32 @!p0 s12, s25;
	s25 =	simm.s32 @!p0 $0x0  }
0x21: {  	[tilespmem:s25], [sflag:$0x2] =	stream.linear.gather @!p0 [hbm4b:s0+s25], $0x800, $0x38;
	[tilespmem:$0x12000] =	vst v63  }
0x22: {  	s0 =	simm.s32 @!p0 $0x2  }
0x23: {  	_ =	swait.ge @!p0 [sflag:s0], $0x800  }
0x24: {  	[sflag:s0] =	ssyncset.done @!p0 $0x0  }
0x25: {  	s10 =	simm.s32 $0x40;
	[sflag:s0] =	ssyncadd.s32 @!p0 $0xFFFFF800  }
0x26: {  	v3 =	vld [tilespmem:s10+$0x30]  }
0x27: {  	v4 =	vld [tilespmem:s10+$0xFFFFFFC0]  }
0x28: {  	v5 =	vld [tilespmem:s10+$0xFFFFFFD0]  }
0x29: {  	v6 =	vld [tilespmem:s10+$0xFFFFFFE0]  }
0x2a: {  	v7 =	vld [tilespmem:s10+$0xFFFFFFF0]  }
0x2b: {  	v8 =	vld [tilespmem:s10+$0x0]  }
0x2c: {  	v9 =	vld [tilespmem:s10+$0x10]  }
0x2d: {  	v11 =	vld [tilespmem:s10+$0x20];
	_ =	sdelay $0x2  }
0x2e: {  	vm0 =	veq.s32 v3, $0x80000000;
	vm1 =	veq.s32 v4, $0x80000000;
	vm6 =	veq.s32 v5, $0x80000000  }
0x2f: {  	vm8 =	veq.s32 v6, $0x80000000;
	vm9 =	veq.s32 v7, $0x80000000;
	vm10 =	veq.s32 v8, $0x80000000  }
0x30: {  	vm11 =	veq.s32 v9, $0x80000000;
	vm13 =	veq.s32 v11, $0x80000000;
	v3 =	vsel vm0, $0x0, v3  }
0x31: {  	v10 =	vsel vm1, $0x0, v4;
	v12 =	vsel vm6, $0x0, v5;
	vm7 =	vgt.s32 v3, $0xFFFFFFFF  }
0x32: {  	s23 =	simm.s32 @p0 $0x18000;
	v13 =	vsel vm8, $0x0, v6;
	v14 =	vsel vm9, $0x0, v7;
	v4 =	vsel vm7, $0xFFFFFFFF, v0  }
0x33: {  	s23 =	sadd.s32 $0x70, s23;
	v5 =	vsel vm13, $0x0, v11;
	vm12 =	vgt.s32 v10, $0xFFFFFFFF;
	v3 =	vxor.u32 v4, v3  }
0x34: {  	s14 =	smov.u32 s12;
	p6 =	slt.u32 s23, $0x186A0;
	s28 =	sadd.s32 $0xFFFFFFB0, s23;
	vm2 =	vgt.s32 v12, $0xFFFFFFFF;
	vm3 =	vgt.s32 v13, $0xFFFFFFFF;
	v4 =	vand.u32 $0xFFFF, v3  }
0x35: {  	s30 =	sadd.s32 $0xFFFFFFC0, s23;
	s7 =	sadd.s32 $0xFFFFFFD0, s23;
	s12 =	sadd.s32 $0xFFFFFFA0, s23;
	vm14 =	vgt.s32 v14, $0xFFFFFFFF;
	vm15 =	vgt.s32 v5, $0xFFFFFFFF;
	v7 =	vpsel !p6, $0xFFFF, v4  }
0x36: {  	s1 =	sadd.s32 $0xFFFFFFE0, s23;
	p3 =	slt.u32 s28, $0x186A0;
	p0 =	slt.u32 s12, $0x186A0;
	v11 =	vsel vm2, $0xFFFFFFFF, v0;
	v15 =	vsel vm3, $0xFFFFFFFF, v0;
	v16 =	vsel vm14, $0xFFFFFFFF, v0  }
0x37: {  	p2 =	slt.u32 s30, $0x186A0;
	p4 =	slt.u32 s7, $0x186A0;
	s0 =	simm.s32 @!p0 $0x0;
	v12 =	vxor.u32 v11, v12;
	v11 =	vxor.u32 v15, v13;
	v3 =	vsel vm10, $0x0, v8  }
0x38: {  	p5 =	slt.u32 s1, $0x186A0;
	s28 =	simm.s32 $0xC0;
	s0 =	simm.s32 @p0 $0x1;
	v8 =	vsel vm12, $0xFFFFFFFF, v0;
	v4 =	vsel vm11, $0x0, v9;
	vm4 =	vgt.s32 v3, $0xFFFFFFFF  }
0x39: {  	s12 =	sadd.s32 $0xFFFFFFF0, s23;
	s10 =	sadd.s32 $0xFFFFFF90, s23;
	[smem:$0x7FD] =	sst s0;
	v9 =	vxor.u32 v8, v10;
	v10 =	vxor.u32 v16, v14;
	vm5 =	vgt.s32 v4, $0xFFFFFFFF  }
0x3a: {  	s25 =	simm.s32 $0x0;
	p0 =	slt.u32 s10, $0x186A0;
	p6 =	slt.u32 s12, $0x186A0;
	v6 =	vsel vm4, $0xFFFFFFFF, v0;
	v8 =	vsel vm5, $0xFFFFFFFF, v0;
	[tilespmem:v7+s8+$0x0] =	vst.idx.add.s32.msk $0xffff, v1;
	v7 =	vsel vm15, $0xFFFFFFFF, v0  }
.LBB2_6:
0x3b: {  	v13 =	vld [tilespmem:s28+$0x30]  }
0x3c: {  	v3 =	vxor.u32 v6, v3;
	v6 =	vld [tilespmem:s28+$0xFFFFFFC0]  }
0x3d: {  	v5 =	vxor.u32 v7, v5;
	v7 =	vand.u32 $0xFFFF, v9;
	v9 =	vand.u32 $0xFFFF, v11;
	v11 =	vld [tilespmem:s28+$0xFFFFFFD0]  }
0x3e: {  	s25 =	sadd.s32 $0x8, s25;
	v4 =	vxor.u32 v8, v4;
	v8 =	vand.u32 $0xFFFF, v12;
	v12 =	vld [tilespmem:s28+$0xFFFFFFE0];
	s12 =	sld [smem:$0x7FD]  }
0x3f: {  	v10 =	vand.u32 $0xFFFF, v10;
	v14 =	vld [tilespmem:s28+$0xFFFFFFF0];
	p1 =	slt.u32 s25, $0x78;
	v3 =	vand.u32 $0xFFFF, v3  }
0x40: {  	v4 =	vand.u32 $0xFFFF, v4;
	v7 =	vpsel !p0, $0xFFFF, v7;
	v5 =	vand.u32 $0xFFFF, v5;
	s0 =	simm.s32 @!p1 $0x0  }
0x41: {  	v9 =	vpsel !p3, $0xFFFF, v9;
	v10 =	vpsel !p2, $0xFFFF, v10;
	v15 =	vpsel !p4, $0xFFFF, v3;
	v3 =	vld [tilespmem:s28+$0x0];
	s0 =	simm.s32 @p1 $0x1;
	p1 =	seq.s32 s12, $0x1  }
0x42: {  	v16 =	vpsel !p5, $0xFFFF, v4;
	v17 =	vpsel !p6, $0xFFFF, v5;
	v4 =	vld [tilespmem:s28+$0x10];
	v8 =	vpsel !p1, $0xFFFF, v8  }
0x43: {  	vm0 =	veq.s32 v13, $0x80000000;
	vm1 =	veq.s32 v6, $0x80000000;
	vm6 =	veq.s32 v11, $0x80000000  }
0x44: {  	vm8 =	veq.s32 v12, $0x80000000;
	vm9 =	veq.s32 v14, $0x80000000;
	v5 =	vsel vm0, $0x0, v13  }
0x45: {  	s23 =	sadd.s32 $0x80, s23;
	v13 =	vsel vm1, $0x0, v6;
	v11 =	vsel vm6, $0x0, v11;
	v19 =	vsel vm8, $0x0, v12  }
0x46: {  	s30 =	sadd.s32 $0xFFFFFFE0, s23;
	[smem:$0x7FC] =	sst s0;
	v14 =	vsel vm9, $0x0, v14;
	vm7 =	vgt.s32 v5, $0xFFFFFFFF;
	vm10 =	veq.s32 v3, $0x80000000  }
0x47: {  	p5 =	slt.u32 s30, $0x186A0;
	s30 =	sld [smem:$0x7FC];
	v6 =	vld [tilespmem:s28+$0x20];
	vm11 =	veq.s32 v4, $0x80000000;
	vm12 =	vgt.s32 v13, $0xFFFFFFFF;
	v18 =	vsel vm7, $0xFFFFFFFF, v0  }
0x48: {  	[tilespmem:v7+s8+$0x0] =	vst.idx.add.s32.msk $0xffff, v1;
	vm2 =	vgt.s32 v11, $0xFFFFFFFF;
	vm3 =	vgt.s32 v19, $0xFFFFFFFF;
	v5 =	vxor.u32 v18, v5  }
0x49: {  	p6 =	slt.u32 s23, $0x186A0;
	[tilespmem:v9+s8+$0x0] =	vst.idx.add.s32.msk $0xffff, v1;
	vm14 =	vgt.s32 v14, $0xFFFFFFFF;
	v3 =	vsel vm10, $0x0, v3;
	v5 =	vand.u32 $0xFFFF, v5  }
0x4a: {  	s1 =	sadd.s32 $0xFFFFFFB0, s23;
	s0 =	sadd.s32 $0xFFFFFFA0, s23;
	[tilespmem:v10+s8+$0x0] =	vst.idx.add.s32.msk $0xffff, v1;
	v4 =	vsel vm11, $0x0, v4;
	v10 =	vsel vm2, $0xFFFFFFFF, v0;
	p1 =	seq.s32 s30, $0x1;
	v7 =	vpsel !p6, $0xFFFF, v5  }
.Ltmp1:
0x4b: {  	s7 =	sadd.s32 $0xFFFFFFC0, s23;
	p0 =	slt.u32 s0, $0x186A0;
	[tilespmem:v15+s8+$0x0] =	vst.idx.add.s32.msk $0xffff, v1;
	v15 =	vsel vm3, $0xFFFFFFFF, v0;
	v63 =	vsel vm14, $0xFFFFFFFF, v0;
	vm4 =	vgt.s32 v3, $0xFFFFFFFF;
	(pc) =	sbr.rel @p1 .LBB2_6-.Ltmp1, $4  }
0x4c: {  	s10 =	sadd.s32 $0xFFFFFFD0, s23;
	p3 =	slt.u32 s1, $0x186A0;
	s0 =	simm.s32 @!p0 $0x0;
	[tilespmem:v8+s8+$0x0] =	vst.idx.add.s32.msk $0xffff, v1;
	vm5 =	vgt.s32 v4, $0xFFFFFFFF;
	v8 =	vsel vm12, $0xFFFFFFFF, v0;
	vm13 =	veq.s32 v6, $0x80000000  }
0x4d: {  	p2 =	slt.u32 s7, $0x186A0;
	p4 =	slt.u32 s10, $0x186A0;
	s0 =	simm.s32 @p0 $0x1;
	[tilespmem:v16+s8+$0x0] =	vst.idx.add.s32.msk $0xffff, v1;
	v12 =	vxor.u32 v10, v11;
	v11 =	vxor.u32 v15, v19;
	v5 =	vsel vm13, $0x0, v6  }
0x4e: {  	s12 =	sadd.s32 $0xFFFFFF90, s23;
	[tilespmem:v17+s8+$0x0] =	vst.idx.add.s32.msk $0xffff, v1;
	[smem:$0x7FD] =	sst s0;
	s0 =	sadd.s32 $0xFFFFFFF0, s23;
	v10 =	vxor.u32 v63, v14;
	v9 =	vxor.u32 v8, v13;
	vm15 =	vgt.s32 v5, $0xFFFFFFFF  }
0x4f: {  	s28 =	sadd.s32 $0x80, s28;
	p0 =	slt.u32 s12, $0x186A0;
	v8 =	vsel vm5, $0xFFFFFFFF, v0;
	p6 =	slt.u32 s0, $0x186A0;
	v6 =	vsel vm4, $0xFFFFFFFF, v0;
	[tilespmem:v7+s8+$0x0] =	vst.idx.add.s32.msk $0xffff, v1;
	v7 =	vsel vm15, $0xFFFFFFFF, v0  }
0x50: {  	v9 =	vand.u32 $0xFFFF, v9  }
0x51: {  	v11 =	vand.u32 $0xFFFF, v11;
	v9 =	vpsel !p0, $0xFFFF, v9  }
0x52: {  	v3 =	vxor.u32 v6, v3;
	v62 =	vand.u32 $0xFFFF, v10;
	v63 =	vpsel !p3, $0xFFFF, v11  }
0x53: {  	s0 =	sld [smem:$0x7FD];
	v4 =	vxor.u32 v8, v4;
	v3 =	vand.u32 $0xFFFF, v3;
	v6 =	vpsel !p2, $0xFFFF, v62  }
0x54: {  	v5 =	vxor.u32 v7, v5;
	v4 =	vand.u32 $0xFFFF, v4;
	v3 =	vpsel !p4, $0xFFFF, v3  }
0x55: {  	v5 =	vand.u32 $0xFFFF, v5;
	v4 =	vpsel !p5, $0xFFFF, v4  }
0x56: {  	v12 =	vand.u32 $0xFFFF, v12;
	s21 =	sadd.s32 $0x1, s21;
	v5 =	vpsel !p6, $0xFFFF, v5;
	p1 =	seq.s32 s0, $0x1;
	[tilespmem:v9+s8+$0x0] =	vst.idx.add.s32.msk $0xffff, v1  }
0x57: {  	p0 =	sne.s32 s21, $0x31;
	v12 =	vpsel !p1, $0xFFFF, v12;
	[tilespmem:v63+s8+$0x0] =	vst.idx.add.s32.msk $0xffff, v1  }
.Ltmp2:
0x58: {  	[tilespmem:v6+s8+$0x0] =	vst.idx.add.s32.msk $0xffff, v1;
	(pc) =	sbr.rel @p0 .LBB2_5-.Ltmp2, $4  }
0x59: {  	[tilespmem:v3+s8+$0x0] =	vst.idx.add.s32.msk $0xffff, v1  }
0x5a: {  	[tilespmem:v4+s8+$0x0] =	vst.idx.add.s32.msk $0xffff, v1  }
0x5b: {  	[tilespmem:v5+s8+$0x0] =	vst.idx.add.s32.msk $0xffff, v1  }
0x5c: {  	s12 =	smov.u32 s14;
	[tilespmem:v12+s8+$0x0] =	vst.idx.add.s32.msk $0xffff, v1  }
0x5d: {  	s0 =	simm.s32 $0x0  }
0x5e: {  	v3 =	vld [tilespmem:s0+$0x2000];
	_ =	sdelay $0x4  }
0x5f: {  	(xrf0) =	vadd.scan.msk.s32 $0xffff, v3;
	_ =	sdelay $0x4  }
0x60: {  	s1 =	rddreg [dreg:$0x7]  }
0x61: {  	s23 =	smul.u32 $0x18800, s1;
	v4, _, _ =	vpop (xrf0)  }
0x62: {  	(v2sf) =	vpush v4, $0xF  }
0x63: {  	v3 =	vsub.s32 s23, v3  }
0x64: {  	v3 =	vadd.s32 v4, v3  }
0x65: {  	s21 =	simm.s32 $0x0;
	s25 =	simm.s32 $0x10;
	s28 =	simm.s32 $0x80;
	[tilespmem:s0+$0x2000] =	vst v3  }
.LBB2_9:
0x66: {  	p0 =	sne.s32 s28, $0x3FFC0;
	v3 =	vld [tilespmem:s25+$0x2000];
	_ =	sdelay $0x4  }
0x67: {  	(xrf0) =	vadd.scan.msk.s32 $0xffff, v3;
	_ =	sdelay $0x5  }
.Ltmp3:
0x68: {  	v4, _, _ =	vpop (xrf0);
	s0 =	spop (v2sf);
	(pc) =	sbr.rel @p0 .LBB2_9-.Ltmp3, $4  }
0x69: {  	(v2sf) =	vpush v4, $0xF;
	s23 =	sadd.s32 s23, s0  }
0x6a: {  	v3 =	vsub.s32 s23, v3  }
0x6b: {  	v3 =	vadd.s32 v4, v3  }
0x6c: {  	[tilespmem:s25+$0x2000] =	vst v3;
	s25 =	sshra.s32 s28, $0x2;
	s28 =	sadd.s32 $0x40, s28  }
0x6d: {  	v3 =	vld [tilespmem:s25+$0x2000];
	_ =	sdelay $0x4  }
0x6e: {  	(xrf0) =	vadd.scan.msk.s32 $0xffff, v3;
	_ =	sdelay $0x5  }
0x6f: {  	v4, _, _ =	vpop (xrf0)  }
0x70: {  	(v2sf) =	vpush v4, $0xF;
	_ =	sdelay $0xa  }
0x71: {  	s0 =	spop (v2sf)  }
0x72: {  	s0 =	sadd.s32 s23, s0  }
0x73: {  	v3 =	vsub.s32 s0, v3  }
0x74: {  	v3 =	vadd.s32 v4, v3  }
0x75: {  	s14 =	simm.s32 $0x800;
	[tilespmem:s25+$0x2000] =	vst v3;
	s30 =	spop (v2sf)  }
.LBB2_11:
0x76: {  	p0 =	seq.s32 s21, $0x30  }
0x77: {  	s0 =	simm.s32 @p0 $0x0  }
0x78: {  	[tilespmem:s0], [sflag:$0x2] =	stream.linear.gather @p0 [hbm4b:s17+s0], $0x6A0, $0x38;
	[tilespmem:$0x12000] =	vst v63  }
0x79: {  	s23 =	sshll.u32 @!p0 s21, $0xB;
	s0 =	simm.s32 @p0 $0x2  }
0x7a: {  	s1 =	sadd.s32 @!p0 s13, s23;
	_ =	swait.ge @p0 [sflag:s0], $0x6A0  }
0x7b: {  	s1 =	sshrl.u32 @!p0 s1, $0x3;
	[sflag:s0] =	ssyncset.done @p0 $0x0  }
0x7c: {  	[sflag:s0] =	ssyncadd.s32 @p0 $0xFFFFF960;
	s0 =	sadd.s32 @!p0 s12, s1;
	s1 =	simm.s32 @!p0 $0x0  }
0x7d: {  	[tilespmem:s1], [sflag:$0x2] =	stream.linear.gather @!p0 [hbm4b:s0+s1], $0x800, $0x38;
	[tilespmem:$0x12000] =	vst v63  }
0x7e: {  	s0 =	simm.s32 @!p0 $0x2  }
0x7f: {  	_ =	swait.ge @!p0 [sflag:s0], $0x800  }
0x80: {  	[sflag:s0] =	ssyncset.done @!p0 $0x0  }
0x81: {  	[sflag:s0] =	ssyncadd.s32 @!p0 $0xFFFFF800;
	s0 =	simm.s32 $0x0  }
0x82: {  	v3 =	vld [tilespmem:s0+$0x0];
	_ =	sdelay $0x4  }
0x83: {  	s23 =	simm.s32 @p0 $0x18000;
	vm0 =	veq.s32 v3, $0x80000000  }
0x84: {  	s25 =	sadd.s32 $0x0, s23;
	v3 =	vsel vm0, $0x0, v3  }
0x85: {  	v4 =	vmov s25;
	vm0 =	vlt.s32 v3, $0x0;
	v5 =	vandn.u32 $0x7FFFFFFF, v3  }
0x86: {  	vm1 =	vlt.u32 v4, $0x186A0;
	v3 =	vsel vm0, v3, v5  }
0x87: {  	v3 =	vnsel vm1, $0xFFFFFFFF, v3  }
0x88: {  	v4 =	vand.u32 $0xFFFF, v3  }
0x89: {  	(xrf1) =	vunique.msk.u32 $0xffff, v4;
	_ =	sdelay $0x9  }
0x8a: {  	v5 =	vld.idx.msk [tilespmem:v4+s8+$0x0], $0xffff;
	_ =	sdelay $0x2  }
0x8b: {  	s28 =	simm.s32 $0x0  }
0x8c: {  	s7 =	sand.u32 $0x1E00, s28;
	[tilespmem:v4+s8+$0x0] =	vst.idx.add.s32.msk $0xffff, v1;
	_, v4, _ =	vpop (xrf1)  }
0x8d: {  	s10 =	sand.u32 $0x70, s28;
	s7 =	sshrl.u32 s7, $0x2;
	[tilespmem:s0+$0x1000] =	vst v3;
	v3 =	vor.u32 s25, v2;
	v4 =	vadd.s32 v4, v5  }
0x8e: {  	s30 =	simm.s32 $0x80;
	s25 =	simm.s32 $0x40;
	[tilespmem:s0+$0x1800] =	vst v3;
	s0 =	sor.u32 s10, s7;
	v3 =	vadd.s32 $0xFFFFFFFF, v4  }
.LBB2_12:
0x8f: {  	s1 =	sshra.s32 s25, $0x2  }
0x90: {  	[tilespmem:s0+$0x800] =	vst v3;
	s28 =	sadd.s32 $0x10, s28;
	s0 =	smov.u32 s30;
	s7 =	sadd.s32 $0x40, s30  }
0x91: {  	p0 =	sne.s32 s30, $0x1FC0;
	v3 =	vld [tilespmem:s1+$0x0];
	_ =	sdelay $0x4  }
0x92: {  	vm0 =	veq.s32 v3, $0x80000000  }
0x93: {  	s10 =	sadd.s32 s28, s23;
	v3 =	vsel vm0, $0x0, v3  }
0x94: {  	v4 =	vmov s10;
	vm0 =	vlt.s32 v3, $0x0;
	v5 =	vandn.u32 $0x7FFFFFFF, v3  }
0x95: {  	vm1 =	vlt.u32 v4, $0x186A0;
	v3 =	vsel vm0, v3, v5  }
0x96: {  	v3 =	vnsel vm1, $0xFFFFFFFF, v3  }
0x97: {  	v4 =	vand.u32 $0xFFFF, v3  }
0x98: {  	(xrf1) =	vunique.msk.u32 $0xffff, v4;
	_ =	sdelay $0x8  }
0x99: {  	v5 =	vld.idx.msk [tilespmem:v4+s8+$0x0], $0xffff  }
0x9a: {  	[tilespmem:v4+s8+$0x0] =	vst.idx.add.s32.msk $0xffff, v1  }
0x9b: {  	v4 =	vor.u32 s10, v2;
	[tilespmem:s1+$0x1000] =	vst v3  }
.Ltmp4:
0x9c: {  	[tilespmem:s1+$0x1800] =	vst v4;
	(pc) =	sbr.rel @p0 .LBB2_12-.Ltmp4, $4  }
0x9d: {  	_ = 	snop  }
0x9e: {  	s1 =	sand.u32 $0x1E00, s25;
	s25 =	smov.u32 s0;
	_, v3, _ =	vpop (xrf1)  }
0x9f: {  	s0 =	sand.u32 $0x70, s28;
	s1 =	sshrl.u32 s1, $0x2;
	v3 =	vadd.s32 v3, v5  }
0xa0: {  	s30 =	smov.u32 s7;
	s0 =	sor.u32 s0, s1;
	v3 =	vadd.s32 $0xFFFFFFFF, v3  }
0xa1: {  	[tilespmem:s0+$0x800] =	vst v3;
	s0 =	sshra.s32 s25, $0x2  }
0xa2: {  	v3 =	vld [tilespmem:s0+$0x0];
	_ =	sdelay $0x4  }
0xa3: {  	s1 =	sadd.s32 $0x10, s28;
	vm0 =	veq.s32 v3, $0x80000000  }
0xa4: {  	s7 =	sadd.s32 s1, s23;
	v3 =	vsel vm0, $0x0, v3  }
0xa5: {  	v4 =	vmov s7;
	vm0 =	vlt.s32 v3, $0x0;
	v5 =	vandn.u32 $0x7FFFFFFF, v3  }
0xa6: {  	vm1 =	vlt.u32 v4, $0x186A0;
	v3 =	vsel vm0, v3, v5  }
0xa7: {  	v3 =	vnsel vm1, $0xFFFFFFFF, v3  }
0xa8: {  	v61 =	vand.u32 $0xFFFF, v3  }
0xa9: {  	(xrf1) =	vunique.msk.u32 $0xffff, v61;
	_ =	sdelay $0x9  }
0xaa: {  	v62 =	vld.idx.msk [tilespmem:v61+s8+$0x0], $0xffff;
	_ =	sdelay $0x3  }
0xab: {  	s10 =	sand.u32 $0x1E00, s25;
	[tilespmem:v61+s8+$0x0] =	vst.idx.add.s32.msk $0xffff, v1;
	_, v63, _ =	vpop (xrf1)  }
0xac: {  	s1 =	sand.u32 $0x70, s1;
	s30 =	sshrl.u32 s10, $0x2;
	v6 =	vor.u32 s7, v2;
	[tilespmem:s0+$0x1000] =	vst v3;
	v3 =	vadd.s32 v63, v62  }
0xad: {  	s10 =	sor.u32 s1, s30;
	[tilespmem:s0+$0x1800] =	vst v6;
	v3 =	vadd.s32 $0xFFFFFFFF, v3  }
0xae: {  	s23 =	simm.s32 $0x1000;
	[tilespmem:s10+$0x800] =	vst v3  }
0xaf: {  	[hbm4b:s4+s9] =	stream.indirect.scatter [tilespmem:s23], [sflag:$0x1], $0x1, s14, s9, $0xb8;
	[tilespmem:$0x12000] =	vst v63  }
0xb0: {  	s25 =	simm.s32 $0x1080;
	s0 =	simm.s32 $0x880  }
0xb1: {  	[hbm4b:s4+s9] =	stream.indirect.scatter [tilespmem:s25], [sflag:$0x1], $0x1, s0, s9, $0xb8;
	[tilespmem:$0x12000] =	vst v63  }
0xb2: {  	s28 =	simm.s32 $0x1100;
	s1 =	simm.s32 $0x900  }
0xb3: {  	[hbm4b:s4+s9] =	stream.indirect.scatter [tilespmem:s28], [sflag:$0x1], $0x1, s1, s9, $0xb8;
	[tilespmem:$0x12000] =	vst v63  }
0xb4: {  	s30 =	simm.s32 $0x1180  }
0xb5: {  	[hbm4b:s4+s9] =	stream.indirect.scatter [tilespmem:s30], [sflag:$0x1], $0x1, s16, s9, $0xb8;
	[tilespmem:$0x12000] =	vst v63  }
0xb6: {  	s10 =	simm.s32 $0x1200  }
0xb7: {  	[hbm4b:s4+s9] =	stream.indirect.scatter [tilespmem:s10], [sflag:$0x1], $0x1, s18, s9, $0xb8;
	[tilespmem:$0x12000] =	vst v63  }
0xb8: {  	s23 =	simm.s32 $0x1280  }
0xb9: {  	[hbm4b:s4+s9] =	stream.indirect.scatter [tilespmem:s23], [sflag:$0x1], $0x1, s20, s9, $0xb8;
	[tilespmem:$0x12000] =	vst v63  }
0xba: {  	s25 =	simm.s32 $0x1300  }
0xbb: {  	[hbm4b:s4+s9] =	stream.indirect.scatter [tilespmem:s25], [sflag:$0x1], $0x1, s22, s9, $0xb8;
	[tilespmem:$0x12000] =	vst v63  }
0xbc: {  	s28 =	simm.s32 $0x1380  }
0xbd: {  	[hbm4b:s4+s9] =	stream.indirect.scatter [tilespmem:s28], [sflag:$0x1], $0x1, s24, s9, $0xb8;
	[tilespmem:$0x12000] =	vst v63  }
0xbe: {  	s30 =	simm.s32 $0x1400  }
0xbf: {  	[hbm4b:s4+s9] =	stream.indirect.scatter [tilespmem:s30], [sflag:$0x1], $0x1, s26, s9, $0xb8;
	[tilespmem:$0x12000] =	vst v63  }
0xc0: {  	s10 =	simm.s32 $0x1480  }
0xc1: {  	[hbm4b:s4+s9] =	stream.indirect.scatter [tilespmem:s10], [sflag:$0x1], $0x1, s29, s9, $0xb8;
	[tilespmem:$0x12000] =	vst v63  }
0xc2: {  	s23 =	simm.s32 $0x1500  }
0xc3: {  	[hbm4b:s4+s9] =	stream.indirect.scatter [tilespmem:s23], [sflag:$0x1], $0x1, s31, s9, $0xb8;
	[tilespmem:$0x12000] =	vst v63  }
0xc4: {  	s25 =	simm.s32 $0x1580  }
0xc5: {  	[hbm4b:s4+s9] =	stream.indirect.scatter [tilespmem:s25], [sflag:$0x1], $0x1, s3, s9, $0xb8;
	[tilespmem:$0x12000] =	vst v63  }
0xc6: {  	s28 =	simm.s32 $0x1600  }
0xc7: {  	[hbm4b:s4+s9] =	stream.indirect.scatter [tilespmem:s28], [sflag:$0x1], $0x1, s2, s9, $0xb8;
	[tilespmem:$0x12000] =	vst v63  }
0xc8: {  	s30 =	simm.s32 $0x1680  }
0xc9: {  	[hbm4b:s4+s9] =	stream.indirect.scatter [tilespmem:s30], [sflag:$0x1], $0x1, s11, s9, $0xb8;
	[tilespmem:$0x12000] =	vst v63  }
0xca: {  	s10 =	simm.s32 $0x1700  }
0xcb: {  	[hbm4b:s4+s9] =	stream.indirect.scatter [tilespmem:s10], [sflag:$0x1], $0x1, s15, s9, $0xb8;
	[tilespmem:$0x12000] =	vst v63  }
0xcc: {  	s23 =	simm.s32 $0x1780  }
0xcd: {  	[hbm4b:s4+s9] =	stream.indirect.scatter [tilespmem:s23], [sflag:$0x1], $0x1, s19, s9, $0xb8;
	[tilespmem:$0x12000] =	vst v63  }
0xce: {  	s25 =	simm.s32 $0x1800  }
0xcf: {  	[hbm4b:s5+s9] =	stream.indirect.scatter [tilespmem:s25], [sflag:$0x1], $0x1, s14, s9, $0xb8;
	[tilespmem:$0x12000] =	vst v63  }
0xd0: {  	s28 =	simm.s32 $0x1880  }
0xd1: {  	[hbm4b:s5+s9] =	stream.indirect.scatter [tilespmem:s28], [sflag:$0x1], $0x1, s0, s9, $0xb8;
	[tilespmem:$0x12000] =	vst v63  }
0xd2: {  	s30 =	simm.s32 $0x1900  }
0xd3: {  	[hbm4b:s5+s9] =	stream.indirect.scatter [tilespmem:s30], [sflag:$0x1], $0x1, s1, s9, $0xb8;
	[tilespmem:$0x12000] =	vst v63  }
0xd4: {  	s7 =	simm.s32 $0x1980  }
0xd5: {  	[hbm4b:s5+s9] =	stream.indirect.scatter [tilespmem:s7], [sflag:$0x1], $0x1, s16, s9, $0xb8;
	[tilespmem:$0x12000] =	vst v63  }
0xd6: {  	s10 =	simm.s32 $0x1A00  }
0xd7: {  	[hbm4b:s5+s9] =	stream.indirect.scatter [tilespmem:s10], [sflag:$0x1], $0x1, s18, s9, $0xb8;
	[tilespmem:$0x12000] =	vst v63  }
0xd8: {  	s23 =	simm.s32 $0x1A80  }
0xd9: {  	[hbm4b:s5+s9] =	stream.indirect.scatter [tilespmem:s23], [sflag:$0x1], $0x1, s20, s9, $0xb8;
	[tilespmem:$0x12000] =	vst v63  }
0xda: {  	s25 =	simm.s32 $0x1B00  }
0xdb: {  	[hbm4b:s5+s9] =	stream.indirect.scatter [tilespmem:s25], [sflag:$0x1], $0x1, s22, s9, $0xb8;
	[tilespmem:$0x12000] =	vst v63  }
0xdc: {  	s28 =	simm.s32 $0x1B80  }
0xdd: {  	[hbm4b:s5+s9] =	stream.indirect.scatter [tilespmem:s28], [sflag:$0x1], $0x1, s24, s9, $0xb8;
	[tilespmem:$0x12000] =	vst v63  }
0xde: {  	s30 =	simm.s32 $0x1C00  }
0xdf: {  	[hbm4b:s5+s9] =	stream.indirect.scatter [tilespmem:s30], [sflag:$0x1], $0x1, s26, s9, $0xb8;
	[tilespmem:$0x12000] =	vst v63  }
0xe0: {  	s1 =	simm.s32 $0x1C80  }
0xe1: {  	[hbm4b:s5+s9] =	stream.indirect.scatter [tilespmem:s1], [sflag:$0x1], $0x1, s29, s9, $0xb8;
	[tilespmem:$0x12000] =	vst v63  }
0xe2: {  	s7 =	simm.s32 $0x1D00  }
0xe3: {  	[hbm4b:s5+s9] =	stream.indirect.scatter [tilespmem:s7], [sflag:$0x1], $0x1, s31, s9, $0xb8;
	[tilespmem:$0x12000] =	vst v63  }
0xe4: {  	s10 =	simm.s32 $0x1D80  }
0xe5: {  	[hbm4b:s5+s9] =	stream.indirect.scatter [tilespmem:s10], [sflag:$0x1], $0x1, s3, s9, $0xb8;
	[tilespmem:$0x12000] =	vst v63  }
0xe6: {  	s23 =	simm.s32 $0x1E00  }
0xe7: {  	[hbm4b:s5+s9] =	stream.indirect.scatter [tilespmem:s23], [sflag:$0x1], $0x1, s2, s9, $0xb8;
	[tilespmem:$0x12000] =	vst v63  }
0xe8: {  	s25 =	simm.s32 $0x1E80  }
0xe9: {  	[hbm4b:s5+s9] =	stream.indirect.scatter [tilespmem:s25], [sflag:$0x1], $0x1, s11, s9, $0xb8;
	[tilespmem:$0x12000] =	vst v63  }
0xea: {  	s28 =	simm.s32 $0x1F00  }
0xeb: {  	[hbm4b:s5+s9] =	stream.indirect.scatter [tilespmem:s28], [sflag:$0x1], $0x1, s15, s9, $0xb8;
	[tilespmem:$0x12000] =	vst v63  }
0xec: {  	s30 =	simm.s32 $0x1F80  }
0xed: {  	[hbm4b:s5+s9] =	stream.indirect.scatter [tilespmem:s30], [sflag:$0x1], $0x1, s19, s9, $0xb8;
	[tilespmem:$0x12000] =	vst v63  }
0xee: {  	_ =	swait.ge [sflag:s6], $0x80  }
0xef: {  	[sflag:s6] =	ssyncset.done $0x0  }
0xf0: {  	[sflag:s6] =	ssyncadd.s32 $0xFFFFFF80  }
0xf1: {  	_ =	swait.ge [sflag:s6], $0x80  }
0xf2: {  	[sflag:s6] =	ssyncset.done $0x0  }
0xf3: {  	[sflag:s6] =	ssyncadd.s32 $0xFFFFFF80  }
0xf4: {  	_ =	swait.ge [sflag:s6], $0x80  }
0xf5: {  	[sflag:s6] =	ssyncset.done $0x0  }
0xf6: {  	[sflag:s6] =	ssyncadd.s32 $0xFFFFFF80  }
0xf7: {  	_ =	swait.ge [sflag:s6], $0x80  }
0xf8: {  	[sflag:s6] =	ssyncset.done $0x0  }
0xf9: {  	[sflag:s6] =	ssyncadd.s32 $0xFFFFFF80  }
0xfa: {  	_ =	swait.ge [sflag:s6], $0x80  }
0xfb: {  	[sflag:s6] =	ssyncset.done $0x0  }
0xfc: {  	[sflag:s6] =	ssyncadd.s32 $0xFFFFFF80  }
0xfd: {  	_ =	swait.ge [sflag:s6], $0x80  }
0xfe: {  	[sflag:s6] =	ssyncset.done $0x0  }
0xff: {  	[sflag:s6] =	ssyncadd.s32 $0xFFFFFF80  }
0x100: {  	_ =	swait.ge [sflag:s6], $0x80  }
0x101: {  	[sflag:s6] =	ssyncset.done $0x0  }
0x102: {  	[sflag:s6] =	ssyncadd.s32 $0xFFFFFF80  }
0x103: {  	_ =	swait.ge [sflag:s6], $0x80  }
0x104: {  	[sflag:s6] =	ssyncset.done $0x0  }
0x105: {  	[sflag:s6] =	ssyncadd.s32 $0xFFFFFF80  }
0x106: {  	_ =	swait.ge [sflag:s6], $0x80  }
0x107: {  	[sflag:s6] =	ssyncset.done $0x0  }
0x108: {  	[sflag:s6] =	ssyncadd.s32 $0xFFFFFF80  }
0x109: {  	_ =	swait.ge [sflag:s6], $0x80  }
0x10a: {  	[sflag:s6] =	ssyncset.done $0x0  }
0x10b: {  	[sflag:s6] =	ssyncadd.s32 $0xFFFFFF80  }
0x10c: {  	_ =	swait.ge [sflag:s6], $0x80  }
0x10d: {  	[sflag:s6] =	ssyncset.done $0x0  }
0x10e: {  	[sflag:s6] =	ssyncadd.s32 $0xFFFFFF80  }
0x10f: {  	_ =	swait.ge [sflag:s6], $0x80  }
0x110: {  	[sflag:s6] =	ssyncset.done $0x0  }
0x111: {  	[sflag:s6] =	ssyncadd.s32 $0xFFFFFF80  }
0x112: {  	_ =	swait.ge [sflag:s6], $0x80  }
0x113: {  	[sflag:s6] =	ssyncset.done $0x0  }
0x114: {  	[sflag:s6] =	ssyncadd.s32 $0xFFFFFF80  }
0x115: {  	_ =	swait.ge [sflag:s6], $0x80  }
0x116: {  	[sflag:s6] =	ssyncset.done $0x0  }
0x117: {  	[sflag:s6] =	ssyncadd.s32 $0xFFFFFF80  }
0x118: {  	_ =	swait.ge [sflag:s6], $0x80  }
0x119: {  	[sflag:s6] =	ssyncset.done $0x0  }
0x11a: {  	[sflag:s6] =	ssyncadd.s32 $0xFFFFFF80  }
0x11b: {  	_ =	swait.ge [sflag:s6], $0x80  }
0x11c: {  	[sflag:s6] =	ssyncset.done $0x0  }
0x11d: {  	[sflag:s6] =	ssyncadd.s32 $0xFFFFFF80  }
0x11e: {  	_ =	swait.ge [sflag:s6], $0x80  }
0x11f: {  	[sflag:s6] =	ssyncset.done $0x0  }
0x120: {  	[sflag:s6] =	ssyncadd.s32 $0xFFFFFF80  }
0x121: {  	_ =	swait.ge [sflag:s6], $0x80  }
0x122: {  	[sflag:s6] =	ssyncset.done $0x0  }
0x123: {  	[sflag:s6] =	ssyncadd.s32 $0xFFFFFF80  }
0x124: {  	_ =	swait.ge [sflag:s6], $0x80  }
0x125: {  	[sflag:s6] =	ssyncset.done $0x0  }
0x126: {  	[sflag:s6] =	ssyncadd.s32 $0xFFFFFF80  }
0x127: {  	_ =	swait.ge [sflag:s6], $0x80  }
0x128: {  	[sflag:s6] =	ssyncset.done $0x0  }
0x129: {  	[sflag:s6] =	ssyncadd.s32 $0xFFFFFF80  }
0x12a: {  	_ =	swait.ge [sflag:s6], $0x80  }
0x12b: {  	[sflag:s6] =	ssyncset.done $0x0  }
0x12c: {  	[sflag:s6] =	ssyncadd.s32 $0xFFFFFF80  }
0x12d: {  	_ =	swait.ge [sflag:s6], $0x80  }
0x12e: {  	[sflag:s6] =	ssyncset.done $0x0  }
0x12f: {  	[sflag:s6] =	ssyncadd.s32 $0xFFFFFF80  }
0x130: {  	_ =	swait.ge [sflag:s6], $0x80  }
0x131: {  	[sflag:s6] =	ssyncset.done $0x0  }
0x132: {  	[sflag:s6] =	ssyncadd.s32 $0xFFFFFF80  }
0x133: {  	_ =	swait.ge [sflag:s6], $0x80  }
0x134: {  	[sflag:s6] =	ssyncset.done $0x0  }
0x135: {  	[sflag:s6] =	ssyncadd.s32 $0xFFFFFF80  }
0x136: {  	_ =	swait.ge [sflag:s6], $0x80  }
0x137: {  	[sflag:s6] =	ssyncset.done $0x0  }
0x138: {  	[sflag:s6] =	ssyncadd.s32 $0xFFFFFF80  }
0x139: {  	_ =	swait.ge [sflag:s6], $0x80  }
0x13a: {  	[sflag:s6] =	ssyncset.done $0x0  }
0x13b: {  	[sflag:s6] =	ssyncadd.s32 $0xFFFFFF80  }
0x13c: {  	_ =	swait.ge [sflag:s6], $0x80  }
0x13d: {  	[sflag:s6] =	ssyncset.done $0x0  }
0x13e: {  	[sflag:s6] =	ssyncadd.s32 $0xFFFFFF80  }
0x13f: {  	_ =	swait.ge [sflag:s6], $0x80  }
0x140: {  	[sflag:s6] =	ssyncset.done $0x0  }
0x141: {  	[sflag:s6] =	ssyncadd.s32 $0xFFFFFF80  }
0x142: {  	_ =	swait.ge [sflag:s6], $0x80  }
0x143: {  	[sflag:s6] =	ssyncset.done $0x0  }
0x144: {  	[sflag:s6] =	ssyncadd.s32 $0xFFFFFF80  }
0x145: {  	_ =	swait.ge [sflag:s6], $0x80  }
0x146: {  	[sflag:s6] =	ssyncset.done $0x0  }
0x147: {  	s21 =	sadd.s32 $0x1, s21;
	[sflag:s6] =	ssyncadd.s32 $0xFFFFFF80  }
0x148: {  	p0 =	sne.s32 s21, $0x31;
	_ =	swait.ge [sflag:s6], $0x80  }
.Ltmp5:
0x149: {  	[sflag:s6] =	ssyncset.done $0x0;
	(pc) =	sbr.rel @p0 .LBB2_11-.Ltmp5, $4  }
0x14a: {  	[sflag:s6] =	ssyncadd.s32 $0xFFFFFF80  }
0x14b: {  	_ =	swait.ge [sflag:s6], $0x80  }
0x14c: {  	[sflag:s6] =	ssyncset.done $0x0  }
0x14d: {  	[sflag:s6] =	ssyncadd.s32 $0xFFFFFF80  }
0x14e: {  	s1 =	rddreg [dreg:$0x6]  }
0x14f: {  	s1 =	sadd.s32 $0x1, s1  }
0x150: {  	p0 =	sne.s32 s1, $0x4  }
.Ltmp6:
0x151: {  	_ = 	snop;
	(pc) =	sbr.rel @p0 .LBB2_2-.Ltmp6, $1  }
0x152: {  	_ =	sdelay $0x3  }
0x153: {  	s1 =	rddreg [dreg:$0x3]  }
0x154: {  	s0 =	rddreg [dreg:$0x5];
	s1 =	sadd.s32 $0x1, s1  }
0x155: {  	p0 =	sne.s32 s1, s0  }
.Ltmp7:
0x156: {  	_ = 	snop;
	(pc) =	sbr.rel @p0 .LBB2_1-.Ltmp7, $1  }
0x157: {  	_ =	sdelay $0x3  }
0x158: {  	_ =	sfence.sel $0x180000  }
0x159: {  	[bflag:$0x0] =	sbarrier.arrive $0xFFFF  }
0x15a: {  	_ =	strace $0x90000047  }
0x15b: {  	s0 =	stileid.u32;
	[bflag:$0x2] =	sbarrier.arrive $0xFFFF  }
0x15c: {  	p0 =	sne.s32 s0, $0x0;
	s0 =	rddreg [dreg:$0x2]  }
0x15d: {  	s0 =	sadd.s32 @!p0 $0x100000, s0  }
0x15e: {  	[sflag:s0] =	ssyncadd.tile.s32 @!p0 $0x1;
	_ =	shalt  }
.Lfunc_end2:
_tile_overlayer_lowered:
.L_overlay_start_2:
0x15f: {  	(tag) =	ssettag $0x2  }
0x160: {  	s0 =	rddreg [dreg:$0x0];
	s2 =	stileid.u32  }
0x161: {  	s1 =	rddreg [dreg:$0x1];
	p0 =	sne.s32 s2, $0x0  }
0x162: {  	s3 =	rddreg [dreg:$0x2];
	[bflag:$0x3] =	sbarrier.arrive $0xFFFF;
	s2 =	simm.s32 @!p0 $0x1C02  }
0x163: {  	[timem:s3], [sflag:s2] =	dma.local @!p0 [hbm:s0], s1  }
0x164: {  	s0 =	simm.s32 @!p0 $0x2  }
0x165: {  	_ =	swait.ge @!p0 [sflag:s0], s1  }
0x166: {  	s1 =	ssub.s32 @!p0 $0x0, s1;
	[sflag:s0] =	ssyncset.done @!p0 $0x0  }
0x167: {  	[sflag:s0] =	ssyncadd.s32 @!p0 s1  }
0x168: {  	[bflag:$0x3] =	sbarrier.arrive $0xFFFF  }
0x169: {  	_ =	shalt  }

// kernel: kernel.7.cloned.1.call-start
scs
__scs_entry_jumppad:
0x0: {  	(pc) =	sbr.rel $0x88, $3  }
0x1: {  	(tag) =	ssettag $0x0;
	lr =	simm.s32 $0x1  }
0x2: {  	[smem:$0x3FA0] =	sst lr;
	_ =	strace $0xD0000000  }
0x3: {  	_ = 	snop  }
0x4: {  	_ = 	snop  }
0x5: {  	_ = 	snop  }
0x6: {  	_ = 	snop  }
0x7: {  	_ = 	snop  }
__scs_overlays_trampoline_lowered:
0x8: {  	[smem:$0x3FAF] =	sst s0  }
0x9: {  	[smem:$0x3FB0] =	sst s1  }
0xa: {  	[smem:$0x3FB1] =	sst s2  }
0xb: {  	[smem:$0x3FB2] =	sst s3  }
0xc: {  	[smem:$0x3FB3] =	sst s4  }
0xd: {  	[smem:$0x3FB4] =	sst s5  }
0xe: {  	[smem:$0x3FB5] =	sst s6  }
0xf: {  	[smem:$0x3FB6] =	sst s7  }
0x10: {  	[smem:$0x3FB7] =	sst s8  }
0x11: {  	[smem:$0x3FB8] =	sst s9;
	s0 =	simm.s32 @!p0 $0x0  }
0x12: {  	s1 =	sld [smem:$0x3F9E];
	s0 =	simm.s32 @p0 $0x1  }
0x13: {  	[smem:$0x3FB9] =	sst s0;
	s0 =	simm.s32 @!p1 $0x0  }
0x14: {  	s2 =	sld [smem:$0x3F9D];
	s0 =	simm.s32 @p1 $0x1  }
0x15: {  	[smem:$0x3FBA] =	sst s0;
	s0 =	simm.s32 @!p2 $0x0  }
0x16: {  	s3 =	sld [smem:$0x3FDB];
	s0 =	simm.s32 @p2 $0x1  }
0x17: {  	s4 =	simm.s32 $0x1BF5;
	[smem:$0x3FBC] =	sst s0  }
0x18: {  	s0 =	sld [smem:$0x3F9F];
	_ =	swait.ge [sflag:s4], $0x0  }
0x19: {  	s7 =	sld [smem:$0x3FA0]  }
0x1a: {  	s8 =	sadd.s32 $0xFFFFE003, lr  }
0x1b: {  	s9 =	sadd.s32 $0xFFFFFEF7, lr;
	s5 =	simm.s32 $0xFFFFFFFF;
	p2 =	slt.u32 s8, $0xFFFFF086  }
0x1c: {  	p1 =	slt.u32 s9, $0xF7A;
	s5 =	simm.s32 @!p2 $0x0  }
0x1d: {  	s5 =	simm.s32 @p1 $0x1;
	p0 =	seq.s32 s7, s2  }
0x1e: {  	s7 =	smul.u32 @!p0 $0xF7A, s2;
	p2 =	seq.s32 @!p0 s5, $0x0  }
0x1f: {  	s9 =	smul.u32 $0xF7A, s1;
	s8 =	simm.s32 @!p0 $0x1BF5;
	p2 =	por !p2, p0  }
0x20: {  	[sflag:s8] =	ssyncset.s32 @!p0 $0xFFFFF086;
	s6 =	sadd.s32 @!p0 s3, s7;
	s7 =	simm.s32 @!p0 $0x108  }
0x21: {  	s3 =	sadd.s32 s3, s9;
	s6 =	sadd.s32 @!p0 $0x88, s6;
	s7 =	simm.s32 @p2 $0x1082  }
0x22: {  	[simem:s7], [sflag:s8] =	dma.local @!p0 [hbm:s6], $0xF7A  }
0x23: {  	s9 =	sor.u32 $0xD0000000, s2;
	s6 =	simm.s32 $0x108;
	_ =	swait.ge @!p0 [sflag:s8], $0x0  }
0x24: {  	s3 =	sadd.s32 $0x88, s3;
	s6 =	simm.s32 @!p1 $0x1082;
	[sflag:s4] =	ssyncset.s32 $0xFFFFF086  }
0x25: {  	[simem:s6], [sflag:s4] =	dma.local [hbm:s3], $0xF7A  }
0x26: {  	[smem:$0x3FA0] =	sst s1;
	(tag) =	ssettag s2;
	_ =	strace s9  }
0x27: {  	s1 =	sld [smem:$0x3FB0]  }
0x28: {  	s2 =	sld [smem:$0x3FB1]  }
0x29: {  	s4 =	sld [smem:$0x3FB3]  }
0x2a: {  	p0 =	seq.s32 s5, $0x0;
	s5 =	sld [smem:$0x3FB4]  }
0x2b: {  	s6 =	sld [smem:$0x3FB5]  }
0x2c: {  	s7 =	sld [smem:$0x3FB6]  }
0x2d: {  	s3 =	simm.s32 $0x108;
	s8 =	sld [smem:$0x3FB7]  }
0x2e: {  	s3 =	simm.s32 @!p0 $0x1082;
	s9 =	sld [smem:$0x3FB8]  }
0x2f: {  	lr =	sadd.s32 s0, s3;
	s0 =	sld [smem:$0x3FAF]  }
0x30: {  	s3 =	sld [smem:$0x3FB2]  }
0x31: {  	[smem:$0x3FBB] =	sst s10  }
0x32: {  	s10 =	sld [smem:$0x3FB9];
	_ =	sdelay $0x3  }
0x33: {  	p0 =	seq.s32 s10, $0x1;
	s10 =	sld [smem:$0x3FBB];
	_ =	sdelay $0x3  }
0x34: {  	[smem:$0x3FBB] =	sst s10  }
0x35: {  	s10 =	sld [smem:$0x3FBA];
	_ =	sdelay $0x3  }
0x36: {  	p1 =	seq.s32 s10, $0x1;
	s10 =	sld [smem:$0x3FBB];
	_ =	sdelay $0x3  }
0x37: {  	[smem:$0x3FBB] =	sst s10  }
0x38: {  	s10 =	sld [smem:$0x3FBC]  }
0x39: {  	_ = 	snop;
	(pc) =	sbr.ind lr, $3  }
0x3a: {  	_ = 	snop  }
0x3b: {  	_ = 	snop  }
0x3c: {  	p2 =	seq.s32 s10, $0x1;
	s10 =	sld [smem:$0x3FBB]  }
0x3d: {  	_ =	shalt  }
0x3e: {  	_ =	shalt  }
0x3f: {  	_ =	shalt  }
0x40: {  	_ =	shalt  }
0x41: {  	_ =	shalt  }
0x42: {  	_ =	shalt  }
0x43: {  	_ =	shalt  }
0x44: {  	_ =	shalt  }
0x45: {  	_ =	shalt  }
0x46: {  	_ =	shalt  }
0x47: {  	_ =	shalt  }
0x48: {  	_ =	shalt  }
0x49: {  	_ =	shalt  }
0x4a: {  	_ =	shalt  }
0x4b: {  	_ =	shalt  }
0x4c: {  	_ =	shalt  }
0x4d: {  	_ =	shalt  }
0x4e: {  	_ =	shalt  }
0x4f: {  	_ =	shalt  }
0x50: {  	_ =	shalt  }
0x51: {  	_ =	shalt  }
0x52: {  	_ =	shalt  }
0x53: {  	_ =	shalt  }
0x54: {  	_ =	shalt  }
0x55: {  	_ =	shalt  }
0x56: {  	_ =	shalt  }
0x57: {  	_ =	shalt  }
0x58: {  	_ =	shalt  }
0x59: {  	_ =	shalt  }
0x5a: {  	_ =	shalt  }
0x5b: {  	_ =	shalt  }
0x5c: {  	_ =	shalt  }
0x5d: {  	_ =	shalt  }
0x5e: {  	_ =	shalt  }
0x5f: {  	_ =	shalt  }
0x60: {  	_ =	shalt  }
0x61: {  	_ =	shalt  }
0x62: {  	_ =	shalt  }
0x63: {  	_ =	shalt  }
0x64: {  	_ =	shalt  }
0x65: {  	_ =	shalt  }
0x66: {  	_ =	shalt  }
0x67: {  	_ =	shalt  }
0x68: {  	_ =	shalt  }
0x69: {  	_ =	shalt  }
0x6a: {  	_ =	shalt  }
0x6b: {  	_ =	shalt  }
0x6c: {  	_ =	shalt  }
0x6d: {  	_ =	shalt  }
0x6e: {  	_ =	shalt  }
0x6f: {  	_ =	shalt  }
0x70: {  	_ =	shalt  }
0x71: {  	_ =	shalt  }
0x72: {  	_ =	shalt  }
0x73: {  	_ =	shalt  }
0x74: {  	_ =	shalt  }
0x75: {  	_ =	shalt  }
0x76: {  	_ =	shalt  }
0x77: {  	_ =	shalt  }
0x78: {  	_ =	shalt  }
0x79: {  	_ =	shalt  }
0x7a: {  	_ =	shalt  }
0x7b: {  	_ =	shalt  }
0x7c: {  	_ =	shalt  }
0x7d: {  	_ =	shalt  }
0x7e: {  	_ =	shalt  }
0x7f: {  	_ =	shalt  }
0x80: {  	_ =	shalt  }
0x81: {  	_ =	shalt  }
0x82: {  	_ =	shalt  }
0x83: {  	_ =	shalt  }
0x84: {  	_ =	shalt  }
0x85: {  	_ =	shalt  }
0x86: {  	_ =	shalt  }
0x87: {  	_ =	shalt  }
.Lfunc_end0:
.L_simem_size_0:
called_computation.2_lowered:
.L_overlay_start_0:
0x88: {  	s2 =	sld [smem:$0x3FD9]  }
0x89: {  	s3 =	sld [smem:$0x3FFE];
	_ =	sdelay $0x1  }
0x8a: {  	s1 =	srdreg.scid  }
0x8b: {  	s0 =	sand.u32 $0x1, s1  }
0x8c: {  	s16 =	sshll.u32 s0, $0xA;
	s2 =	sadd.s32 s3, s2  }
0x8d: {  	s2 =	sadd.s32 s2, s16  }
0x8e: {  	[smem:$0x3FC7] =	sst s2  }
0x8f: {  	_ = 	snop  }
0x90: {  	(tm) =	ssettm $0x1  }
0x91: {  	s17 =	sld [smem:$0x3FFB];
	_ =	sdelay $0x3  }
0x92: {  	_ =	strace s17  }
0x93: {  	s2 =	sld [smem:$0x3FFC];
	_ =	sdelay $0x3  }
0x94: {  	_ =	strace s2  }
0x95: {  	s2 =	sld [smem:$0x3FFD];
	_ =	sdelay $0x3  }
0x96: {  	_ =	strace s2  }
0x97: {  	_ =	strace $0x8FFFFFFF  }
0x98: {  	s18 =	sld [smem:$0x3FDB];
	_ =	sdelay $0x1  }
0x99: {  	s19 =	simm.s32 $_scs_section_size  }
0x9a: {  	s4 =	simm.s32 $_size__tile_overlayer_lowered;
	s5 =	simm.s32 $_tile_overlayer_lowered  }
0x9b: {  	s22 =	simm.s32 $0x1BFF;
	s21 =	sshll.u32 s5, $0x1;
	s2 =	sadd.s32 s19, s18  }
0x9c: {  	s6 =	simm.s32 $0x0;
	s20 =	sshll.u32 s4, $0x1;
	s4 =	sadd.s32 s21, s2  }
0x9d: {  	[timem:s6], [sflag:s22] =	dma.local [hbm:s4], s20  }
0x9e: {  	_ =	swait.ge [sflag:s22], s20  }
0x9f: {  	s3 =	ssub.s32 $0x0, s20;
	[sflag:s22] =	ssyncset.done $0x0  }
0xa0: {  	[sflag:s22] =	ssyncadd.s32 s3;
	_ =	sdelay $0x1  }
0xa1: {  	s23 =	simm.s32 $0x1B8B  }
0xa2: {  	_ =	swait.ge [sflag:s23], $0x1  }
0xa3: {  	[sflag:s23] =	ssyncset.done $0x0  }
0xa4: {  	s25 =	simm.s32 $0x1B8E;
	s24 =	sld [smem:$0x3FFE];
	[sflag:s23] =	ssyncadd.s32 $0xFFFFFFFF  }
0xa5: {  	s26 =	simm.s32 $execute0_lowered;
	[smem:$0x3FD2] =	sst s25  }
0xa6: {  	s4 =	sshll.u32 s26, $0x1;
	_ =	strace $0x80000049;
	[dreg:$0x1] =	wrdreg $0xFFFFFFFF  }
0xa7: {  	s28 =	simm.s32 $_size_execute0_lowered;
	s2 =	sadd.s32 s2, s4;
	[dreg:$0x0] =	wrdreg $0x0  }
0xa8: {  	s4 =	sshll.u32 s28, $0x1;
	[dreg:$0x2] =	wrdreg s2  }
0xa9: {  	[dreg:$0x3] =	wrdreg s4  }
0xaa: {  	[dreg:$0x4] =	wrdreg $0xC0  }
0xab: {  	_ =	task [dreg:s6], $0x5FFFF  }
0xac: {  	[dreg:$0x1] =	wrdreg $0xFFFFFFFF  }
0xad: {  	[dreg:$0x0] =	wrdreg $0x60  }
0xae: {  	[dreg:$0x2] =	wrdreg s24  }
0xaf: {  	[dreg:$0x3] =	wrdreg $0x9  }
0xb0: {  	_ =	task.clear_ibuf [dreg:s6], $0x4FFFF;
	_ =	strace $0x90000049  }
0xb1: {  	s29 =	simm.s32 $0x9;
	_ =	strace $0x8000004B  }
0xb2: {  	_ =	swait.ge [sflag:s29], $0x1  }
0xb3: {  	[sflag:s29] =	ssyncadd.s32 $0xFFFFFFFF  }
0xb4: {  	_ =	strace $0x9000004B  }
0xb5: {  	_ =	sfence  }
0xb6: {  	s30 =	sld [smem:$0x0];
	_ =	sdelay $0x2  }
0xb7: {  	s31 =	sshll.u32 s1, $0xD;
	s1 =	sshrl.u32 s1, $0x2  }
0xb8: {  	s3 =	sand.u32 $0x4000, s31;
	s1 =	sadd.s32 s1, s30  }
0xb9: {  	s0 =	sor.u32 s3, s0;
	s1 =	sshll.u32 s1, $0x11  }
0xba: {  	s0 =	sor.u32 s1, s0  }
0xbb: {  	s0 =	sadd.s32 $0x8F2B, s0  }
0xbc: {  	[sflag:s0] =	ssyncadd.remote.s32 $0x1  }
0xbd: {  	_ =	sfence.sel $0xFFFF  }
0xbe: {  	[dreg:$0x0] =	wrdreg $0xFFFFFFFF;
	(pc) =	sbr.abs _section_cstart, $3  }
0xbf: {  	[dreg:$0x1] =	wrdreg $0xFFFFFFFF  }
0xc0: {  	_ =	task.clear_ibuf [dreg:s6], $0x2FFFF;
	_ =	strace $0x9FFFFFFF  }
0xc1: {  	(tm) =	ssettm $0x7FFFFFFF  }
tec
execute0_lowered:
.L_overlay_start_1:
0x0: {  	(tag) =	ssettag $0x1  }
0x1: {  	s0 =	rddreg [dreg:$0x0];
	s24 =	simm.s32 $0x0  }
0x2: {  	s1 =	srdreg.scid;
	s6 =	stileid.u32;
	s8 =	simm.s32 $0x2  }
0x3: {  	s9 =	simm.s32 $0x1800;
	s10 =	simm.s32 $0x800;
	s11 =	simm.s32 $0x80  }
0x4: {  	s28 =	simm.s32 $0x1400;
	s29 =	simm.s32 $0xC00;
	s30 =	simm.s32 $0x1480  }
0x5: {  	s31 =	simm.s32 $0xC80;
	s7 =	simm.s32 $0x1580;
	s12 =	simm.s32 $0xE00  }
0x6: {  	s13 =	simm.s32 $0x1680;
	s14 =	simm.s32 $0xE80;
	s15 =	simm.s32 $0x1700  }
0x7: {  	s16 =	simm.s32 $0xF00;
	s17 =	simm.s32 $0x1780;
	s18 =	simm.s32 $0xF80  }
0x8: {  	s19 =	simm.s32 $0x1;
	s21 =	simm.s32 $0x0;
	[smem:$0x7FF] =	sst s24  }
0x9: {  	s1 =	sand.u32 $0x1, s1;
	s3 =	sadd.s32 $0x1000, s0;
	s4 =	sadd.s32 $0x189000, s0  }
0xa: {  	s5 =	sadd.s32 $0x311000, s0;
	s26 =	sshll.u32 s6, $0x3;
	s2 =	ssub.s32 $0x2, s1  }
0xb: {  	s6 =	simm.s32 $0xD80;
	s1 =	sshll.u32 s1, $0x2;
	s25 =	sshrl.u32 s2, $0x1  }
0xc: {  	_ =	strace $0x8000004A;
	s1 =	sor.u32 s1, s26;
	s0 =	ssub.s32 s2, s25  }
0xd: {  	[dreg:$0x2] =	wrdreg s1;
	s2 =	simm.s32 $0xD00;
	s0 =	smax.u32 s0, $0x1  }
0xe: {  	v0 =	vimm.s32 $0x0;
	v1 =	vimm.s32 $0x1;
	s1 =	simm.s32 $0x1600;
	[dreg:$0x3] =	wrdreg s0;
	s0 =	simm.s32 $0x1500  }
.LBB2_1:
0xf: {  	[dreg:$0x4] =	wrdreg s21;
	s22 =	simm.s32 $0x0  }
.LBB2_2:
0x10: {  	s20 =	simm.s32 $0x40;
	s21 =	simm.s32 $0x0  }
.LBB2_3:
0x11: {  	p0 =	sne.s32 s20, $0x3FFC0;
	[tilespmem:s21+$0x1800] =	vst v0;
	s21 =	smov.u32 s20;
	s20 =	sadd.s32 $0x40, s20  }
.Ltmp0:
0x12: {  	(pc) =	sbr.rel @p0 .LBB2_3-.Ltmp0, $2  }
0x13: {  	_ =	sdelay $0x2  }
0x14: {  	s21 =	sshra.s32 s21, $0x2  }
0x15: {  	s20 =	rddreg [dreg:$0x2]  }
0x16: {  	s20 =	sadd.s32 s20, s22  }
0x17: {  	[dreg:$0x5] =	wrdreg s22;
	[tilespmem:s21+$0x1800] =	vst v0;
	s22 =	simm.s32 $0x0;
	s20 =	smul.u32 $0x18800, s20  }
.LBB2_5:
0x18: {  	s21 =	sshll.u32 s22, $0xB  }
0x19: {  	s21 =	sadd.s32 s20, s21  }
0x1a: {  	s21 =	sshrl.u32 s21, $0x3  }
0x1b: {  	s21 =	sadd.s32 s3, s21  }
0x1c: {  	[tilespmem:s24], [sflag:$0x2] =	stream.linear.gather [hbm4b:s21+s24], $0x800, $0x38;
	[tilespmem:$0x11800] =	vst v63  }
0x1d: {  	_ =	swait.ge [sflag:s8], $0x800  }
0x1e: {  	[sflag:s8] =	ssyncset.done $0x0  }
0x1f: {  	s26 =	simm.s32 $0x40;
	[sflag:s8] =	ssyncadd.s32 $0xFFFFF800  }
0x20: {  	v2 =	vld [tilespmem:s26+$0x30]  }
0x21: {  	v3 =	vld [tilespmem:s26+$0xFFFFFFD0]  }
0x22: {  	v4 =	vld [tilespmem:s26+$0xFFFFFFE0]  }
0x23: {  	v5 =	vld [tilespmem:s26+$0xFFFFFFF0]  }
0x24: {  	v6 =	vld [tilespmem:s26+$0x0]  }
0x25: {  	v7 =	vld [tilespmem:s26+$0x10];
	v2 =	vshrl.u32 v2, $0x10  }
0x26: {  	v3 =	vshrl.u32 v3, $0x10  }
0x27: {  	v4 =	vshrl.u32 v4, $0x10  }
0x28: {  	v8 =	vld [tilespmem:s26+$0x20];
	v5 =	vshrl.u32 v5, $0x10  }
0x29: {  	v9 =	vld [tilespmem:s26+$0xFFFFFFC0];
	v6 =	vshrl.u32 v6, $0x10  }
0x2a: {  	v7 =	vshrl.u32 v7, $0x10;
	[tilespmem:v2+s9+$0x0] =	vst.idx.add.s32.msk $0xffff, v1  }
0x2b: {  	[tilespmem:v3+s9+$0x0] =	vst.idx.add.s32.msk $0xffff, v1  }
0x2c: {  	[tilespmem:v4+s9+$0x0] =	vst.idx.add.s32.msk $0xffff, v1  }
0x2d: {  	[tilespmem:v5+s9+$0x0] =	vst.idx.add.s32.msk $0xffff, v1  }
0x2e: {  	[tilespmem:v6+s9+$0x0] =	vst.idx.add.s32.msk $0xffff, v1  }
0x2f: {  	s23 =	simm.s32 $0xC0;
	s21 =	simm.s32 $0x0;
	v2 =	vshrl.u32 v8, $0x10;
	v3 =	vshrl.u32 v9, $0x10;
	[tilespmem:v7+s9+$0x0] =	vst.idx.add.s32.msk $0xffff, v1  }
.LBB2_6:
0x30: {  	v4 =	vld [tilespmem:s23+$0x30];
	s21 =	sadd.s32 $0x8, s21  }
0x31: {  	v5 =	vld [tilespmem:s23+$0xFFFFFFD0];
	p0 =	slt.u32 s21, $0x78  }
0x32: {  	v6 =	vld [tilespmem:s23+$0xFFFFFFE0]  }
0x33: {  	v7 =	vld [tilespmem:s23+$0xFFFFFFF0]  }
0x34: {  	v8 =	vld [tilespmem:s23+$0x0]  }
0x35: {  	v9 =	vld [tilespmem:s23+$0x10];
	v4 =	vshrl.u32 v4, $0x10  }
0x36: {  	v5 =	vshrl.u32 v5, $0x10;
	v10 =	vld [tilespmem:s23+$0x20]  }
0x37: {  	v11 =	vld [tilespmem:s23+$0xFFFFFFC0];
	v6 =	vshrl.u32 v6, $0x10  }
0x38: {  	v7 =	vshrl.u32 v7, $0x10;
	[tilespmem:v3+s9+$0x0] =	vst.idx.add.s32.msk $0xffff, v1  }
0x39: {  	v8 =	vshrl.u32 v8, $0x10;
	[tilespmem:v2+s9+$0x0] =	vst.idx.add.s32.msk $0xffff, v1  }
0x3a: {  	v9 =	vshrl.u32 v9, $0x10;
	[tilespmem:v4+s9+$0x0] =	vst.idx.add.s32.msk $0xffff, v1  }
.Ltmp1:
0x3b: {  	[tilespmem:v5+s9+$0x0] =	vst.idx.add.s32.msk $0xffff, v1;
	v2 =	vshrl.u32 v10, $0x10;
	(pc) =	sbr.rel @p0 .LBB2_6-.Ltmp1, $4  }
0x3c: {  	v3 =	vshrl.u32 v11, $0x10;
	[tilespmem:v6+s9+$0x0] =	vst.idx.add.s32.msk $0xffff, v1  }
0x3d: {  	[tilespmem:v7+s9+$0x0] =	vst.idx.add.s32.msk $0xffff, v1  }
0x3e: {  	[tilespmem:v8+s9+$0x0] =	vst.idx.add.s32.msk $0xffff, v1  }
0x3f: {  	s23 =	sadd.s32 $0x80, s23;
	[tilespmem:v9+s9+$0x0] =	vst.idx.add.s32.msk $0xffff, v1  }
0x40: {  	s22 =	sadd.s32 $0x1, s22  }
0x41: {  	p0 =	sne.s32 s22, $0x31  }
.Ltmp2:
0x42: {  	_ = 	snop;
	(pc) =	sbr.rel @p0 .LBB2_5-.Ltmp2, $3  }
0x43: {  	_ =	sdelay $0x1  }
0x44: {  	[tilespmem:v3+s9+$0x0] =	vst.idx.add.s32.msk $0xffff, v1  }
0x45: {  	[tilespmem:v2+s9+$0x0] =	vst.idx.add.s32.msk $0xffff, v1;
	s21 =	simm.s32 $0x0  }
0x46: {  	s23 =	sshra.s32 s21, $0x2  }
0x47: {  	v2 =	vld [tilespmem:s23+$0x1800];
	_ =	sdelay $0x4  }
0x48: {  	(xrf0) =	vadd.scan.msk.s32 $0xffff, v2;
	_ =	sdelay $0x5  }
0x49: {  	v3, _, _ =	vpop (xrf0)  }
0x4a: {  	(v2sf) =	vpush v3, $0xF  }
0x4b: {  	v2 =	vsub.s32 s20, v2  }
0x4c: {  	s24 =	sadd.s32 $0x40, s21;
	v2 =	vadd.s32 v3, v2  }
0x4d: {  	s22 =	sshra.s32 s24, $0x2;
	s24 =	sadd.s32 $0x40, s24;
	[tilespmem:s23+$0x1800] =	vst v2;
	s23 =	smov.u32 s20  }
.LBB2_9:
0x4e: {  	p0 =	sne.s32 s24, $0x3FFC0;
	v2 =	vld [tilespmem:s22+$0x1800];
	_ =	sdelay $0x4  }
0x4f: {  	(xrf0) =	vadd.scan.msk.s32 $0xffff, v2;
	_ =	sdelay $0x5  }
.Ltmp3:
0x50: {  	v3, _, _ =	vpop (xrf0);
	s25 =	spop (v2sf);
	(pc) =	sbr.rel @p0 .LBB2_9-.Ltmp3, $4  }
0x51: {  	(v2sf) =	vpush v3, $0xF;
	s23 =	sadd.s32 s23, s25  }
0x52: {  	v2 =	vsub.s32 s23, v2  }
0x53: {  	v2 =	vadd.s32 v3, v2  }
0x54: {  	[tilespmem:s22+$0x1800] =	vst v2;
	s22 =	sshra.s32 s24, $0x2;
	s24 =	sadd.s32 $0x40, s24  }
0x55: {  	v2 =	vld [tilespmem:s22+$0x1800];
	_ =	sdelay $0x4  }
0x56: {  	(xrf0) =	vadd.scan.msk.s32 $0xffff, v2;
	_ =	sdelay $0x5  }
0x57: {  	v3, _, _ =	vpop (xrf0)  }
0x58: {  	(v2sf) =	vpush v3, $0xF;
	_ =	sdelay $0xa  }
0x59: {  	s24 =	spop (v2sf)  }
0x5a: {  	s23 =	sadd.s32 s23, s24  }
0x5b: {  	v2 =	vsub.s32 s23, v2  }
0x5c: {  	v2 =	vadd.s32 v3, v2  }
0x5d: {  	[tilespmem:s22+$0x1800] =	vst v2;
	s26 =	spop (v2sf)  }
.LBB2_11:
0x5e: {  	s22 =	sshll.u32 s21, $0xB  }
0x5f: {  	s22 =	sadd.s32 s20, s22  }
0x60: {  	s23 =	sshrl.u32 s22, $0x3  }
0x61: {  	s22 =	simm.s32 $0x0;
	s24 =	sadd.s32 s3, s23  }
0x62: {  	[tilespmem:s22], [sflag:$0x2] =	stream.linear.gather [hbm4b:s24+s22], $0x800, $0x38;
	[tilespmem:$0x11800] =	vst v63  }
0x63: {  	_ =	swait.ge [sflag:s8], $0x800  }
0x64: {  	[sflag:s8] =	ssyncset.done $0x0  }
0x65: {  	s23 =	sadd.s32 s4, s23;
	[sflag:s8] =	ssyncadd.s32 $0xFFFFF800  }
0x66: {  	[tilespmem:s10], [sflag:$0x2] =	stream.linear.gather [hbm4b:s23+s22], $0x800, $0x38;
	[tilespmem:$0x11800] =	vst v63  }
0x67: {  	_ =	swait.ge [sflag:s8], $0x800  }
0x68: {  	s25 =	simm.s32 $0x0;
	[sflag:s8] =	ssyncset.done $0x0  }
0x69: {  	s24 =	simm.s32 $0x10;
	s23 =	simm.s32 $0x0;
	[sflag:s8] =	ssyncadd.s32 $0xFFFFF800  }
.LBB2_12:
0x6a: {  	p0 =	sne.s32 s24, $0x7F0;
	v2 =	vld [tilespmem:s25+$0x0];
	_ =	sdelay $0x4  }
0x6b: {  	v2 =	vshrl.u32 v2, $0x10  }
0x6c: {  	(xrf1) =	vunique.msk.u32 $0xffff, v2;
	_ =	sdelay $0x8  }
0x6d: {  	v3 =	vld.idx.msk [tilespmem:v2+s9+$0x0], $0xffff;
	_ =	sdelay $0x3  }
.Ltmp4:
0x6e: {  	(pc) =	sbr.rel @p0 .LBB2_12-.Ltmp4, $4  }
0x6f: {  	s25 =	sand.u32 $0x1E00, s22;
	_, v4, _ =	vpop (xrf1)  }
0x70: {  	s26 =	sand.u32 $0x70, s23;
	s23 =	smov.u32 s24;
	s25 =	sshrl.u32 s25, $0x2;
	v3 =	vadd.s32 v4, v3  }
0x71: {  	s22 =	sadd.s32 $0x40, s22;
	s26 =	sor.u32 s26, s25;
	v3 =	vadd.s32 $0xFFFFFFFF, v3;
	[tilespmem:v2+s9+$0x0] =	vst.idx.add.s32.msk $0xffff, v1  }
0x72: {  	s24 =	sadd.s32 $0x10, s24;
	s25 =	sshra.s32 s22, $0x2;
	[tilespmem:s26+$0x1000] =	vst v3  }
0x73: {  	v2 =	vld [tilespmem:s25+$0x0];
	_ =	sdelay $0x4  }
0x74: {  	v2 =	vshrl.u32 v2, $0x10  }
0x75: {  	(xrf1) =	vunique.msk.u32 $0xffff, v2;
	_ =	sdelay $0x9  }
0x76: {  	v3 =	vld.idx.msk [tilespmem:v2+s9+$0x0], $0xffff;
	_ =	sdelay $0x3  }
0x77: {  	s22 =	sand.u32 $0x1E00, s22;
	_, v4, _ =	vpop (xrf1)  }
0x78: {  	s23 =	sand.u32 $0x70, s23;
	s22 =	sshrl.u32 s22, $0x2;
	v3 =	vadd.s32 v4, v3  }
0x79: {  	s22 =	sor.u32 s23, s22;
	[tilespmem:v2+s9+$0x0] =	vst.idx.add.s32.msk $0xffff, v1;
	v3 =	vadd.s32 $0xFFFFFFFF, v3  }
0x7a: {  	s24 =	simm.s32 $0x1000;
	[tilespmem:s22+$0x1000] =	vst v3  }
0x7b: {  	[hbm4b:s5+s11] =	stream.indirect.scatter [tilespmem:s10], [sflag:$0x1], $0x1, s24, s11, $0xb8;
	[tilespmem:$0x11800] =	vst v63  }
0x7c: {  	s25 =	simm.s32 $0x1080;
	s26 =	simm.s32 $0x880  }
0x7d: {  	[hbm4b:s5+s11] =	stream.indirect.scatter [tilespmem:s26], [sflag:$0x1], $0x1, s25, s11, $0xb8;
	[tilespmem:$0x11800] =	vst v63  }
0x7e: {  	s23 =	simm.s32 $0x1100;
	s24 =	simm.s32 $0x900  }
0x7f: {  	[hbm4b:s5+s11] =	stream.indirect.scatter [tilespmem:s24], [sflag:$0x1], $0x1, s23, s11, $0xb8;
	[tilespmem:$0x11800] =	vst v63  }
0x80: {  	s25 =	simm.s32 $0x1180;
	s26 =	simm.s32 $0x980  }
0x81: {  	[hbm4b:s5+s11] =	stream.indirect.scatter [tilespmem:s26], [sflag:$0x1], $0x1, s25, s11, $0xb8;
	[tilespmem:$0x11800] =	vst v63  }
0x82: {  	s23 =	simm.s32 $0x1200;
	s24 =	simm.s32 $0xA00  }
0x83: {  	[hbm4b:s5+s11] =	stream.indirect.scatter [tilespmem:s24], [sflag:$0x1], $0x1, s23, s11, $0xb8;
	[tilespmem:$0x11800] =	vst v63  }
0x84: {  	s25 =	simm.s32 $0x1280;
	s26 =	simm.s32 $0xA80  }
0x85: {  	[hbm4b:s5+s11] =	stream.indirect.scatter [tilespmem:s26], [sflag:$0x1], $0x1, s25, s11, $0xb8;
	[tilespmem:$0x11800] =	vst v63  }
0x86: {  	s23 =	simm.s32 $0x1300;
	s24 =	simm.s32 $0xB00  }
0x87: {  	[hbm4b:s5+s11] =	stream.indirect.scatter [tilespmem:s24], [sflag:$0x1], $0x1, s23, s11, $0xb8;
	[tilespmem:$0x11800] =	vst v63  }
0x88: {  	s25 =	simm.s32 $0x1380;
	s26 =	simm.s32 $0xB80  }
0x89: {  	[hbm4b:s5+s11] =	stream.indirect.scatter [tilespmem:s26], [sflag:$0x1], $0x1, s25, s11, $0xb8;
	[tilespmem:$0x11800] =	vst v63  }
0x8a: {  	_ = 	snop  }
0x8b: {  	[hbm4b:s5+s11] =	stream.indirect.scatter [tilespmem:s29], [sflag:$0x1], $0x1, s28, s11, $0xb8;
	[tilespmem:$0x11800] =	vst v63  }
0x8c: {  	_ = 	snop  }
0x8d: {  	[hbm4b:s5+s11] =	stream.indirect.scatter [tilespmem:s31], [sflag:$0x1], $0x1, s30, s11, $0xb8;
	[tilespmem:$0x11800] =	vst v63  }
0x8e: {  	_ = 	snop  }
0x8f: {  	[hbm4b:s5+s11] =	stream.indirect.scatter [tilespmem:s2], [sflag:$0x1], $0x1, s0, s11, $0xb8;
	[tilespmem:$0x11800] =	vst v63  }
0x90: {  	_ = 	snop  }
0x91: {  	[hbm4b:s5+s11] =	stream.indirect.scatter [tilespmem:s6], [sflag:$0x1], $0x1, s7, s11, $0xb8;
	[tilespmem:$0x11800] =	vst v63  }
0x92: {  	_ = 	snop  }
0x93: {  	[hbm4b:s5+s11] =	stream.indirect.scatter [tilespmem:s12], [sflag:$0x1], $0x1, s1, s11, $0xb8;
	[tilespmem:$0x11800] =	vst v63  }
0x94: {  	_ = 	snop  }
0x95: {  	[hbm4b:s5+s11] =	stream.indirect.scatter [tilespmem:s14], [sflag:$0x1], $0x1, s13, s11, $0xb8;
	[tilespmem:$0x11800] =	vst v63  }
0x96: {  	_ = 	snop  }
0x97: {  	[hbm4b:s5+s11] =	stream.indirect.scatter [tilespmem:s16], [sflag:$0x1], $0x1, s15, s11, $0xb8;
	[tilespmem:$0x11800] =	vst v63  }
0x98: {  	_ = 	snop  }
0x99: {  	[hbm4b:s5+s11] =	stream.indirect.scatter [tilespmem:s18], [sflag:$0x1], $0x1, s17, s11, $0xb8;
	[tilespmem:$0x11800] =	vst v63  }
0x9a: {  	_ =	swait.ge [sflag:s19], $0x80  }
0x9b: {  	[sflag:s19] =	ssyncset.done $0x0  }
0x9c: {  	[sflag:s19] =	ssyncadd.s32 $0xFFFFFF80  }
0x9d: {  	_ =	swait.ge [sflag:s19], $0x80  }
0x9e: {  	[sflag:s19] =	ssyncset.done $0x0  }
0x9f: {  	[sflag:s19] =	ssyncadd.s32 $0xFFFFFF80  }
0xa0: {  	_ =	swait.ge [sflag:s19], $0x80  }
0xa1: {  	[sflag:s19] =	ssyncset.done $0x0  }
0xa2: {  	[sflag:s19] =	ssyncadd.s32 $0xFFFFFF80  }
0xa3: {  	_ =	swait.ge [sflag:s19], $0x80  }
0xa4: {  	[sflag:s19] =	ssyncset.done $0x0  }
0xa5: {  	[sflag:s19] =	ssyncadd.s32 $0xFFFFFF80  }
0xa6: {  	_ =	swait.ge [sflag:s19], $0x80  }
0xa7: {  	[sflag:s19] =	ssyncset.done $0x0  }
0xa8: {  	[sflag:s19] =	ssyncadd.s32 $0xFFFFFF80  }
0xa9: {  	_ =	swait.ge [sflag:s19], $0x80  }
0xaa: {  	[sflag:s19] =	ssyncset.done $0x0  }
0xab: {  	[sflag:s19] =	ssyncadd.s32 $0xFFFFFF80  }
0xac: {  	_ =	swait.ge [sflag:s19], $0x80  }
0xad: {  	[sflag:s19] =	ssyncset.done $0x0  }
0xae: {  	[sflag:s19] =	ssyncadd.s32 $0xFFFFFF80  }
0xaf: {  	_ =	swait.ge [sflag:s19], $0x80  }
0xb0: {  	[sflag:s19] =	ssyncset.done $0x0  }
0xb1: {  	[sflag:s19] =	ssyncadd.s32 $0xFFFFFF80  }
0xb2: {  	_ =	swait.ge [sflag:s19], $0x80  }
0xb3: {  	[sflag:s19] =	ssyncset.done $0x0  }
0xb4: {  	[sflag:s19] =	ssyncadd.s32 $0xFFFFFF80  }
0xb5: {  	_ =	swait.ge [sflag:s19], $0x80  }
0xb6: {  	[sflag:s19] =	ssyncset.done $0x0  }
0xb7: {  	[sflag:s19] =	ssyncadd.s32 $0xFFFFFF80  }
0xb8: {  	_ =	swait.ge [sflag:s19], $0x80  }
0xb9: {  	[sflag:s19] =	ssyncset.done $0x0  }
0xba: {  	[sflag:s19] =	ssyncadd.s32 $0xFFFFFF80  }
0xbb: {  	_ =	swait.ge [sflag:s19], $0x80  }
0xbc: {  	[sflag:s19] =	ssyncset.done $0x0  }
0xbd: {  	[sflag:s19] =	ssyncadd.s32 $0xFFFFFF80  }
0xbe: {  	_ =	swait.ge [sflag:s19], $0x80  }
0xbf: {  	[sflag:s19] =	ssyncset.done $0x0  }
0xc0: {  	[sflag:s19] =	ssyncadd.s32 $0xFFFFFF80  }
0xc1: {  	_ =	swait.ge [sflag:s19], $0x80  }
0xc2: {  	[sflag:s19] =	ssyncset.done $0x0  }
0xc3: {  	s21 =	sadd.s32 $0x1, s21;
	[sflag:s19] =	ssyncadd.s32 $0xFFFFFF80  }
0xc4: {  	p0 =	sne.s32 s21, $0x31;
	_ =	swait.ge [sflag:s19], $0x80  }
.Ltmp5:
0xc5: {  	[sflag:s19] =	ssyncset.done $0x0;
	(pc) =	sbr.rel @p0 .LBB2_11-.Ltmp5, $4  }
0xc6: {  	[sflag:s19] =	ssyncadd.s32 $0xFFFFFF80  }
0xc7: {  	_ =	swait.ge [sflag:s19], $0x80  }
0xc8: {  	[sflag:s19] =	ssyncset.done $0x0  }
0xc9: {  	[sflag:s19] =	ssyncadd.s32 $0xFFFFFF80  }
0xca: {  	s22 =	rddreg [dreg:$0x5]  }
0xcb: {  	s22 =	sadd.s32 $0x1, s22  }
0xcc: {  	p0 =	sne.s32 s22, $0x4  }
.Ltmp6:
0xcd: {  	_ = 	snop;
	(pc) =	sbr.rel @p0 .LBB2_2-.Ltmp6, $2  }
0xce: {  	_ =	sdelay $0x2  }
0xcf: {  	s24 =	simm.s32 $0x0  }
0xd0: {  	s21 =	rddreg [dreg:$0x4]  }
0xd1: {  	s20 =	rddreg [dreg:$0x3];
	s21 =	sadd.s32 $0x1, s21  }
0xd2: {  	p0 =	sne.s32 s21, s20  }
.Ltmp7:
0xd3: {  	_ = 	snop;
	(pc) =	sbr.rel @p0 .LBB2_1-.Ltmp7, $1  }
0xd4: {  	_ =	sdelay $0x3  }
0xd5: {  	_ =	sfence.sel $0x180000  }
0xd6: {  	[bflag:$0x0] =	sbarrier.arrive $0xFFFF  }
0xd7: {  	_ =	strace $0x9000004A  }
0xd8: {  	s0 =	stileid.u32;
	[bflag:$0x2] =	sbarrier.arrive $0xFFFF  }
0xd9: {  	p0 =	sne.s32 s0, $0x0;
	s0 =	rddreg [dreg:$0x1]  }
0xda: {  	s0 =	sadd.s32 @!p0 $0x100000, s0  }
0xdb: {  	[sflag:s0] =	ssyncadd.tile.s32 @!p0 $0x1;
	_ =	shalt  }
.Lfunc_end2:
_tile_overlayer_lowered:
.L_overlay_start_2:
0xdc: {  	(tag) =	ssettag $0x2  }
0xdd: {  	s0 =	rddreg [dreg:$0x0];
	s2 =	stileid.u32  }
0xde: {  	s1 =	rddreg [dreg:$0x1];
	p0 =	sne.s32 s2, $0x0  }
0xdf: {  	s3 =	rddreg [dreg:$0x2];
	[bflag:$0x3] =	sbarrier.arrive $0xFFFF;
	s2 =	simm.s32 @!p0 $0x1C02  }
0xe0: {  	[timem:s3], [sflag:s2] =	dma.local @!p0 [hbm:s0], s1  }
0xe1: {  	s0 =	simm.s32 @!p0 $0x2  }
0xe2: {  	_ =	swait.ge @!p0 [sflag:s0], s1  }
0xe3: {  	s1 =	ssub.s32 @!p0 $0x0, s1;
	[sflag:s0] =	ssyncset.done @!p0 $0x0  }
0xe4: {  	[sflag:s0] =	ssyncadd.s32 @!p0 s1  }
0xe5: {  	[bflag:$0x3] =	sbarrier.arrive $0xFFFF  }
0xe6: {  	_ =	shalt  }

// kernel: sparse-core-data-format-call.cloned.1.call-start
scs
called_computation_lowered:
.L_overlay_start_0:
0x0: {  	s2 =	sld [smem:$0x3FD9]  }
0x1: {  	s3 =	sld [smem:$0x3FFE];
	_ =	sdelay $0x1  }
0x2: {  	s1 =	srdreg.scid  }
0x3: {  	s0 =	sand.u32 $0x1, s1  }
0x4: {  	s18 =	sshll.u32 s0, $0xA;
	s2 =	sadd.s32 s3, s2  }
0x5: {  	s2 =	sadd.s32 s2, s18  }
0x6: {  	[smem:$0x3FC7] =	sst s2  }
0x7: {  	_ = 	snop  }
0x8: {  	s2 =	sld [smem:$0x3FD0];
	(tm) =	ssettm $0x1  }
0x9: {  	s19 =	sld [smem:$0x3FFB];
	_ =	sdelay $0x3  }
0xa: {  	_ =	strace s19  }
0xb: {  	s3 =	sld [smem:$0x3FFC];
	_ =	sdelay $0x3  }
0xc: {  	_ =	strace s3  }
0xd: {  	s3 =	sld [smem:$0x3FFD];
	_ =	sdelay $0x3  }
0xe: {  	_ =	strace s3  }
0xf: {  	_ =	strace $0x8FFFFFFF  }
0x10: {  	s20 =	sld [smem:$0x3FDB];
	_ =	sdelay $0x1  }
0x11: {  	s4 =	simm.s32 $_scs_section_size  }
0x12: {  	s5 =	simm.s32 $_size__tile_overlayer_lowered;
	s6 =	simm.s32 $_tile_overlayer_lowered  }
0x13: {  	s23 =	simm.s32 $0x1BFF;
	s22 =	sshll.u32 s6, $0x1;
	s3 =	sadd.s32 s4, s20  }
0x14: {  	s7 =	simm.s32 $0x0;
	s21 =	sshll.u32 s5, $0x1;
	s5 =	sadd.s32 s22, s3  }
0x15: {  	[timem:s7], [sflag:s23] =	dma.local [hbm:s5], s21  }
0x16: {  	_ =	swait.ge [sflag:s23], s21  }
0x17: {  	s4 =	ssub.s32 $0x0, s21;
	[sflag:s23] =	ssyncset.done $0x0  }
0x18: {  	[sflag:s23] =	ssyncadd.s32 s4;
	_ =	sdelay $0x1  }
0x19: {  	s24 =	simm.s32 $0x1B8B  }
0x1a: {  	_ =	swait.ge [sflag:s24], $0x1  }
0x1b: {  	[sflag:s24] =	ssyncset.done $0x0  }
0x1c: {  	s26 =	simm.s32 $0x1B8E;
	s25 =	sld [smem:$0x3FFE];
	[sflag:s24] =	ssyncadd.s32 $0xFFFFFFFF  }
0x1d: {  	s27 =	simm.s32 $execute0_lowered;
	[smem:$0x3FD2] =	sst s26  }
0x1e: {  	s5 =	sshll.u32 s27, $0x1;
	_ =	strace $0x8000004C;
	[dreg:$0x1] =	wrdreg $0xFFFFFFFF  }
0x1f: {  	s28 =	simm.s32 $_size_execute0_lowered;
	s3 =	sadd.s32 s3, s5;
	[dreg:$0x0] =	wrdreg $0x0  }
0x20: {  	s5 =	sshll.u32 s28, $0x1;
	[dreg:$0x2] =	wrdreg s3  }
0x21: {  	[dreg:$0x3] =	wrdreg s5  }
0x22: {  	[dreg:$0x4] =	wrdreg $0xC0  }
0x23: {  	_ =	task [dreg:s7], $0x5FFFF  }
0x24: {  	[dreg:$0x1] =	wrdreg $0xFFFFFFFF  }
0x25: {  	[dreg:$0x0] =	wrdreg $0x60  }
0x26: {  	[dreg:$0x2] =	wrdreg s25  }
0x27: {  	[dreg:$0x3] =	wrdreg s2  }
0x28: {  	[dreg:$0x4] =	wrdreg $0x9  }
0x29: {  	_ =	task.clear_ibuf [dreg:s7], $0x5FFFF;
	_ =	strace $0x9000004C  }
0x2a: {  	s29 =	simm.s32 $0x9;
	_ =	strace $0x8000004E  }
0x2b: {  	_ =	swait.ge [sflag:s29], $0x1  }
0x2c: {  	[sflag:s29] =	ssyncadd.s32 $0xFFFFFFFF  }
0x2d: {  	_ =	strace $0x9000004E  }
0x2e: {  	_ =	sfence  }
0x2f: {  	s30 =	sld [smem:$0x0];
	_ =	sdelay $0x2  }
0x30: {  	s31 =	sshll.u32 s1, $0xD;
	s1 =	sshrl.u32 s1, $0x2  }
0x31: {  	s3 =	sand.u32 $0x4000, s31;
	s1 =	sadd.s32 s1, s30  }
0x32: {  	s0 =	sor.u32 s3, s0;
	s1 =	sshll.u32 s1, $0x11  }
0x33: {  	s0 =	sor.u32 s1, s0  }
0x34: {  	s0 =	sadd.s32 $0x8F2B, s0  }
0x35: {  	[sflag:s0] =	ssyncadd.remote.s32 $0x1  }
0x36: {  	_ =	sfence.sel $0xFFFF  }
0x37: {  	[dreg:$0x0] =	wrdreg $0xFFFFFFFF;
	(pc) =	sbr.abs _section_cstart, $3  }
0x38: {  	[dreg:$0x1] =	wrdreg $0xFFFFFFFF  }
0x39: {  	_ =	task.clear_ibuf [dreg:s7], $0x2FFFF;
	_ =	strace $0x9FFFFFFF  }
0x3a: {  	(tm) =	ssettm $0x7FFFFFFF  }
0x3b: {  	_ =	shalt  }
tec
execute0_lowered:
.L_overlay_start_1:
0x0: {  	(tag) =	ssettag $0x1  }
0x1: {  	s4 =	rddreg [dreg:$0x0]  }
0x2: {  	s0 =	srdreg.scid;
	s2 =	rddreg [dreg:$0x1]  }
0x3: {  	s1 =	stileid.u32;
	s5 =	simm.s32 $0x1;
	s7 =	simm.s32 $0x2  }
0x4: {  	s14 =	simm.s32 $0x0;
	p0 =	por $0x0, $0x0;
	s0 =	sshll.u32 s0, $0x4  }
0x5: {  	s13 =	simm.s32 $0x0;
	s8 =	simm.s32 $0x0;
	s3 =	sand.u32 $0x10, s0  }
.Ltmp0:
0x6: {  	s9 =	simm.s32 $0x0;
	s3 =	sor.u32 s1, s3;
	(pc) =	sbr.rel .LBB1_1-.Ltmp0, $4  }
0x7: {  	s11 =	simm.s32 $0x0;
	s12 =	simm.s32 $0x0;
	s3 =	sshll.u32 s3, $0x7  }
0x8: {  	s0 =	rddreg [dreg:$0x2];
	_ =	strace $0x8000004D;
	s6 =	ssub.s32 $0x18680, s3  }
0x9: {  	s4 =	sadd.s32 $0x189000, s4;
	[sflag:s5] =	ssyncpa.u1 $0x0;
	s6 =	sshrl.u32 s6, $0xC  }
0xa: {  	[sflag:s7] =	ssyncpa.u1 $0x0;
	s10 =	smov.u32 s3;
	s7 =	sadd.s32 $0x2, s6  }
.LBB1_5:
0xb: {  	p1 =	slt.u32 s12, $0x2  }
0xc: {  	p2 =	sgt.s32 @!p1 s14, $0x18620  }
0xd: {  	s15 =	smov.u32 s14;
	s16 =	sshra.s32 @!p1 s14, $0x1F;
	p2 =	por !p2, p1  }
0xe: {  	s14 =	sand.u32 @!p1 s16, s14;
	s15 =	simm.s32 @p2 $0x18620  }
0xf: {  	s14 =	ssub.s32 @!p1 s15, s14;
	s15 =	ssub.s32 @!p1 $0x0, s13  }
0x10: {  	s17 =	smov.u32 s11;
	s16 =	sadd.s32 @!p1 $0xFFFE79E0, s14;
	s13 =	smin.u32 @!p1 s13, s15  }
0x11: {  	s14 =	ssub.s32 @!p1 $0x186A0, s14;
	p2 =	sgt.s32 @!p1 s16, $0x7F;
	p3 =	sgt.s32 @!p1 s13, $0x7F  }
0x12: {  	s13 =	ssub.s32 @!p1 $0x80, s13;
	p2 =	por !p2, p1;
	p3 =	por !p3, p1  }
0x13: {  	s15 =	sadd.s32 $0x1000, s10;
	s14 =	simm.s32 @!p2 $0x0;
	s13 =	simm.s32 @!p3 $0x0  }
0x14: {  	p2 =	sgt.s32 s15, $0x1869F;
	s13 =	smul.u32 @!p1 s13, s14;
	s14 =	sadd.s32 $0x80, s11  }
0x15: {  	s17 =	smov.u32 @p2 s14  }
0x16: {  	s15 =	smov.u32 @p2 s3;
	p2 =	sgt.s32 s17, $0x7F  }
0x17: {  	s17 =	simm.s32 @p2 $0x0;
	p2 =	sne.s32 s12, s7  }
.Ltmp1:
0x18: {  	p0 =	por !p0, !p0;
	s16 =	simm.s32 @!p1 $0x2;
	(pc) =	sbr.rel @!p2 .LBB1_6-.Ltmp1, $4  }
0x19: {  	s14 =	smov.u32 s8;
	s8 =	smov.u32 s10;
	s13 =	sand.u32 @!p1 $0x3FFFFFFF, s13  }
0x1a: {  	s10 =	smov.u32 s15;
	_ =	swait.ge @!p1 [sflag:s16], s13;
	s18 =	ssub.s32 @!p1 $0x0, s13  }
0x1b: {  	s13 =	smov.u32 s9;
	s12 =	sadd.s32 $0x1, s12;
	[sflag:s16] =	ssyncset.done @!p1 $0x0  }
0x1c: {  	s9 =	smov.u32 s11;
	s11 =	smov.u32 s17;
	[sflag:s16] =	ssyncadd.s32 @!p1 s18  }
.LBB1_1:
0x1d: {  	p1 =	sgt.u32 s12, s6  }
0x1e: {  	s15 =	sshrl.u32 @!p1 s11, $0x3  }
0x1f: {  	s16 =	sshll.u32 @!p1 s10, $0x3;
	s15 =	smul.u32 @!p1 $0xC3800, s15  }
0x20: {  	s17 =	sshll.u32 @!p1 s11, $0x7;
	s16 =	sand.u32 @!p1 $0xFFFFFC00, s16  }
0x21: {  	s15 =	sadd.s32 @!p1 s15, s16;
	s16 =	sand.u32 @!p1 $0x380, s17  }
0x22: {  	s17 =	sand.u32 @!p1 $0x7F, s10;
	s15 =	sor.u32 @!p1 s16, s15  }
0x23: {  	s16 =	sor.u32 @!p1 s17, s15  }
0x24: {  	s17 =	smulhi.u32 @!p1 $0xA79C7B17, s16;
	_ =	sdelay $0x1  }
0x25: {  	s15 =	smulhi.u32 @!p1 $0xA79C7B17, s15;
	s17 =	sshrl.u32 @!p1 s17, $0x10  }
0x26: {  	s17 =	smul.u32 @!p1 $0x18700, s17  }
0x27: {  	s18 =	sxor.u32 @!p1 $0xFFFFFFFF, s12;
	s15 =	sshrl.u32 @!p1 s15, $0x10  }
0x28: {  	s18 =	sshll.u32 @!p1 s18, $0xE;
	s15 =	sand.u32 @!p1 $0x7F, s15;
	s16 =	ssub.s32 @!p1 s16, s17  }
0x29: {  	s15 =	smul.u32 @!p1 $0x30E0, s15;
	s17 =	sshrl.u32 @!p1 s16, $0x3;
	s16 =	sand.u32 @!p1 $0x7, s16  }
0x2a: {  	s18 =	sand.u32 @!p1 $0x4000, s18;
	s17 =	sadd.s32 @!p1 s4, s17;
	s16 =	sshll.u32 @!p1 s16, $0x12  }
0x2b: {  	s15 =	sadd.s32 @!p1 s15, s17;
	s16 =	sor.u32 @!p1 $0x400, s16;
	s17 =	simm.s32 @!p1 $0xC3800  }
0x2c: {  	[tilespmem:s18], [sflag:$0x1] =	stream.strided.gather @!p1 [hbm4b:s15+s16], $0x4000, s17, s16, $0x38;
	[tilespmem:$0x10100] =	vst v63  }
0x2d: {  	p1 =	seq.s32 s12, $0x0  }
0x2e: {  	p2 =	sge.u32 @!p1 s12, s7  }
0x2f: {  	p1 =	por p1, p2  }
.Ltmp2:
0x30: {  	_ = 	snop;
	(pc) =	sbr.rel @p1 .LBB1_5-.Ltmp2, $1  }
0x31: {  	_ =	sdelay $0x3  }
0x32: {  	s15 =	simm.s32 $0x1  }
0x33: {  	_ =	swait.ge [sflag:s5], $0x4000;
	s15 =	simm.s32 @!p0 $0x0  }
0x34: {  	[sflag:s5] =	ssyncset.done $0x0;
	s16 =	sshll.u32 s15, $0xE  }
0x35: {  	[sflag:s5] =	ssyncadd.s32 $0xFFFFC000;
	s16 =	sor.u32 $0x40, s16  }
0x36: {  	s15 =	smul.u32 $0x10200, s15;
	v0 =	vld [tilespmem:s16+$0x30]  }
0x37: {  	v1 =	vld [tilespmem:s16+$0xFFFFFFD0]  }
0x38: {  	s15 =	sshrl.u32 s15, $0x2;
	v5 =	vld [tilespmem:s16+$0xFFFFFFE0]  }
0x39: {  	v6 =	vld [tilespmem:s16+$0xFFFFFFF0];
	s18 =	sor.u32 $0x8000, s15  }
0x3a: {  	s31 =	sand.u32 $0x1, s12;
	v4 =	vld [tilespmem:s16+$0x0];
	s17 =	sadd.s32 $0x0, s18  }
0x3b: {  	v3 =	vld [tilespmem:s16+$0x10];
	s15 =	smul.u32 $0x10200, s31;
	[tilespmem:s17+$0x3870 ss:$0x81] =	vst.msk $0xffff, v0  }
0x3c: {  	v2 =	vld [tilespmem:s16+$0x20];
	[tilespmem:s17+$0x810 ss:$0x81] =	vst.msk $0xffff, v1  }
0x3d: {  	s15 =	sshrl.u32 s15, $0x2;
	v0 =	vld [tilespmem:s16+$0xFFFFFFC0];
	[tilespmem:s17+$0x1020 ss:$0x81] =	vst.msk $0xffff, v5;
	s16 =	sadd.s32 $0x80, s16  }
0x3e: {  	s19 =	simm.s32 $0x4;
	s20 =	simm.s32 $0x8;
	s15 =	sor.u32 $0x8000, s15;
	[tilespmem:s17+$0x1830 ss:$0x81] =	vst.msk $0xffff, v6;
	v1 =	vld [tilespmem:s16+$0x30]  }
.LBB1_3:
0x3f: {  	p1 =	sne.s32 s20, $0x1FC;
	v5 =	vld [tilespmem:s16+$0xFFFFFFD0];
	[tilespmem:s17+$0x2040 ss:$0x81] =	vst.msk $0xffff, v4  }
0x40: {  	v6 =	vld [tilespmem:s16+$0xFFFFFFE0];
	[tilespmem:s17+$0x2850 ss:$0x81] =	vst.msk $0xffff, v3  }
0x41: {  	s21 =	sshra.s32 s19, $0x2;
	s19 =	smov.u32 s20;
	v7 =	vld [tilespmem:s16+$0xFFFFFFF0];
	[tilespmem:s17+$0x3060 ss:$0x81] =	vst.msk $0xffff, v2  }
.Ltmp3:
0x42: {  	v4 =	vld [tilespmem:s16+$0x0];
	[tilespmem:s17+$0x0 ss:$0x81] =	vst.msk $0xffff, v0;
	s17 =	sadd.s32 s21, s18;
	(pc) =	sbr.rel @p1 .LBB1_3-.Ltmp3, $4  }
0x43: {  	v3 =	vld [tilespmem:s16+$0x10];
	[tilespmem:s17+$0x3870 ss:$0x81] =	vst.msk $0xffff, v1  }
0x44: {  	[tilespmem:s17+$0x810 ss:$0x81] =	vst.msk $0xffff, v5;
	v2 =	vld [tilespmem:s16+$0x20]  }
0x45: {  	v0 =	vld [tilespmem:s16+$0xFFFFFFC0];
	[tilespmem:s17+$0x1020 ss:$0x81] =	vst.msk $0xffff, v6;
	s16 =	sadd.s32 $0x80, s16  }
0x46: {  	s20 =	sadd.s32 $0x4, s20;
	v1 =	vld [tilespmem:s16+$0x30];
	[tilespmem:s17+$0x1830 ss:$0x81] =	vst.msk $0xffff, v7  }
0x47: {  	s20 =	sshll.u32 s8, $0x7;
	s21 =	sshll.u32 s9, $0x3;
	s19 =	sshra.s32 s19, $0x2  }
0x48: {  	v5 =	vld [tilespmem:s16+$0xFFFFFFD0];
	[tilespmem:s17+$0x2040 ss:$0x81] =	vst.msk $0xffff, v4;
	p1 =	sgt.s32 s8, $0x18620;
	s22 =	sand.u32 $0xFFFFFC00, s20;
	s21 =	sand.u32 $0xFFFFFC00, s21  }
0x49: {  	v58 =	vld [tilespmem:s16+$0xFFFFFFE0];
	s24 =	sshra.s32 s8, $0x1F;
	s20 =	sand.u32 $0x380, s20;
	[tilespmem:s17+$0x2850 ss:$0x81] =	vst.msk $0xffff, v3;
	s21 =	sadd.s32 s21, s22  }
0x4a: {  	v59 =	vld [tilespmem:s16+$0xFFFFFFF0];
	s26 =	ssub.s32 $0x0, s9;
	s18 =	sadd.s32 s19, s18;
	[tilespmem:s17+$0x3060 ss:$0x81] =	vst.msk $0xffff, v2;
	s23 =	sor.u32 s20, s21  }
0x4b: {  	v60 =	vld [tilespmem:s16+$0x0];
	s28 =	smin.u32 s9, s26;
	s20 =	smov.u32 s8;
	[tilespmem:s17+$0x0 ss:$0x81] =	vst.msk $0xffff, v0;
	s19 =	sshrl.u32 s23, $0x7  }
0x4c: {  	v61 =	vld [tilespmem:s16+$0x10];
	s21 =	sand.u32 s24, s8;
	s20 =	simm.s32 @!p1 $0x18620;
	[tilespmem:s18+$0x3870 ss:$0x81] =	vst.msk $0xffff, v1;
	s25 =	smulhi.u32 $0x14F8B59, s19  }
0x4d: {  	v62 =	vld [tilespmem:s16+$0x20];
	s29 =	sshrl.u32 s9, $0x3;
	p2 =	sgt.s32 s28, $0x7F;
	s20 =	ssub.s32 s20, s21;
	[tilespmem:s18+$0x810 ss:$0x81] =	vst.msk $0xffff, v5  }
0x4e: {  	v63 =	vld [tilespmem:s16+$0xFFFFFFC0];
	[tilespmem:s18+$0x1020 ss:$0x81] =	vst.msk $0xffff, v58;
	s21 =	sadd.s32 $0xFFFE79E0, s20;
	s20 =	ssub.s32 $0x186A0, s20;
	s17 =	sshrl.u32 s25, $0x9  }
0x4f: {  	[tilespmem:s18+$0x1830 ss:$0x81] =	vst.msk $0xffff, v59;
	p1 =	sgt.s32 s21, $0x7F;
	s27 =	smul.u32 $0x186A0, s17;
	s17 =	ssub.s32 $0x80, s28  }
.Ltmp4:
0x50: {  	[tilespmem:s18+$0x2040 ss:$0x81] =	vst.msk $0xffff, v60;
	s20 =	simm.s32 @p1 $0x0;
	s17 =	simm.s32 @p2 $0x0;
	(pc) =	sbr.rel .LBB1_5-.Ltmp4, $4  }
0x51: {  	s30 =	sand.u32 $0xF, s29;
	[tilespmem:s18+$0x2850 ss:$0x81] =	vst.msk $0xffff, v61;
	s16 =	ssub.s32 s19, s27;
	s17 =	smul.u32 s17, s20  }
0x52: {  	[tilespmem:s18+$0x3060 ss:$0x81] =	vst.msk $0xffff, v62;
	s19 =	sadd.s32 s2, s30;
	s16 =	sshll.u32 s16, $0x4  }
0x53: {  	s31 =	sand.u32 $0x7, s9;
	[tilespmem:s18+$0x0 ss:$0x81] =	vst.msk $0xffff, v63;
	s17 =	sand.u32 $0x3FFFFFFF, s17;
	s16 =	sadd.s32 s16, s19  }
0x54: {  	[hbm4b:s16+s31] =	stream.linear.scatter [tilespmem:s15], [sflag:$0x2], s17, $0x20;
	[tilespmem:$0x10100] =	vst v63  }
.LBB1_6:
0x55: {  	_ =	sfence.sel $0x180000  }
0x56: {  	s2 =	simm.s32 $0x1;
	[bflag:$0x0] =	sbarrier.arrive $0xFFFF  }
0x57: {  	s31 =	simm.s32 $0x2;
	[sflag:s2] =	ssyncpa.u1 $0x1  }
0x58: {  	[sflag:s31] =	ssyncpa.u1 $0x1  }
0x59: {  	p0 =	sne.s32 s1, $0x0;
	_ =	strace $0x9000004D  }
0x5a: {  	s0 =	sadd.s32 @!p0 $0x100000, s0;
	[bflag:$0x2] =	sbarrier.arrive $0xFFFF  }
0x5b: {  	[sflag:s0] =	ssyncadd.tile.s32 @!p0 $0x1;
	_ =	shalt  }
.Lfunc_end1:
_tile_overlayer_lowered:
.L_overlay_start_2:
0x5c: {  	(tag) =	ssettag $0x2  }
0x5d: {  	s0 =	rddreg [dreg:$0x0];
	s2 =	stileid.u32  }
0x5e: {  	s1 =	rddreg [dreg:$0x1];
	p0 =	sne.s32 s2, $0x0  }
0x5f: {  	s3 =	rddreg [dreg:$0x2];
	[bflag:$0x3] =	sbarrier.arrive $0xFFFF;
	s2 =	simm.s32 @!p0 $0x1C01  }
0x60: {  	[timem:s3], [sflag:s2] =	dma.local @!p0 [hbm:s0], s1  }
0x61: {  	s0 =	simm.s32 @!p0 $0x1  }
0x62: {  	_ =	swait.ge @!p0 [sflag:s0], s1  }
0x63: {  	s1 =	ssub.s32 @!p0 $0x0, s1;
	[sflag:s0] =	ssyncset.done @!p0 $0x0  }
0x64: {  	[sflag:s0] =	ssyncadd.s32 @!p0 s1  }
0x65: {  	[bflag:$0x3] =	sbarrier.arrive $0xFFFF  }
0x66: {  	_ =	shalt  }

</sc_bundles>
